<compile_context>
chip_gen: v7x
topology: tpu7x:2x2x1
jax: 0.10.2.dev20260603
libtpu: 0.0.44.dev20260713+nightly
codegen_flags: <defaults>
</compile_context>

<pallas_src>
import functools

import jax
import jax.lax as lax
import jax.numpy as jnp
from jax.experimental import pallas as pl
from jax.experimental.pallas import tpu as pltpu
from jax.experimental.pallas import tpu_sc as plsc

B, T, D = 4096, 200, 64
TD = T * D
NW = 32
GROUP = 8
GPW = TD // (GROUP * NW)
ROWS_W = GPW * GROUP
SUPER = 6

_mesh = plsc.VectorSubcoreMesh(core_axis_name="c", subcore_axis_name="s")


def _sc_body(x_hbm, t_hbm, o_hbm, tblv, b0, b1, b2,
             is0, is1, is2, os0, os1, os2, tsem):
    bufs = (b0, b1, b2)
    isems = (is0, is1, is2)
    osems = (os0, os1, os2)
    wid = lax.axis_index("s") * 2 + lax.axis_index("c")
    r0 = wid * ROWS_W
    pltpu.async_copy(t_hbm.at[pl.ds(r0, ROWS_W)], tblv, tsem).wait()

    def scale_body(i, _):
        sl = pl.ds(i * 16, 16)
        tblv[sl] = tblv[sl] * jnp.float32(D ** 0.5)
        return 0

    lax.fori_loop(0, ROWS_W // 16, scale_body, 0)

    def start_in(p, row):
        pltpu.async_copy(x_hbm.at[pl.ds(row, GROUP), :], bufs[p], isems[p])

    def wait_in(p):
        pltpu.make_async_copy(
            x_hbm.at[pl.ds(0, GROUP), :], bufs[p], isems[p]).wait()

    def start_out(p, row):
        pltpu.async_copy(bufs[p], o_hbm.at[pl.ds(row, GROUP), :], osems[p])

    def wait_out(p):
        pltpu.make_async_copy(
            bufs[p], o_hbm.at[pl.ds(0, GROUP), :], osems[p]).wait()

    def compute(p, v16, half):
        buf = bufs[p]
        vecs = [
            jnp.full((16,), v16[half * GROUP + r], jnp.float32)
            for r in range(GROUP)
        ]

        @plsc.parallel_loop(0, B // 16, 1, unroll=8)
        def cc_body(cc):
            sl = pl.ds(cc * 16, 16)
            for r in range(GROUP):
                buf[r, sl] = buf[r, sl] + vecs[r]

    start_in(0, r0)
    start_in(1, r0 + GROUP)

    def super_body(i, _):
        gbase = i * SUPER
        for j in range(SUPER):
            p = j % 3
            pm1 = (j + 2) % 3
            row = r0 + (gbase + j) * GROUP
            wait_in(p)
            if j % 2 == 0:
                v16 = tblv[pl.ds((gbase + j) * GROUP, 16)]
            compute(p, v16, j % 2)
            if j == 0:
                @pl.when(i > 0)
                def _():
                    wait_out(pm1)
            else:
                wait_out(pm1)
            start_out(p, row)
            start_in(pm1, row + 2 * GROUP)
        return 0

    nsuper = (GPW - 2) // SUPER
    lax.fori_loop(0, nsuper, super_body, 0)

    for g in range(nsuper * SUPER, GPW):
        p = g % 3
        row = r0 + g * GROUP
        wait_in(p)
        if g % 2 == 0:
            v16t = tblv[pl.ds(g * GROUP, 16)]
        compute(p, v16t, g % 2)
        if g >= 1:
            wait_out((g + 2) % 3)
        start_out(p, row)
        if g + 2 < GPW:
            start_in((g + 2) % 3, row + 2 * GROUP)
    wait_out((GPW - 1) % 3)


_sc_call = functools.partial(
    pl.kernel,
    out_type=jax.ShapeDtypeStruct((TD, B), jnp.float32),
    mesh=_mesh,
    scratch_types=[
        pltpu.VMEM((ROWS_W,), jnp.float32),
        pltpu.VMEM((GROUP, B), jnp.float32),
        pltpu.VMEM((GROUP, B), jnp.float32),
        pltpu.VMEM((GROUP, B), jnp.float32),
        pltpu.SemaphoreType.DMA,
        pltpu.SemaphoreType.DMA,
        pltpu.SemaphoreType.DMA,
        pltpu.SemaphoreType.DMA,
        pltpu.SemaphoreType.DMA,
        pltpu.SemaphoreType.DMA,
        pltpu.SemaphoreType.DMA,
    ],
)(_sc_body)


def kernel(inputs, lookup_table):
    xt = jnp.transpose(inputs, (1, 2, 0)).reshape(TD, B)
    tbl = lookup_table.reshape(TD)
    out = _sc_call(xt, tbl)
    return jnp.transpose(out.reshape(T, D, B), (2, 0, 1))

# --- scband reference (transcript-rebuilt; emitter-appended) ---
"""Pipeline reference for scband-position-encoding-83494164234741 (READ-ONLY COPY).

The authoritative reference and input builder live on the scoring server;
editing this copy changes nothing except your own understanding.
"""

import jax, jax.numpy as jnp
import numpy as np

B, T, D = 4096, 200, 64
MAX_LEN = 200

def _sin_cos_table(max_len, num_units):
    position_enc = np.array([[pos / np.power(10000, 2.0 * (i // 2) / num_units) for i in range(num_units)] for pos in range(max_len)])
    position_enc[:, 0::2] = np.sin(position_enc[:, 0::2])
    position_enc[:, 1::2] = np.cos(position_enc[:, 1::2])
    return jnp.asarray(position_enc, dtype=jnp.float32)

def setup_inputs(seed: int = 0) -> dict:
    key = jax.random.key(seed)
    k1, = jax.random.split(key, 1)
    inputs = jax.random.normal(k1, (B, T, D), dtype=jnp.float32)
    lookup_table = _sin_cos_table(MAX_LEN, D)
    return {"inputs": inputs, "lookup_table": lookup_table}

def reference(inputs, lookup_table):
    _, t, num_units = inputs.shape
    position_ind = jnp.arange(t)[None, :]  # [1, T]
    outputs = jnp.take(lookup_table, position_ind, axis=0)  # [1, T, D]
    outputs = outputs * (num_units ** 0.5)  # scale=True
    return outputs + inputs

if __name__ == "__main__":
    import jax
    _d = setup_inputs()
    print(jax.jit(kernel)(*tuple(_d.values())))

</pallas_src>

<mosaic_0001>
#map = affine_map<(d0, d1) -> (0, 0)>
#map1 = affine_map<(d0, d1) -> (0)>
module attributes {stable_mosaic.version = 14 : i64} {
  func.func @_sc_body(%arg0: i32, %arg1: i32, %arg2: memref<12800x4096xf32, #tpu.memory_space<hbm>>, %arg3: memref<12800xf32, #tpu.memory_space<hbm>>, %arg4: memref<12800x4096xf32, #tpu.memory_space<hbm>>, %arg5: memref<400xf32, #tpu.memory_space<vmem>>, %arg6: memref<8x4096xf32, #tpu.memory_space<vmem>>, %arg7: memref<8x4096xf32, #tpu.memory_space<vmem>>, %arg8: memref<8x4096xf32, #tpu.memory_space<vmem>>, %arg9: memref<!tpu.dma_semaphore, #tpu.memory_space<semaphore_mem>>, %arg10: memref<!tpu.dma_semaphore, #tpu.memory_space<semaphore_mem>>, %arg11: memref<!tpu.dma_semaphore, #tpu.memory_space<semaphore_mem>>, %arg12: memref<!tpu.dma_semaphore, #tpu.memory_space<semaphore_mem>>, %arg13: memref<!tpu.dma_semaphore, #tpu.memory_space<semaphore_mem>>, %arg14: memref<!tpu.dma_semaphore, #tpu.memory_space<semaphore_mem>>, %arg15: memref<!tpu.dma_semaphore, #tpu.memory_space<semaphore_mem>>) attributes {dimension_semantics = [#tpu.dimension_semantics<core_parallel>, #tpu.dimension_semantics<subcore_parallel>], iteration_bounds = array<i64: 2, 16>, scalar_prefetch = 0 : i64, scratch_operands = 11 : i64, tpu.core_type = #tpu.core_type<sc_vector_subcore>, window_params = [{transform_indices = #map}, {transform_indices = #map1}, {transform_indices = #map}]} {
    %mul3A = arith.constant 2 : i32
    %mul3A_0 = arith.muli %arg1, %mul3A : i32
    %add3A = arith.addi %mul3A_0, %arg0 : i32
    %mul3A_1 = arith.constant 400 : i32
    %mul3A_2 = arith.muli %add3A, %mul3A_1 : i32
    %dma_start3A = tpu.memref_slice %arg3[%mul3A_2] : memref<12800xf32, #tpu.memory_space<hbm>> -> memref<400xf32, #tpu.memory_space<hbm>>
    %dma_start3A_3 = tpu.memref_slice %arg3[%mul3A_2] : memref<12800xf32, #tpu.memory_space<hbm>> -> memref<400xf32, #tpu.memory_space<hbm>>
    tpu.enqueue_dma source(%dma_start3A_3 : memref<400xf32, #tpu.memory_space<hbm>>) target(%arg5 : memref<400xf32, #tpu.memory_space<vmem>>) target_semaphore(%arg15 : memref<!tpu.dma_semaphore, #tpu.memory_space<semaphore_mem>>)
    %dma_wait3A = tpu.memref_slice %arg3[%mul3A_2] : memref<12800xf32, #tpu.memory_space<hbm>> -> memref<400xf32, #tpu.memory_space<hbm>>
    %dma_wait3A_4 = tpu.memref_slice %arg3[%mul3A_2] : memref<12800xf32, #tpu.memory_space<hbm>> -> memref<400xf32, #tpu.memory_space<hbm>>
    tpu.wait_dma2 semaphore(%arg15 : memref<!tpu.dma_semaphore, #tpu.memory_space<semaphore_mem>>) src(%dma_wait3A_4 : memref<400xf32, #tpu.memory_space<hbm>>) dst(%arg5 : memref<400xf32, #tpu.memory_space<vmem>>)
    %scan3A = arith.constant 0 : i32
    %scan3A_5 = arith.constant 0 : i32
    %scan3A_6 = arith.constant 25 : i32
    %scan3A_7 = arith.addi %scan3A_5, %scan3A_6 : i32
    %scan3A_8 = arith.constant 1 : i32
    %scan3A_9 = scf.for %scan3A_122 = %scan3A_5 to %scan3A_7 step %scan3A_8 iter_args(%scan3A_123 = %scan3A) -> (i32)  : i32 {
      %mul3A_124 = arith.constant 16 : i32
      %mul3A_125 = arith.muli %scan3A_122, %mul3A_124 : i32
      %get3A_126 = arith.index_cast %mul3A_125 : i32 to index
      %get3A_127 = tpu.vector_load %arg5[%get3A_126] {strides = array<i32>} : memref<400xf32, #tpu.memory_space<vmem>>, vector<16xf32>,
      %get3A_128 = vector.shape_cast %get3A_127 : vector<16xf32> to vector<16xf32>
      %mul3A_129 = arith.constant 8.000000e+00 : f32
      %mul3A_130 = vector.broadcast %mul3A_129 : f32 to vector<16xf32>
      %mul3A_131 = arith.mulf %get3A_128, %mul3A_130 : vector<16xf32>
      %swap3A = arith.index_cast %mul3A_125 : i32 to index
      %swap3A_132 = tpu.vector_load %arg5[%swap3A] {strides = array<i32>} : memref<400xf32, #tpu.memory_space<vmem>>, vector<16xf32>,
      %swap3A_133 = vector.shape_cast %swap3A_132 : vector<16xf32> to vector<16xf32>
      %swap3A_134 = vector.shape_cast %mul3A_131 : vector<16xf32> to vector<16xf32>
      tpu.vector_store %arg5[%swap3A], %swap3A_134 {strides = array<i32>} : memref<400xf32, #tpu.memory_space<vmem>>, vector<16xf32>,
      %scan3A_135 = arith.constant 0 : i32
      scf.yield %scan3A_135 : i32
    }
    %scan3A_10 = arith.constant 25 : i32
    %dma_start3A_11 = arith.constant 0 : i32
    %dma_start3A_12 = tpu.memref_slice %arg2[%mul3A_2, %dma_start3A_11] : memref<12800x4096xf32, #tpu.memory_space<hbm>> -> memref<8x4096xf32, #tpu.memory_space<hbm>>
    %dma_start3A_13 = arith.constant 0 : i32
    %dma_start3A_14 = tpu.memref_slice %arg2[%mul3A_2, %dma_start3A_13] : memref<12800x4096xf32, #tpu.memory_space<hbm>> -> memref<8x4096xf32, #tpu.memory_space<hbm>>
    tpu.enqueue_dma source(%dma_start3A_14 : memref<8x4096xf32, #tpu.memory_space<hbm>>) target(%arg6 : memref<8x4096xf32, #tpu.memory_space<vmem>>) target_semaphore(%arg9 : memref<!tpu.dma_semaphore, #tpu.memory_space<semaphore_mem>>)
    %add3A_15 = arith.constant 8 : i32
    %add3A_16 = arith.addi %mul3A_2, %add3A_15 : i32
    %dma_start3A_17 = arith.constant 0 : i32
    %dma_start3A_18 = tpu.memref_slice %arg2[%add3A_16, %dma_start3A_17] : memref<12800x4096xf32, #tpu.memory_space<hbm>> -> memref<8x4096xf32, #tpu.memory_space<hbm>>
    %dma_start3A_19 = arith.constant 0 : i32
    %dma_start3A_20 = tpu.memref_slice %arg2[%add3A_16, %dma_start3A_19] : memref<12800x4096xf32, #tpu.memory_space<hbm>> -> memref<8x4096xf32, #tpu.memory_space<hbm>>
    tpu.enqueue_dma source(%dma_start3A_20 : memref<8x4096xf32, #tpu.memory_space<hbm>>) target(%arg7 : memref<8x4096xf32, #tpu.memory_space<vmem>>) target_semaphore(%arg10 : memref<!tpu.dma_semaphore, #tpu.memory_space<semaphore_mem>>)
    %scan3A_21 = arith.constant 0 : i32
    %scan3A_22 = arith.constant 0 : i32
    %scan3A_23 = arith.constant 8 : i32
    %scan3A_24 = arith.addi %scan3A_22, %scan3A_23 : i32
    %scan3A_25 = arith.constant 1 : i32
    %scan3A_26 = scf.for %scan3A_122 = %scan3A_22 to %scan3A_24 step %scan3A_25 iter_args(%scan3A_123 = %scan3A_21) -> (i32)  : i32 {
      %mul3A_124 = arith.constant 6 : i32
      %mul3A_125 = arith.muli %scan3A_122, %mul3A_124 : i32
      %add3A_126 = arith.constant 0 : i32
      %add3A_127 = arith.addi %mul3A_125, %add3A_126 : i32
      %mul3A_128 = arith.constant 8 : i32
      %mul3A_129 = arith.muli %add3A_127, %mul3A_128 : i32
      %add3A_130 = arith.addi %mul3A_2, %mul3A_129 : i32
      %dma_wait3A_131 = arith.constant 0 : i32
      %dma_wait3A_132 = arith.constant 0 : i32
      %dma_wait3A_133 = tpu.memref_slice %arg2[%dma_wait3A_131, %dma_wait3A_132] : memref<12800x4096xf32, #tpu.memory_space<hbm>> -> memref<8x4096xf32, #tpu.memory_space<hbm>>
      %dma_wait3A_134 = arith.constant 0 : i32
      %dma_wait3A_135 = arith.constant 0 : i32
      %dma_wait3A_136 = tpu.memref_slice %arg2[%dma_wait3A_134, %dma_wait3A_135] : memref<12800x4096xf32, #tpu.memory_space<hbm>> -> memref<8x4096xf32, #tpu.memory_space<hbm>>
      tpu.wait_dma2 semaphore(%arg9 : memref<!tpu.dma_semaphore, #tpu.memory_space<semaphore_mem>>) src(%dma_wait3A_136 : memref<8x4096xf32, #tpu.memory_space<hbm>>) dst(%arg6 : memref<8x4096xf32, #tpu.memory_space<vmem>>)
      %add3A_137 = arith.constant 0 : i32
      %add3A_138 = arith.addi %mul3A_125, %add3A_137 : i32
      %mul3A_139 = arith.constant 8 : i32
      %mul3A_140 = arith.muli %add3A_138, %mul3A_139 : i32
      %get3A_141 = arith.index_cast %mul3A_140 : i32 to index
      %get3A_142 = tpu.vector_load %arg5[%get3A_141] {strides = array<i32>} : memref<400xf32, #tpu.memory_space<vmem>>, vector<16xf32>,
      %get3A_143 = vector.shape_cast %get3A_142 : vector<16xf32> to vector<16xf32>
      %slice3A_144 = vector.extract_strided_slice %get3A_143 {offsets = [0], sizes = [1], strides = [1]} : vector<16xf32> to vector<1xf32>
      %squeeze3A_145 = vector.extract %slice3A_144[0] : f32 from vector<1xf32>
      %broadcast_in_dim3A_146 = vector.broadcast %squeeze3A_145 : f32 to vector<16xf32>
      %slice3A_147 = vector.extract_strided_slice %get3A_143 {offsets = [1], sizes = [1], strides = [1]} : vector<16xf32> to vector<1xf32>
      %squeeze3A_148 = vector.extract %slice3A_147[0] : f32 from vector<1xf32>
      %broadcast_in_dim3A_149 = vector.broadcast %squeeze3A_148 : f32 to vector<16xf32>
      %slice3A_150 = vector.extract_strided_slice %get3A_143 {offsets = [2], sizes = [1], strides = [1]} : vector<16xf32> to vector<1xf32>
      %squeeze3A_151 = vector.extract %slice3A_150[0] : f32 from vector<1xf32>
      %broadcast_in_dim3A_152 = vector.broadcast %squeeze3A_151 : f32 to vector<16xf32>
      %slice3A_153 = vector.extract_strided_slice %get3A_143 {offsets = [3], sizes = [1], strides = [1]} : vector<16xf32> to vector<1xf32>
      %squeeze3A_154 = vector.extract %slice3A_153[0] : f32 from vector<1xf32>
      %broadcast_in_dim3A_155 = vector.broadcast %squeeze3A_154 : f32 to vector<16xf32>
      %slice3A_156 = vector.extract_strided_slice %get3A_143 {offsets = [4], sizes = [1], strides = [1]} : vector<16xf32> to vector<1xf32>
      %squeeze3A_157 = vector.extract %slice3A_156[0] : f32 from vector<1xf32>
      %broadcast_in_dim3A_158 = vector.broadcast %squeeze3A_157 : f32 to vector<16xf32>
      %slice3A_159 = vector.extract_strided_slice %get3A_143 {offsets = [5], sizes = [1], strides = [1]} : vector<16xf32> to vector<1xf32>
      %squeeze3A_160 = vector.extract %slice3A_159[0] : f32 from vector<1xf32>
      %broadcast_in_dim3A_161 = vector.broadcast %squeeze3A_160 : f32 to vector<16xf32>
      %slice3A_162 = vector.extract_strided_slice %get3A_143 {offsets = [6], sizes = [1], strides = [1]} : vector<16xf32> to vector<1xf32>
      %squeeze3A_163 = vector.extract %slice3A_162[0] : f32 from vector<1xf32>
      %broadcast_in_dim3A_164 = vector.broadcast %squeeze3A_163 : f32 to vector<16xf32>
      %slice3A_165 = vector.extract_strided_slice %get3A_143 {offsets = [7], sizes = [1], strides = [1]} : vector<16xf32> to vector<1xf32>
      %squeeze3A_166 = vector.extract %slice3A_165[0] : f32 from vector<1xf32>
      %broadcast_in_dim3A_167 = vector.broadcast %squeeze3A_166 : f32 to vector<16xf32>
      %parallel_loop3A_168 = arith.constant 0 : i32
      %parallel_loop3A_169 = arith.constant 256 : i32
      %parallel_loop3A_170 = arith.constant 1 : i32
      scf.for %parallel_loop3A_468 = %parallel_loop3A_168 to %parallel_loop3A_169 step %parallel_loop3A_170  : i32 {
        %parallel_loop3A_469 = arith.constant 16 : i32
        %parallel_loop3A_470 = arith.muli %parallel_loop3A_468, %parallel_loop3A_469 : i32
        %parallel_loop3A_471 = arith.constant 0 : i32
        %parallel_loop3A_472 = arith.index_cast %parallel_loop3A_471 : i32 to index
        %parallel_loop3A_473 = arith.index_cast %parallel_loop3A_470 : i32 to index
        %parallel_loop3A_474 = tpu.vector_load %arg6[%parallel_loop3A_472, %parallel_loop3A_473] {strides = array<i32>} : memref<8x4096xf32, #tpu.memory_space<vmem>>, vector<1x16xf32>,
        %parallel_loop3A_475 = vector.shape_cast %parallel_loop3A_474 : vector<1x16xf32> to vector<16xf32>
        %parallel_loop3A_476 = arith.addf %parallel_loop3A_475, %broadcast_in_dim3A_146 : vector<16xf32>
        %parallel_loop3A_477 = arith.constant 0 : i32
        %parallel_loop3A_478 = arith.index_cast %parallel_loop3A_477 : i32 to index
        %parallel_loop3A_479 = arith.index_cast %parallel_loop3A_470 : i32 to index
        %parallel_loop3A_480 = tpu.vector_load %arg6[%parallel_loop3A_478, %parallel_loop3A_479] {strides = array<i32>} : memref<8x4096xf32, #tpu.memory_space<vmem>>, vector<1x16xf32>,
        %parallel_loop3A_481 = vector.shape_cast %parallel_loop3A_480 : vector<1x16xf32> to vector<16xf32>
        %parallel_loop3A_482 = vector.shape_cast %parallel_loop3A_476 : vector<16xf32> to vector<1x16xf32>
        tpu.vector_store %arg6[%parallel_loop3A_478, %parallel_loop3A_479], %parallel_loop3A_482 {strides = array<i32>} : memref<8x4096xf32, #tpu.memory_space<vmem>>, vector<1x16xf32>,
        %parallel_loop3A_483 = arith.constant 1 : i32
        %parallel_loop3A_484 = arith.index_cast %parallel_loop3A_483 : i32 to index
        %parallel_loop3A_485 = arith.index_cast %parallel_loop3A_470 : i32 to index
        %parallel_loop3A_486 = tpu.vector_load %arg6[%parallel_loop3A_484, %parallel_loop3A_485] {strides = array<i32>} : memref<8x4096xf32, #tpu.memory_space<vmem>>, vector<1x16xf32>,
        %parallel_loop3A_487 = vector.shape_cast %parallel_loop3A_486 : vector<1x16xf32> to vector<16xf32>
        %parallel_loop3A_488 = arith.addf %parallel_loop3A_487, %broadcast_in_dim3A_149 : vector<16xf32>
        %parallel_loop3A_489 = arith.constant 1 : i32
        %parallel_loop3A_490 = arith.index_cast %parallel_loop3A_489 : i32 to index
        %parallel_loop3A_491 = arith.index_cast %parallel_loop3A_470 : i32 to index
        %parallel_loop3A_492 = tpu.vector_load %arg6[%parallel_loop3A_490, %parallel_loop3A_491] {strides = array<i32>} : memref<8x4096xf32, #tpu.memory_space<vmem>>, vector<1x16xf32>,
        %parallel_loop3A_493 = vector.shape_cast %parallel_loop3A_492 : vector<1x16xf32> to vector<16xf32>
        %parallel_loop3A_494 = vector.shape_cast %parallel_loop3A_488 : vector<16xf32> to vector<1x16xf32>
        tpu.vector_store %arg6[%parallel_loop3A_490, %parallel_loop3A_491], %parallel_loop3A_494 {strides = array<i32>} : memref<8x4096xf32, #tpu.memory_space<vmem>>, vector<1x16xf32>,
        %parallel_loop3A_495 = arith.constant 2 : i32
        %parallel_loop3A_496 = arith.index_cast %parallel_loop3A_495 : i32 to index
        %parallel_loop3A_497 = arith.index_cast %parallel_loop3A_470 : i32 to index
        %parallel_loop3A_498 = tpu.vector_load %arg6[%parallel_loop3A_496, %parallel_loop3A_497] {strides = array<i32>} : memref<8x4096xf32, #tpu.memory_space<vmem>>, vector<1x16xf32>,
        %parallel_loop3A_499 = vector.shape_cast %parallel_loop3A_498 : vector<1x16xf32> to vector<16xf32>
        %parallel_loop3A_500 = arith.addf %parallel_loop3A_499, %broadcast_in_dim3A_152 : vector<16xf32>
        %parallel_loop3A_501 = arith.constant 2 : i32
        %parallel_loop3A_502 = arith.index_cast %parallel_loop3A_501 : i32 to index
        %parallel_loop3A_503 = arith.index_cast %parallel_loop3A_470 : i32 to index
        %parallel_loop3A_504 = tpu.vector_load %arg6[%parallel_loop3A_502, %parallel_loop3A_503] {strides = array<i32>} : memref<8x4096xf32, #tpu.memory_space<vmem>>, vector<1x16xf32>,
        %parallel_loop3A_505 = vector.shape_cast %parallel_loop3A_504 : vector<1x16xf32> to vector<16xf32>
        %parallel_loop3A_506 = vector.shape_cast %parallel_loop3A_500 : vector<16xf32> to vector<1x16xf32>
        tpu.vector_store %arg6[%parallel_loop3A_502, %parallel_loop3A_503], %parallel_loop3A_506 {strides = array<i32>} : memref<8x4096xf32, #tpu.memory_space<vmem>>, vector<1x16xf32>,
        %parallel_loop3A_507 = arith.constant 3 : i32
        %parallel_loop3A_508 = arith.index_cast %parallel_loop3A_507 : i32 to index
        %parallel_loop3A_509 = arith.index_cast %parallel_loop3A_470 : i32 to index
        %parallel_loop3A_510 = tpu.vector_load %arg6[%parallel_loop3A_508, %parallel_loop3A_509] {strides = array<i32>} : memref<8x4096xf32, #tpu.memory_space<vmem>>, vector<1x16xf32>,
        %parallel_loop3A_511 = vector.shape_cast %parallel_loop3A_510 : vector<1x16xf32> to vector<16xf32>
        %parallel_loop3A_512 = arith.addf %parallel_loop3A_511, %broadcast_in_dim3A_155 : vector<16xf32>
        %parallel_loop3A_513 = arith.constant 3 : i32
        %parallel_loop3A_514 = arith.index_cast %parallel_loop3A_513 : i32 to index
        %parallel_loop3A_515 = arith.index_cast %parallel_loop3A_470 : i32 to index
        %parallel_loop3A_516 = tpu.vector_load %arg6[%parallel_loop3A_514, %parallel_loop3A_515] {strides = array<i32>} : memref<8x4096xf32, #tpu.memory_space<vmem>>, vector<1x16xf32>,
        %parallel_loop3A_517 = vector.shape_cast %parallel_loop3A_516 : vector<1x16xf32> to vector<16xf32>
        %parallel_loop3A_518 = vector.shape_cast %parallel_loop3A_512 : vector<16xf32> to vector<1x16xf32>
        tpu.vector_store %arg6[%parallel_loop3A_514, %parallel_loop3A_515], %parallel_loop3A_518 {strides = array<i32>} : memref<8x4096xf32, #tpu.memory_space<vmem>>, vector<1x16xf32>,
        %parallel_loop3A_519 = arith.constant 4 : i32
        %parallel_loop3A_520 = arith.index_cast %parallel_loop3A_519 : i32 to index
        %parallel_loop3A_521 = arith.index_cast %parallel_loop3A_470 : i32 to index
        %parallel_loop3A_522 = tpu.vector_load %arg6[%parallel_loop3A_520, %parallel_loop3A_521] {strides = array<i32>} : memref<8x4096xf32, #tpu.memory_space<vmem>>, vector<1x16xf32>,
        %parallel_loop3A_523 = vector.shape_cast %parallel_loop3A_522 : vector<1x16xf32> to vector<16xf32>
        %parallel_loop3A_524 = arith.addf %parallel_loop3A_523, %broadcast_in_dim3A_158 : vector<16xf32>
        %parallel_loop3A_525 = arith.constant 4 : i32
        %parallel_loop3A_526 = arith.index_cast %parallel_loop3A_525 : i32 to index
        %parallel_loop3A_527 = arith.index_cast %parallel_loop3A_470 : i32 to index
        %parallel_loop3A_528 = tpu.vector_load %arg6[%parallel_loop3A_526, %parallel_loop3A_527] {strides = array<i32>} : memref<8x4096xf32, #tpu.memory_space<vmem>>, vector<1x16xf32>,
        %parallel_loop3A_529 = vector.shape_cast %parallel_loop3A_528 : vector<1x16xf32> to vector<16xf32>
        %parallel_loop3A_530 = vector.shape_cast %parallel_loop3A_524 : vector<16xf32> to vector<1x16xf32>
        tpu.vector_store %arg6[%parallel_loop3A_526, %parallel_loop3A_527], %parallel_loop3A_530 {strides = array<i32>} : memref<8x4096xf32, #tpu.memory_space<vmem>>, vector<1x16xf32>,
        %parallel_loop3A_531 = arith.constant 5 : i32
        %parallel_loop3A_532 = arith.index_cast %parallel_loop3A_531 : i32 to index
        %parallel_loop3A_533 = arith.index_cast %parallel_loop3A_470 : i32 to index
        %parallel_loop3A_534 = tpu.vector_load %arg6[%parallel_loop3A_532, %parallel_loop3A_533] {strides = array<i32>} : memref<8x4096xf32, #tpu.memory_space<vmem>>, vector<1x16xf32>,
        %parallel_loop3A_535 = vector.shape_cast %parallel_loop3A_534 : vector<1x16xf32> to vector<16xf32>
        %parallel_loop3A_536 = arith.addf %parallel_loop3A_535, %broadcast_in_dim3A_161 : vector<16xf32>
        %parallel_loop3A_537 = arith.constant 5 : i32
        %parallel_loop3A_538 = arith.index_cast %parallel_loop3A_537 : i32 to index
        %parallel_loop3A_539 = arith.index_cast %parallel_loop3A_470 : i32 to index
        %parallel_loop3A_540 = tpu.vector_load %arg6[%parallel_loop3A_538, %parallel_loop3A_539] {strides = array<i32>} : memref<8x4096xf32, #tpu.memory_space<vmem>>, vector<1x16xf32>,
        %parallel_loop3A_541 = vector.shape_cast %parallel_loop3A_540 : vector<1x16xf32> to vector<16xf32>
        %parallel_loop3A_542 = vector.shape_cast %parallel_loop3A_536 : vector<16xf32> to vector<1x16xf32>
        tpu.vector_store %arg6[%parallel_loop3A_538, %parallel_loop3A_539], %parallel_loop3A_542 {strides = array<i32>} : memref<8x4096xf32, #tpu.memory_space<vmem>>, vector<1x16xf32>,
        %parallel_loop3A_543 = arith.constant 6 : i32
        %parallel_loop3A_544 = arith.index_cast %parallel_loop3A_543 : i32 to index
        %parallel_loop3A_545 = arith.index_cast %parallel_loop3A_470 : i32 to index
        %parallel_loop3A_546 = tpu.vector_load %arg6[%parallel_loop3A_544, %parallel_loop3A_545] {strides = array<i32>} : memref<8x4096xf32, #tpu.memory_space<vmem>>, vector<1x16xf32>,
        %parallel_loop3A_547 = vector.shape_cast %parallel_loop3A_546 : vector<1x16xf32> to vector<16xf32>
        %parallel_loop3A_548 = arith.addf %parallel_loop3A_547, %broadcast_in_dim3A_164 : vector<16xf32>
        %parallel_loop3A_549 = arith.constant 6 : i32
        %parallel_loop3A_550 = arith.index_cast %parallel_loop3A_549 : i32 to index
        %parallel_loop3A_551 = arith.index_cast %parallel_loop3A_470 : i32 to index
        %parallel_loop3A_552 = tpu.vector_load %arg6[%parallel_loop3A_550, %parallel_loop3A_551] {strides = array<i32>} : memref<8x4096xf32, #tpu.memory_space<vmem>>, vector<1x16xf32>,
        %parallel_loop3A_553 = vector.shape_cast %parallel_loop3A_552 : vector<1x16xf32> to vector<16xf32>
        %parallel_loop3A_554 = vector.shape_cast %parallel_loop3A_548 : vector<16xf32> to vector<1x16xf32>
        tpu.vector_store %arg6[%parallel_loop3A_550, %parallel_loop3A_551], %parallel_loop3A_554 {strides = array<i32>} : memref<8x4096xf32, #tpu.memory_space<vmem>>, vector<1x16xf32>,
        %parallel_loop3A_555 = arith.constant 7 : i32
        %parallel_loop3A_556 = arith.index_cast %parallel_loop3A_555 : i32 to index
        %parallel_loop3A_557 = arith.index_cast %parallel_loop3A_470 : i32 to index
        %parallel_loop3A_558 = tpu.vector_load %arg6[%parallel_loop3A_556, %parallel_loop3A_557] {strides = array<i32>} : memref<8x4096xf32, #tpu.memory_space<vmem>>, vector<1x16xf32>,
        %parallel_loop3A_559 = vector.shape_cast %parallel_loop3A_558 : vector<1x16xf32> to vector<16xf32>
        %parallel_loop3A_560 = arith.addf %parallel_loop3A_559, %broadcast_in_dim3A_167 : vector<16xf32>
        %parallel_loop3A_561 = arith.constant 7 : i32
        %parallel_loop3A_562 = arith.index_cast %parallel_loop3A_561 : i32 to index
        %parallel_loop3A_563 = arith.index_cast %parallel_loop3A_470 : i32 to index
        %parallel_loop3A_564 = tpu.vector_load %arg6[%parallel_loop3A_562, %parallel_loop3A_563] {strides = array<i32>} : memref<8x4096xf32, #tpu.memory_space<vmem>>, vector<1x16xf32>,
        %parallel_loop3A_565 = vector.shape_cast %parallel_loop3A_564 : vector<1x16xf32> to vector<16xf32>
        %parallel_loop3A_566 = vector.shape_cast %parallel_loop3A_560 : vector<16xf32> to vector<1x16xf32>
        tpu.vector_store %arg6[%parallel_loop3A_562, %parallel_loop3A_563], %parallel_loop3A_566 {strides = array<i32>} : memref<8x4096xf32, #tpu.memory_space<vmem>>, vector<1x16xf32>,
      } {sc.loop_unroll_factor = 8 : i64, sc.parallel_access}
      %gt3A = arith.constant 0 : i32
      %gt3A_171 = arith.cmpi sgt, %scan3A_122, %gt3A : i32
      %convert_element_type3A = arith.extui %gt3A_171 : i1 to i32
      %cond3A = arith.constant 0 : i32
      %cond3A_172 = arith.cmpi ne, %convert_element_type3A, %cond3A : i32
      scf.if %cond3A_172 {
        %dma_wait3A_468 = arith.constant 0 : i32
        %dma_wait3A_469 = arith.constant 0 : i32
        %dma_wait3A_470 = tpu.memref_slice %arg4[%dma_wait3A_468, %dma_wait3A_469] : memref<12800x4096xf32, #tpu.memory_space<hbm>> -> memref<8x4096xf32, #tpu.memory_space<hbm>>
        %dma_wait3A_471 = arith.constant 0 : i32
        %dma_wait3A_472 = arith.constant 0 : i32
        %dma_wait3A_473 = tpu.memref_slice %arg4[%dma_wait3A_471, %dma_wait3A_472] : memref<12800x4096xf32, #tpu.memory_space<hbm>> -> memref<8x4096xf32, #tpu.memory_space<hbm>>
        tpu.wait_dma2 semaphore(%arg14 : memref<!tpu.dma_semaphore, #tpu.memory_space<semaphore_mem>>) src(%arg8 : memref<8x4096xf32, #tpu.memory_space<vmem>>) dst(%dma_wait3A_473 : memref<8x4096xf32, #tpu.memory_space<hbm>>)
      } else {
      }
      %dma_start3A_173 = arith.constant 0 : i32
      %dma_start3A_174 = tpu.memref_slice %arg4[%add3A_130, %dma_start3A_173] : memref<12800x4096xf32, #tpu.memory_space<hbm>> -> memref<8x4096xf32, #tpu.memory_space<hbm>>
      %dma_start3A_175 = arith.constant 0 : i32
      %dma_start3A_176 = tpu.memref_slice %arg4[%add3A_130, %dma_start3A_175] : memref<12800x4096xf32, #tpu.memory_space<hbm>> -> memref<8x4096xf32, #tpu.memory_space<hbm>>
      tpu.enqueue_dma source(%arg6 : memref<8x4096xf32, #tpu.memory_space<vmem>>) target(%dma_start3A_176 : memref<8x4096xf32, #tpu.memory_space<hbm>>) target_semaphore(%arg12 : memref<!tpu.dma_semaphore, #tpu.memory_space<semaphore_mem>>)
      %add3A_177 = arith.constant 16 : i32
      %add3A_178 = arith.addi %add3A_130, %add3A_177 : i32
      %dma_start3A_179 = arith.constant 0 : i32
      %dma_start3A_180 = tpu.memref_slice %arg2[%add3A_178, %dma_start3A_179] : memref<12800x4096xf32, #tpu.memory_space<hbm>> -> memref<8x4096xf32, #tpu.memory_space<hbm>>
      %dma_start3A_181 = arith.constant 0 : i32
      %dma_start3A_182 = tpu.memref_slice %arg2[%add3A_178, %dma_start3A_181] : memref<12800x4096xf32, #tpu.memory_space<hbm>> -> memref<8x4096xf32, #tpu.memory_space<hbm>>
      tpu.enqueue_dma source(%dma_start3A_182 : memref<8x4096xf32, #tpu.memory_space<hbm>>) target(%arg8 : memref<8x4096xf32, #tpu.memory_space<vmem>>) target_semaphore(%arg11 : memref<!tpu.dma_semaphore, #tpu.memory_space<semaphore_mem>>)
      %add3A_183 = arith.constant 1 : i32
      %add3A_184 = arith.addi %mul3A_125, %add3A_183 : i32
      %mul3A_185 = arith.constant 8 : i32
      %mul3A_186 = arith.muli %add3A_184, %mul3A_185 : i32
      %add3A_187 = arith.addi %mul3A_2, %mul3A_186 : i32
      %dma_wait3A_188 = arith.constant 0 : i32
      %dma_wait3A_189 = arith.constant 0 : i32
      %dma_wait3A_190 = tpu.memref_slice %arg2[%dma_wait3A_188, %dma_wait3A_189] : memref<12800x4096xf32, #tpu.memory_space<hbm>> -> memref<8x4096xf32, #tpu.memory_space<hbm>>
      %dma_wait3A_191 = arith.constant 0 : i32
      %dma_wait3A_192 = arith.constant 0 : i32
      %dma_wait3A_193 = tpu.memref_slice %arg2[%dma_wait3A_191, %dma_wait3A_192] : memref<12800x4096xf32, #tpu.memory_space<hbm>> -> memref<8x4096xf32, #tpu.memory_space<hbm>>
      tpu.wait_dma2 semaphore(%arg10 : memref<!tpu.dma_semaphore, #tpu.memory_space<semaphore_mem>>) src(%dma_wait3A_193 : memref<8x4096xf32, #tpu.memory_space<hbm>>) dst(%arg7 : memref<8x4096xf32, #tpu.memory_space<vmem>>)
      %slice3A_194 = vector.extract_strided_slice %get3A_143 {offsets = [8], sizes = [1], strides = [1]} : vector<16xf32> to vector<1xf32>
      %squeeze3A_195 = vector.extract %slice3A_194[0] : f32 from vector<1xf32>
      %broadcast_in_dim3A_196 = vector.broadcast %squeeze3A_195 : f32 to vector<16xf32>
      %slice3A_197 = vector.extract_strided_slice %get3A_143 {offsets = [9], sizes = [1], strides = [1]} : vector<16xf32> to vector<1xf32>
      %squeeze3A_198 = vector.extract %slice3A_197[0] : f32 from vector<1xf32>
      %broadcast_in_dim3A_199 = vector.broadcast %squeeze3A_198 : f32 to vector<16xf32>
      %slice3A_200 = vector.extract_strided_slice %get3A_143 {offsets = [10], sizes = [1], strides = [1]} : vector<16xf32> to vector<1xf32>
      %squeeze3A_201 = vector.extract %slice3A_200[0] : f32 from vector<1xf32>
      %broadcast_in_dim3A_202 = vector.broadcast %squeeze3A_201 : f32 to vector<16xf32>
      %slice3A_203 = vector.extract_strided_slice %get3A_143 {offsets = [11], sizes = [1], strides = [1]} : vector<16xf32> to vector<1xf32>
      %squeeze3A_204 = vector.extract %slice3A_203[0] : f32 from vector<1xf32>
      %broadcast_in_dim3A_205 = vector.broadcast %squeeze3A_204 : f32 to vector<16xf32>
      %slice3A_206 = vector.extract_strided_slice %get3A_143 {offsets = [12], sizes = [1], strides = [1]} : vector<16xf32> to vector<1xf32>
      %squeeze3A_207 = vector.extract %slice3A_206[0] : f32 from vector<1xf32>
      %broadcast_in_dim3A_208 = vector.broadcast %squeeze3A_207 : f32 to vector<16xf32>
      %slice3A_209 = vector.extract_strided_slice %get3A_143 {offsets = [13], sizes = [1], strides = [1]} : vector<16xf32> to vector<1xf32>
      %squeeze3A_210 = vector.extract %slice3A_209[0] : f32 from vector<1xf32>
      %broadcast_in_dim3A_211 = vector.broadcast %squeeze3A_210 : f32 to vector<16xf32>
      %slice3A_212 = vector.extract_strided_slice %get3A_143 {offsets = [14], sizes = [1], strides = [1]} : vector<16xf32> to vector<1xf32>
      %squeeze3A_213 = vector.extract %slice3A_212[0] : f32 from vector<1xf32>
      %broadcast_in_dim3A_214 = vector.broadcast %squeeze3A_213 : f32 to vector<16xf32>
      %slice3A_215 = vector.extract_strided_slice %get3A_143 {offsets = [15], sizes = [1], strides = [1]} : vector<16xf32> to vector<1xf32>
      %squeeze3A_216 = vector.extract %slice3A_215[0] : f32 from vector<1xf32>
      %broadcast_in_dim3A_217 = vector.broadcast %squeeze3A_216 : f32 to vector<16xf32>
      %parallel_loop3A_218 = arith.constant 0 : i32
      %parallel_loop3A_219 = arith.constant 256 : i32
      %parallel_loop3A_220 = arith.constant 1 : i32
      scf.for %parallel_loop3A_468 = %parallel_loop3A_218 to %parallel_loop3A_219 step %parallel_loop3A_220  : i32 {
        %parallel_loop3A_469 = arith.constant 16 : i32
        %parallel_loop3A_470 = arith.muli %parallel_loop3A_468, %parallel_loop3A_469 : i32
        %parallel_loop3A_471 = arith.constant 0 : i32
        %parallel_loop3A_472 = arith.index_cast %parallel_loop3A_471 : i32 to index
        %parallel_loop3A_473 = arith.index_cast %parallel_loop3A_470 : i32 to index
        %parallel_loop3A_474 = tpu.vector_load %arg7[%parallel_loop3A_472, %parallel_loop3A_473] {strides = array<i32>} : memref<8x4096xf32, #tpu.memory_space<vmem>>, vector<1x16xf32>,
        %parallel_loop3A_475 = vector.shape_cast %parallel_loop3A_474 : vector<1x16xf32> to vector<16xf32>
        %parallel_loop3A_476 = arith.addf %parallel_loop3A_475, %broadcast_in_dim3A_196 : vector<16xf32>
        %parallel_loop3A_477 = arith.constant 0 : i32
        %parallel_loop3A_478 = arith.index_cast %parallel_loop3A_477 : i32 to index
        %parallel_loop3A_479 = arith.index_cast %parallel_loop3A_470 : i32 to index
        %parallel_loop3A_480 = tpu.vector_load %arg7[%parallel_loop3A_478, %parallel_loop3A_479] {strides = array<i32>} : memref<8x4096xf32, #tpu.memory_space<vmem>>, vector<1x16xf32>,
        %parallel_loop3A_481 = vector.shape_cast %parallel_loop3A_480 : vector<1x16xf32> to vector<16xf32>
        %parallel_loop3A_482 = vector.shape_cast %parallel_loop3A_476 : vector<16xf32> to vector<1x16xf32>
        tpu.vector_store %arg7[%parallel_loop3A_478, %parallel_loop3A_479], %parallel_loop3A_482 {strides = array<i32>} : memref<8x4096xf32, #tpu.memory_space<vmem>>, vector<1x16xf32>,
        %parallel_loop3A_483 = arith.constant 1 : i32
        %parallel_loop3A_484 = arith.index_cast %parallel_loop3A_483 : i32 to index
        %parallel_loop3A_485 = arith.index_cast %parallel_loop3A_470 : i32 to index
        %parallel_loop3A_486 = tpu.vector_load %arg7[%parallel_loop3A_484, %parallel_loop3A_485] {strides = array<i32>} : memref<8x4096xf32, #tpu.memory_space<vmem>>, vector<1x16xf32>,
        %parallel_loop3A_487 = vector.shape_cast %parallel_loop3A_486 : vector<1x16xf32> to vector<16xf32>
        %parallel_loop3A_488 = arith.addf %parallel_loop3A_487, %broadcast_in_dim3A_199 : vector<16xf32>
        %parallel_loop3A_489 = arith.constant 1 : i32
        %parallel_loop3A_490 = arith.index_cast %parallel_loop3A_489 : i32 to index
        %parallel_loop3A_491 = arith.index_cast %parallel_loop3A_470 : i32 to index
        %parallel_loop3A_492 = tpu.vector_load %arg7[%parallel_loop3A_490, %parallel_loop3A_491] {strides = array<i32>} : memref<8x4096xf32, #tpu.memory_space<vmem>>, vector<1x16xf32>,
        %parallel_loop3A_493 = vector.shape_cast %parallel_loop3A_492 : vector<1x16xf32> to vector<16xf32>
        %parallel_loop3A_494 = vector.shape_cast %parallel_loop3A_488 : vector<16xf32> to vector<1x16xf32>
        tpu.vector_store %arg7[%parallel_loop3A_490, %parallel_loop3A_491], %parallel_loop3A_494 {strides = array<i32>} : memref<8x4096xf32, #tpu.memory_space<vmem>>, vector<1x16xf32>,
        %parallel_loop3A_495 = arith.constant 2 : i32
        %parallel_loop3A_496 = arith.index_cast %parallel_loop3A_495 : i32 to index
        %parallel_loop3A_497 = arith.index_cast %parallel_loop3A_470 : i32 to index
        %parallel_loop3A_498 = tpu.vector_load %arg7[%parallel_loop3A_496, %parallel_loop3A_497] {strides = array<i32>} : memref<8x4096xf32, #tpu.memory_space<vmem>>, vector<1x16xf32>,
        %parallel_loop3A_499 = vector.shape_cast %parallel_loop3A_498 : vector<1x16xf32> to vector<16xf32>
        %parallel_loop3A_500 = arith.addf %parallel_loop3A_499, %broadcast_in_dim3A_202 : vector<16xf32>
        %parallel_loop3A_501 = arith.constant 2 : i32
        %parallel_loop3A_502 = arith.index_cast %parallel_loop3A_501 : i32 to index
        %parallel_loop3A_503 = arith.index_cast %parallel_loop3A_470 : i32 to index
        %parallel_loop3A_504 = tpu.vector_load %arg7[%parallel_loop3A_502, %parallel_loop3A_503] {strides = array<i32>} : memref<8x4096xf32, #tpu.memory_space<vmem>>, vector<1x16xf32>,
        %parallel_loop3A_505 = vector.shape_cast %parallel_loop3A_504 : vector<1x16xf32> to vector<16xf32>
        %parallel_loop3A_506 = vector.shape_cast %parallel_loop3A_500 : vector<16xf32> to vector<1x16xf32>
        tpu.vector_store %arg7[%parallel_loop3A_502, %parallel_loop3A_503], %parallel_loop3A_506 {strides = array<i32>} : memref<8x4096xf32, #tpu.memory_space<vmem>>, vector<1x16xf32>,
        %parallel_loop3A_507 = arith.constant 3 : i32
        %parallel_loop3A_508 = arith.index_cast %parallel_loop3A_507 : i32 to index
        %parallel_loop3A_509 = arith.index_cast %parallel_loop3A_470 : i32 to index
        %parallel_loop3A_510 = tpu.vector_load %arg7[%parallel_loop3A_508, %parallel_loop3A_509] {strides = array<i32>} : memref<8x4096xf32, #tpu.memory_space<vmem>>, vector<1x16xf32>,
        %parallel_loop3A_511 = vector.shape_cast %parallel_loop3A_510 : vector<1x16xf32> to vector<16xf32>
        %parallel_loop3A_512 = arith.addf %parallel_loop3A_511, %broadcast_in_dim3A_205 : vector<16xf32>
        %parallel_loop3A_513 = arith.constant 3 : i32
        %parallel_loop3A_514 = arith.index_cast %parallel_loop3A_513 : i32 to index
        %parallel_loop3A_515 = arith.index_cast %parallel_loop3A_470 : i32 to index
        %parallel_loop3A_516 = tpu.vector_load %arg7[%parallel_loop3A_514, %parallel_loop3A_515] {strides = array<i32>} : memref<8x4096xf32, #tpu.memory_space<vmem>>, vector<1x16xf32>,
        %parallel_loop3A_517 = vector.shape_cast %parallel_loop3A_516 : vector<1x16xf32> to vector<16xf32>
        %parallel_loop3A_518 = vector.shape_cast %parallel_loop3A_512 : vector<16xf32> to vector<1x16xf32>
        tpu.vector_store %arg7[%parallel_loop3A_514, %parallel_loop3A_515], %parallel_loop3A_518 {strides = array<i32>} : memref<8x4096xf32, #tpu.memory_space<vmem>>, vector<1x16xf32>,
        %parallel_loop3A_519 = arith.constant 4 : i32
        %parallel_loop3A_520 = arith.index_cast %parallel_loop3A_519 : i32 to index
        %parallel_loop3A_521 = arith.index_cast %parallel_loop3A_470 : i32 to index
        %parallel_loop3A_522 = tpu.vector_load %arg7[%parallel_loop3A_520, %parallel_loop3A_521] {strides = array<i32>} : memref<8x4096xf32, #tpu.memory_space<vmem>>, vector<1x16xf32>,
        %parallel_loop3A_523 = vector.shape_cast %parallel_loop3A_522 : vector<1x16xf32> to vector<16xf32>
        %parallel_loop3A_524 = arith.addf %parallel_loop3A_523, %broadcast_in_dim3A_208 : vector<16xf32>
        %parallel_loop3A_525 = arith.constant 4 : i32
        %parallel_loop3A_526 = arith.index_cast %parallel_loop3A_525 : i32 to index
        %parallel_loop3A_527 = arith.index_cast %parallel_loop3A_470 : i32 to index
        %parallel_loop3A_528 = tpu.vector_load %arg7[%parallel_loop3A_526, %parallel_loop3A_527] {strides = array<i32>} : memref<8x4096xf32, #tpu.memory_space<vmem>>, vector<1x16xf32>,
        %parallel_loop3A_529 = vector.shape_cast %parallel_loop3A_528 : vector<1x16xf32> to vector<16xf32>
        %parallel_loop3A_530 = vector.shape_cast %parallel_loop3A_524 : vector<16xf32> to vector<1x16xf32>
        tpu.vector_store %arg7[%parallel_loop3A_526, %parallel_loop3A_527], %parallel_loop3A_530 {strides = array<i32>} : memref<8x4096xf32, #tpu.memory_space<vmem>>, vector<1x16xf32>,
        %parallel_loop3A_531 = arith.constant 5 : i32
        %parallel_loop3A_532 = arith.index_cast %parallel_loop3A_531 : i32 to index
        %parallel_loop3A_533 = arith.index_cast %parallel_loop3A_470 : i32 to index
        %parallel_loop3A_534 = tpu.vector_load %arg7[%parallel_loop3A_532, %parallel_loop3A_533] {strides = array<i32>} : memref<8x4096xf32, #tpu.memory_space<vmem>>, vector<1x16xf32>,
        %parallel_loop3A_535 = vector.shape_cast %parallel_loop3A_534 : vector<1x16xf32> to vector<16xf32>
        %parallel_loop3A_536 = arith.addf %parallel_loop3A_535, %broadcast_in_dim3A_211 : vector<16xf32>
        %parallel_loop3A_537 = arith.constant 5 : i32
        %parallel_loop3A_538 = arith.index_cast %parallel_loop3A_537 : i32 to index
        %parallel_loop3A_539 = arith.index_cast %parallel_loop3A_470 : i32 to index
        %parallel_loop3A_540 = tpu.vector_load %arg7[%parallel_loop3A_538, %parallel_loop3A_539] {strides = array<i32>} : memref<8x4096xf32, #tpu.memory_space<vmem>>, vector<1x16xf32>,
        %parallel_loop3A_541 = vector.shape_cast %parallel_loop3A_540 : vector<1x16xf32> to vector<16xf32>
        %parallel_loop3A_542 = vector.shape_cast %parallel_loop3A_536 : vector<16xf32> to vector<1x16xf32>
        tpu.vector_store %arg7[%parallel_loop3A_538, %parallel_loop3A_539], %parallel_loop3A_542 {strides = array<i32>} : memref<8x4096xf32, #tpu.memory_space<vmem>>, vector<1x16xf32>,
        %parallel_loop3A_543 = arith.constant 6 : i32
        %parallel_loop3A_544 = arith.index_cast %parallel_loop3A_543 : i32 to index
        %parallel_loop3A_545 = arith.index_cast %parallel_loop3A_470 : i32 to index
        %parallel_loop3A_546 = tpu.vector_load %arg7[%parallel_loop3A_544, %parallel_loop3A_545] {strides = array<i32>} : memref<8x4096xf32, #tpu.memory_space<vmem>>, vector<1x16xf32>,
        %parallel_loop3A_547 = vector.shape_cast %parallel_loop3A_546 : vector<1x16xf32> to vector<16xf32>
        %parallel_loop3A_548 = arith.addf %parallel_loop3A_547, %broadcast_in_dim3A_214 : vector<16xf32>
        %parallel_loop3A_549 = arith.constant 6 : i32
        %parallel_loop3A_550 = arith.index_cast %parallel_loop3A_549 : i32 to index
        %parallel_loop3A_551 = arith.index_cast %parallel_loop3A_470 : i32 to index
        %parallel_loop3A_552 = tpu.vector_load %arg7[%parallel_loop3A_550, %parallel_loop3A_551] {strides = array<i32>} : memref<8x4096xf32, #tpu.memory_space<vmem>>, vector<1x16xf32>,
        %parallel_loop3A_553 = vector.shape_cast %parallel_loop3A_552 : vector<1x16xf32> to vector<16xf32>
        %parallel_loop3A_554 = vector.shape_cast %parallel_loop3A_548 : vector<16xf32> to vector<1x16xf32>
        tpu.vector_store %arg7[%parallel_loop3A_550, %parallel_loop3A_551], %parallel_loop3A_554 {strides = array<i32>} : memref<8x4096xf32, #tpu.memory_space<vmem>>, vector<1x16xf32>,
        %parallel_loop3A_555 = arith.constant 7 : i32
        %parallel_loop3A_556 = arith.index_cast %parallel_loop3A_555 : i32 to index
        %parallel_loop3A_557 = arith.index_cast %parallel_loop3A_470 : i32 to index
        %parallel_loop3A_558 = tpu.vector_load %arg7[%parallel_loop3A_556, %parallel_loop3A_557] {strides = array<i32>} : memref<8x4096xf32, #tpu.memory_space<vmem>>, vector<1x16xf32>,
        %parallel_loop3A_559 = vector.shape_cast %parallel_loop3A_558 : vector<1x16xf32> to vector<16xf32>
        %parallel_loop3A_560 = arith.addf %parallel_loop3A_559, %broadcast_in_dim3A_217 : vector<16xf32>
        %parallel_loop3A_561 = arith.constant 7 : i32
        %parallel_loop3A_562 = arith.index_cast %parallel_loop3A_561 : i32 to index
        %parallel_loop3A_563 = arith.index_cast %parallel_loop3A_470 : i32 to index
        %parallel_loop3A_564 = tpu.vector_load %arg7[%parallel_loop3A_562, %parallel_loop3A_563] {strides = array<i32>} : memref<8x4096xf32, #tpu.memory_space<vmem>>, vector<1x16xf32>,
        %parallel_loop3A_565 = vector.shape_cast %parallel_loop3A_564 : vector<1x16xf32> to vector<16xf32>
        %parallel_loop3A_566 = vector.shape_cast %parallel_loop3A_560 : vector<16xf32> to vector<1x16xf32>
        tpu.vector_store %arg7[%parallel_loop3A_562, %parallel_loop3A_563], %parallel_loop3A_566 {strides = array<i32>} : memref<8x4096xf32, #tpu.memory_space<vmem>>, vector<1x16xf32>,
      } {sc.loop_unroll_factor = 8 : i64, sc.parallel_access}
      %dma_wait3A_221 = arith.constant 0 : i32
      %dma_wait3A_222 = arith.constant 0 : i32
      %dma_wait3A_223 = tpu.memref_slice %arg4[%dma_wait3A_221, %dma_wait3A_222] : memref<12800x4096xf32, #tpu.memory_space<hbm>> -> memref<8x4096xf32, #tpu.memory_space<hbm>>
      %dma_wait3A_224 = arith.constant 0 : i32
      %dma_wait3A_225 = arith.constant 0 : i32
      %dma_wait3A_226 = tpu.memref_slice %arg4[%dma_wait3A_224, %dma_wait3A_225] : memref<12800x4096xf32, #tpu.memory_space<hbm>> -> memref<8x4096xf32, #tpu.memory_space<hbm>>
      tpu.wait_dma2 semaphore(%arg12 : memref<!tpu.dma_semaphore, #tpu.memory_space<semaphore_mem>>) src(%arg6 : memref<8x4096xf32, #tpu.memory_space<vmem>>) dst(%dma_wait3A_226 : memref<8x4096xf32, #tpu.memory_space<hbm>>)
      %dma_start3A_227 = arith.constant 0 : i32
      %dma_start3A_228 = tpu.memref_slice %arg4[%add3A_187, %dma_start3A_227] : memref<12800x4096xf32, #tpu.memory_space<hbm>> -> memref<8x4096xf32, #tpu.memory_space<hbm>>
      %dma_start3A_229 = arith.constant 0 : i32
      %dma_start3A_230 = tpu.memref_slice %arg4[%add3A_187, %dma_start3A_229] : memref<12800x4096xf32, #tpu.memory_space<hbm>> -> memref<8x4096xf32, #tpu.memory_space<hbm>>
      tpu.enqueue_dma source(%arg7 : memref<8x4096xf32, #tpu.memory_space<vmem>>) target(%dma_start3A_230 : memref<8x4096xf32, #tpu.memory_space<hbm>>) target_semaphore(%arg13 : memref<!tpu.dma_semaphore, #tpu.memory_space<semaphore_mem>>)
      %add3A_231 = arith.constant 16 : i32
      %add3A_232 = arith.addi %add3A_187, %add3A_231 : i32
      %dma_start3A_233 = arith.constant 0 : i32
      %dma_start3A_234 = tpu.memref_slice %arg2[%add3A_232, %dma_start3A_233] : memref<12800x4096xf32, #tpu.memory_space<hbm>> -> memref<8x4096xf32, #tpu.memory_space<hbm>>
      %dma_start3A_235 = arith.constant 0 : i32
      %dma_start3A_236 = tpu.memref_slice %arg2[%add3A_232, %dma_start3A_235] : memref<12800x4096xf32, #tpu.memory_space<hbm>> -> memref<8x4096xf32, #tpu.memory_space<hbm>>
      tpu.enqueue_dma source(%dma_start3A_236 : memref<8x4096xf32, #tpu.memory_space<hbm>>) target(%arg6 : memref<8x4096xf32, #tpu.memory_space<vmem>>) target_semaphore(%arg9 : memref<!tpu.dma_semaphore, #tpu.memory_space<semaphore_mem>>)
      %add3A_237 = arith.constant 2 : i32
      %add3A_238 = arith.addi %mul3A_125, %add3A_237 : i32
      %mul3A_239 = arith.constant 8 : i32
      %mul3A_240 = arith.muli %add3A_238, %mul3A_239 : i32
      %add3A_241 = arith.addi %mul3A_2, %mul3A_240 : i32
      %dma_wait3A_242 = arith.constant 0 : i32
      %dma_wait3A_243 = arith.constant 0 : i32
      %dma_wait3A_244 = tpu.memref_slice %arg2[%dma_wait3A_242, %dma_wait3A_243] : memref<12800x4096xf32, #tpu.memory_space<hbm>> -> memref<8x4096xf32, #tpu.memory_space<hbm>>
      %dma_wait3A_245 = arith.constant 0 : i32
      %dma_wait3A_246 = arith.constant 0 : i32
      %dma_wait3A_247 = tpu.memref_slice %arg2[%dma_wait3A_245, %dma_wait3A_246] : memref<12800x4096xf32, #tpu.memory_space<hbm>> -> memref<8x4096xf32, #tpu.memory_space<hbm>>
      tpu.wait_dma2 semaphore(%arg11 : memref<!tpu.dma_semaphore, #tpu.memory_space<semaphore_mem>>) src(%dma_wait3A_247 : memref<8x4096xf32, #tpu.memory_space<hbm>>) dst(%arg8 : memref<8x4096xf32, #tpu.memory_space<vmem>>)
      %add3A_248 = arith.constant 2 : i32
      %add3A_249 = arith.addi %mul3A_125, %add3A_248 : i32
      %mul3A_250 = arith.constant 8 : i32
      %mul3A_251 = arith.muli %add3A_249, %mul3A_250 : i32
      %get3A_252 = arith.index_cast %mul3A_251 : i32 to index
      %get3A_253 = tpu.vector_load %arg5[%get3A_252] {strides = array<i32>} : memref<400xf32, #tpu.memory_space<vmem>>, vector<16xf32>,
      %get3A_254 = vector.shape_cast %get3A_253 : vector<16xf32> to vector<16xf32>
      %slice3A_255 = vector.extract_strided_slice %get3A_254 {offsets = [0], sizes = [1], strides = [1]} : vector<16xf32> to vector<1xf32>
      %squeeze3A_256 = vector.extract %slice3A_255[0] : f32 from vector<1xf32>
      %broadcast_in_dim3A_257 = vector.broadcast %squeeze3A_256 : f32 to vector<16xf32>
      %slice3A_258 = vector.extract_strided_slice %get3A_254 {offsets = [1], sizes = [1], strides = [1]} : vector<16xf32> to vector<1xf32>
      %squeeze3A_259 = vector.extract %slice3A_258[0] : f32 from vector<1xf32>
      %broadcast_in_dim3A_260 = vector.broadcast %squeeze3A_259 : f32 to vector<16xf32>
      %slice3A_261 = vector.extract_strided_slice %get3A_254 {offsets = [2], sizes = [1], strides = [1]} : vector<16xf32> to vector<1xf32>
      %squeeze3A_262 = vector.extract %slice3A_261[0] : f32 from vector<1xf32>
      %broadcast_in_dim3A_263 = vector.broadcast %squeeze3A_262 : f32 to vector<16xf32>
      %slice3A_264 = vector.extract_strided_slice %get3A_254 {offsets = [3], sizes = [1], strides = [1]} : vector<16xf32> to vector<1xf32>
      %squeeze3A_265 = vector.extract %slice3A_264[0] : f32 from vector<1xf32>
      %broadcast_in_dim3A_266 = vector.broadcast %squeeze3A_265 : f32 to vector<16xf32>
      %slice3A_267 = vector.extract_strided_slice %get3A_254 {offsets = [4], sizes = [1], strides = [1]} : vector<16xf32> to vector<1xf32>
      %squeeze3A_268 = vector.extract %slice3A_267[0] : f32 from vector<1xf32>
      %broadcast_in_dim3A_269 = vector.broadcast %squeeze3A_268 : f32 to vector<16xf32>
      %slice3A_270 = vector.extract_strided_slice %get3A_254 {offsets = [5], sizes = [1], strides = [1]} : vector<16xf32> to vector<1xf32>
      %squeeze3A_271 = vector.extract %slice3A_270[0] : f32 from vector<1xf32>
      %broadcast_in_dim3A_272 = vector.broadcast %squeeze3A_271 : f32 to vector<16xf32>
      %slice3A_273 = vector.extract_strided_slice %get3A_254 {offsets = [6], sizes = [1], strides = [1]} : vector<16xf32> to vector<1xf32>
      %squeeze3A_274 = vector.extract %slice3A_273[0] : f32 from vector<1xf32>
      %broadcast_in_dim3A_275 = vector.broadcast %squeeze3A_274 : f32 to vector<16xf32>
      %slice3A_276 = vector.extract_strided_slice %get3A_254 {offsets = [7], sizes = [1], strides = [1]} : vector<16xf32> to vector<1xf32>
      %squeeze3A_277 = vector.extract %slice3A_276[0] : f32 from vector<1xf32>
      %broadcast_in_dim3A_278 = vector.broadcast %squeeze3A_277 : f32 to vector<16xf32>
      %parallel_loop3A_279 = arith.constant 0 : i32
      %parallel_loop3A_280 = arith.constant 256 : i32
      %parallel_loop3A_281 = arith.constant 1 : i32
      scf.for %parallel_loop3A_468 = %parallel_loop3A_279 to %parallel_loop3A_280 step %parallel_loop3A_281  : i32 {
        %parallel_loop3A_469 = arith.constant 16 : i32
        %parallel_loop3A_470 = arith.muli %parallel_loop3A_468, %parallel_loop3A_469 : i32
        %parallel_loop3A_471 = arith.constant 0 : i32
        %parallel_loop3A_472 = arith.index_cast %parallel_loop3A_471 : i32 to index
        %parallel_loop3A_473 = arith.index_cast %parallel_loop3A_470 : i32 to index
        %parallel_loop3A_474 = tpu.vector_load %arg8[%parallel_loop3A_472, %parallel_loop3A_473] {strides = array<i32>} : memref<8x4096xf32, #tpu.memory_space<vmem>>, vector<1x16xf32>,
        %parallel_loop3A_475 = vector.shape_cast %parallel_loop3A_474 : vector<1x16xf32> to vector<16xf32>
        %parallel_loop3A_476 = arith.addf %parallel_loop3A_475, %broadcast_in_dim3A_257 : vector<16xf32>
        %parallel_loop3A_477 = arith.constant 0 : i32
        %parallel_loop3A_478 = arith.index_cast %parallel_loop3A_477 : i32 to index
        %parallel_loop3A_479 = arith.index_cast %parallel_loop3A_470 : i32 to index
        %parallel_loop3A_480 = tpu.vector_load %arg8[%parallel_loop3A_478, %parallel_loop3A_479] {strides = array<i32>} : memref<8x4096xf32, #tpu.memory_space<vmem>>, vector<1x16xf32>,
        %parallel_loop3A_481 = vector.shape_cast %parallel_loop3A_480 : vector<1x16xf32> to vector<16xf32>
        %parallel_loop3A_482 = vector.shape_cast %parallel_loop3A_476 : vector<16xf32> to vector<1x16xf32>
        tpu.vector_store %arg8[%parallel_loop3A_478, %parallel_loop3A_479], %parallel_loop3A_482 {strides = array<i32>} : memref<8x4096xf32, #tpu.memory_space<vmem>>, vector<1x16xf32>,
        %parallel_loop3A_483 = arith.constant 1 : i32
        %parallel_loop3A_484 = arith.index_cast %parallel_loop3A_483 : i32 to index
        %parallel_loop3A_485 = arith.index_cast %parallel_loop3A_470 : i32 to index
        %parallel_loop3A_486 = tpu.vector_load %arg8[%parallel_loop3A_484, %parallel_loop3A_485] {strides = array<i32>} : memref<8x4096xf32, #tpu.memory_space<vmem>>, vector<1x16xf32>,
        %parallel_loop3A_487 = vector.shape_cast %parallel_loop3A_486 : vector<1x16xf32> to vector<16xf32>
        %parallel_loop3A_488 = arith.addf %parallel_loop3A_487, %broadcast_in_dim3A_260 : vector<16xf32>
        %parallel_loop3A_489 = arith.constant 1 : i32
        %parallel_loop3A_490 = arith.index_cast %parallel_loop3A_489 : i32 to index
        %parallel_loop3A_491 = arith.index_cast %parallel_loop3A_470 : i32 to index
        %parallel_loop3A_492 = tpu.vector_load %arg8[%parallel_loop3A_490, %parallel_loop3A_491] {strides = array<i32>} : memref<8x4096xf32, #tpu.memory_space<vmem>>, vector<1x16xf32>,
        %parallel_loop3A_493 = vector.shape_cast %parallel_loop3A_492 : vector<1x16xf32> to vector<16xf32>
        %parallel_loop3A_494 = vector.shape_cast %parallel_loop3A_488 : vector<16xf32> to vector<1x16xf32>
        tpu.vector_store %arg8[%parallel_loop3A_490, %parallel_loop3A_491], %parallel_loop3A_494 {strides = array<i32>} : memref<8x4096xf32, #tpu.memory_space<vmem>>, vector<1x16xf32>,
        %parallel_loop3A_495 = arith.constant 2 : i32
        %parallel_loop3A_496 = arith.index_cast %parallel_loop3A_495 : i32 to index
        %parallel_loop3A_497 = arith.index_cast %parallel_loop3A_470 : i32 to index
        %parallel_loop3A_498 = tpu.vector_load %arg8[%parallel_loop3A_496, %parallel_loop3A_497] {strides = array<i32>} : memref<8x4096xf32, #tpu.memory_space<vmem>>, vector<1x16xf32>,
        %parallel_loop3A_499 = vector.shape_cast %parallel_loop3A_498 : vector<1x16xf32> to vector<16xf32>
        %parallel_loop3A_500 = arith.addf %parallel_loop3A_499, %broadcast_in_dim3A_263 : vector<16xf32>
        %parallel_loop3A_501 = arith.constant 2 : i32
        %parallel_loop3A_502 = arith.index_cast %parallel_loop3A_501 : i32 to index
        %parallel_loop3A_503 = arith.index_cast %parallel_loop3A_470 : i32 to index
        %parallel_loop3A_504 = tpu.vector_load %arg8[%parallel_loop3A_502, %parallel_loop3A_503] {strides = array<i32>} : memref<8x4096xf32, #tpu.memory_space<vmem>>, vector<1x16xf32>,
        %parallel_loop3A_505 = vector.shape_cast %parallel_loop3A_504 : vector<1x16xf32> to vector<16xf32>
        %parallel_loop3A_506 = vector.shape_cast %parallel_loop3A_500 : vector<16xf32> to vector<1x16xf32>
        tpu.vector_store %arg8[%parallel_loop3A_502, %parallel_loop3A_503], %parallel_loop3A_506 {strides = array<i32>} : memref<8x4096xf32, #tpu.memory_space<vmem>>, vector<1x16xf32>,
        %parallel_loop3A_507 = arith.constant 3 : i32
        %parallel_loop3A_508 = arith.index_cast %parallel_loop3A_507 : i32 to index
        %parallel_loop3A_509 = arith.index_cast %parallel_loop3A_470 : i32 to index
        %parallel_loop3A_510 = tpu.vector_load %arg8[%parallel_loop3A_508, %parallel_loop3A_509] {strides = array<i32>} : memref<8x4096xf32, #tpu.memory_space<vmem>>, vector<1x16xf32>,
        %parallel_loop3A_511 = vector.shape_cast %parallel_loop3A_510 : vector<1x16xf32> to vector<16xf32>
        %parallel_loop3A_512 = arith.addf %parallel_loop3A_511, %broadcast_in_dim3A_266 : vector<16xf32>
        %parallel_loop3A_513 = arith.constant 3 : i32
        %parallel_loop3A_514 = arith.index_cast %parallel_loop3A_513 : i32 to index
        %parallel_loop3A_515 = arith.index_cast %parallel_loop3A_470 : i32 to index
        %parallel_loop3A_516 = tpu.vector_load %arg8[%parallel_loop3A_514, %parallel_loop3A_515] {strides = array<i32>} : memref<8x4096xf32, #tpu.memory_space<vmem>>, vector<1x16xf32>,
        %parallel_loop3A_517 = vector.shape_cast %parallel_loop3A_516 : vector<1x16xf32> to vector<16xf32>
        %parallel_loop3A_518 = vector.shape_cast %parallel_loop3A_512 : vector<16xf32> to vector<1x16xf32>
        tpu.vector_store %arg8[%parallel_loop3A_514, %parallel_loop3A_515], %parallel_loop3A_518 {strides = array<i32>} : memref<8x4096xf32, #tpu.memory_space<vmem>>, vector<1x16xf32>,
        %parallel_loop3A_519 = arith.constant 4 : i32
        %parallel_loop3A_520 = arith.index_cast %parallel_loop3A_519 : i32 to index
        %parallel_loop3A_521 = arith.index_cast %parallel_loop3A_470 : i32 to index
        %parallel_loop3A_522 = tpu.vector_load %arg8[%parallel_loop3A_520, %parallel_loop3A_521] {strides = array<i32>} : memref<8x4096xf32, #tpu.memory_space<vmem>>, vector<1x16xf32>,
        %parallel_loop3A_523 = vector.shape_cast %parallel_loop3A_522 : vector<1x16xf32> to vector<16xf32>
        %parallel_loop3A_524 = arith.addf %parallel_loop3A_523, %broadcast_in_dim3A_269 : vector<16xf32>
        %parallel_loop3A_525 = arith.constant 4 : i32
        %parallel_loop3A_526 = arith.index_cast %parallel_loop3A_525 : i32 to index
        %parallel_loop3A_527 = arith.index_cast %parallel_loop3A_470 : i32 to index
        %parallel_loop3A_528 = tpu.vector_load %arg8[%parallel_loop3A_526, %parallel_loop3A_527] {strides = array<i32>} : memref<8x4096xf32, #tpu.memory_space<vmem>>, vector<1x16xf32>,
        %parallel_loop3A_529 = vector.shape_cast %parallel_loop3A_528 : vector<1x16xf32> to vector<16xf32>
        %parallel_loop3A_530 = vector.shape_cast %parallel_loop3A_524 : vector<16xf32> to vector<1x16xf32>
        tpu.vector_store %arg8[%parallel_loop3A_526, %parallel_loop3A_527], %parallel_loop3A_530 {strides = array<i32>} : memref<8x4096xf32, #tpu.memory_space<vmem>>, vector<1x16xf32>,
        %parallel_loop3A_531 = arith.constant 5 : i32
        %parallel_loop3A_532 = arith.index_cast %parallel_loop3A_531 : i32 to index
        %parallel_loop3A_533 = arith.index_cast %parallel_loop3A_470 : i32 to index
        %parallel_loop3A_534 = tpu.vector_load %arg8[%parallel_loop3A_532, %parallel_loop3A_533] {strides = array<i32>} : memref<8x4096xf32, #tpu.memory_space<vmem>>, vector<1x16xf32>,
        %parallel_loop3A_535 = vector.shape_cast %parallel_loop3A_534 : vector<1x16xf32> to vector<16xf32>
        %parallel_loop3A_536 = arith.addf %parallel_loop3A_535, %broadcast_in_dim3A_272 : vector<16xf32>
        %parallel_loop3A_537 = arith.constant 5 : i32
        %parallel_loop3A_538 = arith.index_cast %parallel_loop3A_537 : i32 to index
        %parallel_loop3A_539 = arith.index_cast %parallel_loop3A_470 : i32 to index
        %parallel_loop3A_540 = tpu.vector_load %arg8[%parallel_loop3A_538, %parallel_loop3A_539] {strides = array<i32>} : memref<8x4096xf32, #tpu.memory_space<vmem>>, vector<1x16xf32>,
        %parallel_loop3A_541 = vector.shape_cast %parallel_loop3A_540 : vector<1x16xf32> to vector<16xf32>
        %parallel_loop3A_542 = vector.shape_cast %parallel_loop3A_536 : vector<16xf32> to vector<1x16xf32>
        tpu.vector_store %arg8[%parallel_loop3A_538, %parallel_loop3A_539], %parallel_loop3A_542 {strides = array<i32>} : memref<8x4096xf32, #tpu.memory_space<vmem>>, vector<1x16xf32>,
        %parallel_loop3A_543 = arith.constant 6 : i32
        %parallel_loop3A_544 = arith.index_cast %parallel_loop3A_543 : i32 to index
        %parallel_loop3A_545 = arith.index_cast %parallel_loop3A_470 : i32 to index
        %parallel_loop3A_546 = tpu.vector_load %arg8[%parallel_loop3A_544, %parallel_loop3A_545] {strides = array<i32>} : memref<8x4096xf32, #tpu.memory_space<vmem>>, vector<1x16xf32>,
        %parallel_loop3A_547 = vector.shape_cast %parallel_loop3A_546 : vector<1x16xf32> to vector<16xf32>
        %parallel_loop3A_548 = arith.addf %parallel_loop3A_547, %broadcast_in_dim3A_275 : vector<16xf32>
        %parallel_loop3A_549 = arith.constant 6 : i32
        %parallel_loop3A_550 = arith.index_cast %parallel_loop3A_549 : i32 to index
        %parallel_loop3A_551 = arith.index_cast %parallel_loop3A_470 : i32 to index
        %parallel_loop3A_552 = tpu.vector_load %arg8[%parallel_loop3A_550, %parallel_loop3A_551] {strides = array<i32>} : memref<8x4096xf32, #tpu.memory_space<vmem>>, vector<1x16xf32>,
        %parallel_loop3A_553 = vector.shape_cast %parallel_loop3A_552 : vector<1x16xf32> to vector<16xf32>
        %parallel_loop3A_554 = vector.shape_cast %parallel_loop3A_548 : vector<16xf32> to vector<1x16xf32>
        tpu.vector_store %arg8[%parallel_loop3A_550, %parallel_loop3A_551], %parallel_loop3A_554 {strides = array<i32>} : memref<8x4096xf32, #tpu.memory_space<vmem>>, vector<1x16xf32>,
        %parallel_loop3A_555 = arith.constant 7 : i32
        %parallel_loop3A_556 = arith.index_cast %parallel_loop3A_555 : i32 to index
        %parallel_loop3A_557 = arith.index_cast %parallel_loop3A_470 : i32 to index
        %parallel_loop3A_558 = tpu.vector_load %arg8[%parallel_loop3A_556, %parallel_loop3A_557] {strides = array<i32>} : memref<8x4096xf32, #tpu.memory_space<vmem>>, vector<1x16xf32>,
        %parallel_loop3A_559 = vector.shape_cast %parallel_loop3A_558 : vector<1x16xf32> to vector<16xf32>
        %parallel_loop3A_560 = arith.addf %parallel_loop3A_559, %broadcast_in_dim3A_278 : vector<16xf32>
        %parallel_loop3A_561 = arith.constant 7 : i32
        %parallel_loop3A_562 = arith.index_cast %parallel_loop3A_561 : i32 to index
        %parallel_loop3A_563 = arith.index_cast %parallel_loop3A_470 : i32 to index
        %parallel_loop3A_564 = tpu.vector_load %arg8[%parallel_loop3A_562, %parallel_loop3A_563] {strides = array<i32>} : memref<8x4096xf32, #tpu.memory_space<vmem>>, vector<1x16xf32>,
        %parallel_loop3A_565 = vector.shape_cast %parallel_loop3A_564 : vector<1x16xf32> to vector<16xf32>
        %parallel_loop3A_566 = vector.shape_cast %parallel_loop3A_560 : vector<16xf32> to vector<1x16xf32>
        tpu.vector_store %arg8[%parallel_loop3A_562, %parallel_loop3A_563], %parallel_loop3A_566 {strides = array<i32>} : memref<8x4096xf32, #tpu.memory_space<vmem>>, vector<1x16xf32>,
      } {sc.loop_unroll_factor = 8 : i64, sc.parallel_access}
      %dma_wait3A_282 = arith.constant 0 : i32
      %dma_wait3A_283 = arith.constant 0 : i32
      %dma_wait3A_284 = tpu.memref_slice %arg4[%dma_wait3A_282, %dma_wait3A_283] : memref<12800x4096xf32, #tpu.memory_space<hbm>> -> memref<8x4096xf32, #tpu.memory_space<hbm>>
      %dma_wait3A_285 = arith.constant 0 : i32
      %dma_wait3A_286 = arith.constant 0 : i32
      %dma_wait3A_287 = tpu.memref_slice %arg4[%dma_wait3A_285, %dma_wait3A_286] : memref<12800x4096xf32, #tpu.memory_space<hbm>> -> memref<8x4096xf32, #tpu.memory_space<hbm>>
      tpu.wait_dma2 semaphore(%arg13 : memref<!tpu.dma_semaphore, #tpu.memory_space<semaphore_mem>>) src(%arg7 : memref<8x4096xf32, #tpu.memory_space<vmem>>) dst(%dma_wait3A_287 : memref<8x4096xf32, #tpu.memory_space<hbm>>)
      %dma_start3A_288 = arith.constant 0 : i32
      %dma_start3A_289 = tpu.memref_slice %arg4[%add3A_241, %dma_start3A_288] : memref<12800x4096xf32, #tpu.memory_space<hbm>> -> memref<8x4096xf32, #tpu.memory_space<hbm>>
      %dma_start3A_290 = arith.constant 0 : i32
      %dma_start3A_291 = tpu.memref_slice %arg4[%add3A_241, %dma_start3A_290] : memref<12800x4096xf32, #tpu.memory_space<hbm>> -> memref<8x4096xf32, #tpu.memory_space<hbm>>
      tpu.enqueue_dma source(%arg8 : memref<8x4096xf32, #tpu.memory_space<vmem>>) target(%dma_start3A_291 : memref<8x4096xf32, #tpu.memory_space<hbm>>) target_semaphore(%arg14 : memref<!tpu.dma_semaphore, #tpu.memory_space<semaphore_mem>>)
      %add3A_292 = arith.constant 16 : i32
      %add3A_293 = arith.addi %add3A_241, %add3A_292 : i32
      %dma_start3A_294 = arith.constant 0 : i32
      %dma_start3A_295 = tpu.memref_slice %arg2[%add3A_293, %dma_start3A_294] : memref<12800x4096xf32, #tpu.memory_space<hbm>> -> memref<8x4096xf32, #tpu.memory_space<hbm>>
      %dma_start3A_296 = arith.constant 0 : i32
      %dma_start3A_297 = tpu.memref_slice %arg2[%add3A_293, %dma_start3A_296] : memref<12800x4096xf32, #tpu.memory_space<hbm>> -> memref<8x4096xf32, #tpu.memory_space<hbm>>
      tpu.enqueue_dma source(%dma_start3A_297 : memref<8x4096xf32, #tpu.memory_space<hbm>>) target(%arg7 : memref<8x4096xf32, #tpu.memory_space<vmem>>) target_semaphore(%arg10 : memref<!tpu.dma_semaphore, #tpu.memory_space<semaphore_mem>>)
      %add3A_298 = arith.constant 3 : i32
      %add3A_299 = arith.addi %mul3A_125, %add3A_298 : i32
      %mul3A_300 = arith.constant 8 : i32
      %mul3A_301 = arith.muli %add3A_299, %mul3A_300 : i32
      %add3A_302 = arith.addi %mul3A_2, %mul3A_301 : i32
      %dma_wait3A_303 = arith.constant 0 : i32
      %dma_wait3A_304 = arith.constant 0 : i32
      %dma_wait3A_305 = tpu.memref_slice %arg2[%dma_wait3A_303, %dma_wait3A_304] : memref<12800x4096xf32, #tpu.memory_space<hbm>> -> memref<8x4096xf32, #tpu.memory_space<hbm>>
      %dma_wait3A_306 = arith.constant 0 : i32
      %dma_wait3A_307 = arith.constant 0 : i32
      %dma_wait3A_308 = tpu.memref_slice %arg2[%dma_wait3A_306, %dma_wait3A_307] : memref<12800x4096xf32, #tpu.memory_space<hbm>> -> memref<8x4096xf32, #tpu.memory_space<hbm>>
      tpu.wait_dma2 semaphore(%arg9 : memref<!tpu.dma_semaphore, #tpu.memory_space<semaphore_mem>>) src(%dma_wait3A_308 : memref<8x4096xf32, #tpu.memory_space<hbm>>) dst(%arg6 : memref<8x4096xf32, #tpu.memory_space<vmem>>)
      %slice3A_309 = vector.extract_strided_slice %get3A_254 {offsets = [8], sizes = [1], strides = [1]} : vector<16xf32> to vector<1xf32>
      %squeeze3A_310 = vector.extract %slice3A_309[0] : f32 from vector<1xf32>
      %broadcast_in_dim3A_311 = vector.broadcast %squeeze3A_310 : f32 to vector<16xf32>
      %slice3A_312 = vector.extract_strided_slice %get3A_254 {offsets = [9], sizes = [1], strides = [1]} : vector<16xf32> to vector<1xf32>
      %squeeze3A_313 = vector.extract %slice3A_312[0] : f32 from vector<1xf32>
      %broadcast_in_dim3A_314 = vector.broadcast %squeeze3A_313 : f32 to vector<16xf32>
      %slice3A_315 = vector.extract_strided_slice %get3A_254 {offsets = [10], sizes = [1], strides = [1]} : vector<16xf32> to vector<1xf32>
      %squeeze3A_316 = vector.extract %slice3A_315[0] : f32 from vector<1xf32>
      %broadcast_in_dim3A_317 = vector.broadcast %squeeze3A_316 : f32 to vector<16xf32>
      %slice3A_318 = vector.extract_strided_slice %get3A_254 {offsets = [11], sizes = [1], strides = [1]} : vector<16xf32> to vector<1xf32>
      %squeeze3A_319 = vector.extract %slice3A_318[0] : f32 from vector<1xf32>
      %broadcast_in_dim3A_320 = vector.broadcast %squeeze3A_319 : f32 to vector<16xf32>
      %slice3A_321 = vector.extract_strided_slice %get3A_254 {offsets = [12], sizes = [1], strides = [1]} : vector<16xf32> to vector<1xf32>
      %squeeze3A_322 = vector.extract %slice3A_321[0] : f32 from vector<1xf32>
      %broadcast_in_dim3A_323 = vector.broadcast %squeeze3A_322 : f32 to vector<16xf32>
      %slice3A_324 = vector.extract_strided_slice %get3A_254 {offsets = [13], sizes = [1], strides = [1]} : vector<16xf32> to vector<1xf32>
      %squeeze3A_325 = vector.extract %slice3A_324[0] : f32 from vector<1xf32>
      %broadcast_in_dim3A_326 = vector.broadcast %squeeze3A_325 : f32 to vector<16xf32>
      %slice3A_327 = vector.extract_strided_slice %get3A_254 {offsets = [14], sizes = [1], strides = [1]} : vector<16xf32> to vector<1xf32>
      %squeeze3A_328 = vector.extract %slice3A_327[0] : f32 from vector<1xf32>
      %broadcast_in_dim3A_329 = vector.broadcast %squeeze3A_328 : f32 to vector<16xf32>
      %slice3A_330 = vector.extract_strided_slice %get3A_254 {offsets = [15], sizes = [1], strides = [1]} : vector<16xf32> to vector<1xf32>
      %squeeze3A_331 = vector.extract %slice3A_330[0] : f32 from vector<1xf32>
      %broadcast_in_dim3A_332 = vector.broadcast %squeeze3A_331 : f32 to vector<16xf32>
      %parallel_loop3A_333 = arith.constant 0 : i32
      %parallel_loop3A_334 = arith.constant 256 : i32
      %parallel_loop3A_335 = arith.constant 1 : i32
      scf.for %parallel_loop3A_468 = %parallel_loop3A_333 to %parallel_loop3A_334 step %parallel_loop3A_335  : i32 {
        %parallel_loop3A_469 = arith.constant 16 : i32
        %parallel_loop3A_470 = arith.muli %parallel_loop3A_468, %parallel_loop3A_469 : i32
        %parallel_loop3A_471 = arith.constant 0 : i32
        %parallel_loop3A_472 = arith.index_cast %parallel_loop3A_471 : i32 to index
        %parallel_loop3A_473 = arith.index_cast %parallel_loop3A_470 : i32 to index
        %parallel_loop3A_474 = tpu.vector_load %arg6[%parallel_loop3A_472, %parallel_loop3A_473] {strides = array<i32>} : memref<8x4096xf32, #tpu.memory_space<vmem>>, vector<1x16xf32>,
        %parallel_loop3A_475 = vector.shape_cast %parallel_loop3A_474 : vector<1x16xf32> to vector<16xf32>
        %parallel_loop3A_476 = arith.addf %parallel_loop3A_475, %broadcast_in_dim3A_311 : vector<16xf32>
        %parallel_loop3A_477 = arith.constant 0 : i32
        %parallel_loop3A_478 = arith.index_cast %parallel_loop3A_477 : i32 to index
        %parallel_loop3A_479 = arith.index_cast %parallel_loop3A_470 : i32 to index
        %parallel_loop3A_480 = tpu.vector_load %arg6[%parallel_loop3A_478, %parallel_loop3A_479] {strides = array<i32>} : memref<8x4096xf32, #tpu.memory_space<vmem>>, vector<1x16xf32>,
        %parallel_loop3A_481 = vector.shape_cast %parallel_loop3A_480 : vector<1x16xf32> to vector<16xf32>
        %parallel_loop3A_482 = vector.shape_cast %parallel_loop3A_476 : vector<16xf32> to vector<1x16xf32>
        tpu.vector_store %arg6[%parallel_loop3A_478, %parallel_loop3A_479], %parallel_loop3A_482 {strides = array<i32>} : memref<8x4096xf32, #tpu.memory_space<vmem>>, vector<1x16xf32>,
        %parallel_loop3A_483 = arith.constant 1 : i32
        %parallel_loop3A_484 = arith.index_cast %parallel_loop3A_483 : i32 to index
        %parallel_loop3A_485 = arith.index_cast %parallel_loop3A_470 : i32 to index
        %parallel_loop3A_486 = tpu.vector_load %arg6[%parallel_loop3A_484, %parallel_loop3A_485] {strides = array<i32>} : memref<8x4096xf32, #tpu.memory_space<vmem>>, vector<1x16xf32>,
        %parallel_loop3A_487 = vector.shape_cast %parallel_loop3A_486 : vector<1x16xf32> to vector<16xf32>
        %parallel_loop3A_488 = arith.addf %parallel_loop3A_487, %broadcast_in_dim3A_314 : vector<16xf32>
        %parallel_loop3A_489 = arith.constant 1 : i32
        %parallel_loop3A_490 = arith.index_cast %parallel_loop3A_489 : i32 to index
        %parallel_loop3A_491 = arith.index_cast %parallel_loop3A_470 : i32 to index
        %parallel_loop3A_492 = tpu.vector_load %arg6[%parallel_loop3A_490, %parallel_loop3A_491] {strides = array<i32>} : memref<8x4096xf32, #tpu.memory_space<vmem>>, vector<1x16xf32>,
        %parallel_loop3A_493 = vector.shape_cast %parallel_loop3A_492 : vector<1x16xf32> to vector<16xf32>
        %parallel_loop3A_494 = vector.shape_cast %parallel_loop3A_488 : vector<16xf32> to vector<1x16xf32>
        tpu.vector_store %arg6[%parallel_loop3A_490, %parallel_loop3A_491], %parallel_loop3A_494 {strides = array<i32>} : memref<8x4096xf32, #tpu.memory_space<vmem>>, vector<1x16xf32>,
        %parallel_loop3A_495 = arith.constant 2 : i32
        %parallel_loop3A_496 = arith.index_cast %parallel_loop3A_495 : i32 to index
        %parallel_loop3A_497 = arith.index_cast %parallel_loop3A_470 : i32 to index
        %parallel_loop3A_498 = tpu.vector_load %arg6[%parallel_loop3A_496, %parallel_loop3A_497] {strides = array<i32>} : memref<8x4096xf32, #tpu.memory_space<vmem>>, vector<1x16xf32>,
        %parallel_loop3A_499 = vector.shape_cast %parallel_loop3A_498 : vector<1x16xf32> to vector<16xf32>
        %parallel_loop3A_500 = arith.addf %parallel_loop3A_499, %broadcast_in_dim3A_317 : vector<16xf32>
        %parallel_loop3A_501 = arith.constant 2 : i32
        %parallel_loop3A_502 = arith.index_cast %parallel_loop3A_501 : i32 to index
        %parallel_loop3A_503 = arith.index_cast %parallel_loop3A_470 : i32 to index
        %parallel_loop3A_504 = tpu.vector_load %arg6[%parallel_loop3A_502, %parallel_loop3A_503] {strides = array<i32>} : memref<8x4096xf32, #tpu.memory_space<vmem>>, vector<1x16xf32>,
        %parallel_loop3A_505 = vector.shape_cast %parallel_loop3A_504 : vector<1x16xf32> to vector<16xf32>
        %parallel_loop3A_506 = vector.shape_cast %parallel_loop3A_500 : vector<16xf32> to vector<1x16xf32>
        tpu.vector_store %arg6[%parallel_loop3A_502, %parallel_loop3A_503], %parallel_loop3A_506 {strides = array<i32>} : memref<8x4096xf32, #tpu.memory_space<vmem>>, vector<1x16xf32>,
        %parallel_loop3A_507 = arith.constant 3 : i32
        %parallel_loop3A_508 = arith.index_cast %parallel_loop3A_507 : i32 to index
        %parallel_loop3A_509 = arith.index_cast %parallel_loop3A_470 : i32 to index
        %parallel_loop3A_510 = tpu.vector_load %arg6[%parallel_loop3A_508, %parallel_loop3A_509] {strides = array<i32>} : memref<8x4096xf32, #tpu.memory_space<vmem>>, vector<1x16xf32>,
        %parallel_loop3A_511 = vector.shape_cast %parallel_loop3A_510 : vector<1x16xf32> to vector<16xf32>
        %parallel_loop3A_512 = arith.addf %parallel_loop3A_511, %broadcast_in_dim3A_320 : vector<16xf32>
        %parallel_loop3A_513 = arith.constant 3 : i32
        %parallel_loop3A_514 = arith.index_cast %parallel_loop3A_513 : i32 to index
        %parallel_loop3A_515 = arith.index_cast %parallel_loop3A_470 : i32 to index
        %parallel_loop3A_516 = tpu.vector_load %arg6[%parallel_loop3A_514, %parallel_loop3A_515] {strides = array<i32>} : memref<8x4096xf32, #tpu.memory_space<vmem>>, vector<1x16xf32>,
        %parallel_loop3A_517 = vector.shape_cast %parallel_loop3A_516 : vector<1x16xf32> to vector<16xf32>
        %parallel_loop3A_518 = vector.shape_cast %parallel_loop3A_512 : vector<16xf32> to vector<1x16xf32>
        tpu.vector_store %arg6[%parallel_loop3A_514, %parallel_loop3A_515], %parallel_loop3A_518 {strides = array<i32>} : memref<8x4096xf32, #tpu.memory_space<vmem>>, vector<1x16xf32>,
        %parallel_loop3A_519 = arith.constant 4 : i32
        %parallel_loop3A_520 = arith.index_cast %parallel_loop3A_519 : i32 to index
        %parallel_loop3A_521 = arith.index_cast %parallel_loop3A_470 : i32 to index
        %parallel_loop3A_522 = tpu.vector_load %arg6[%parallel_loop3A_520, %parallel_loop3A_521] {strides = array<i32>} : memref<8x4096xf32, #tpu.memory_space<vmem>>, vector<1x16xf32>,
        %parallel_loop3A_523 = vector.shape_cast %parallel_loop3A_522 : vector<1x16xf32> to vector<16xf32>
        %parallel_loop3A_524 = arith.addf %parallel_loop3A_523, %broadcast_in_dim3A_323 : vector<16xf32>
        %parallel_loop3A_525 = arith.constant 4 : i32
        %parallel_loop3A_526 = arith.index_cast %parallel_loop3A_525 : i32 to index
        %parallel_loop3A_527 = arith.index_cast %parallel_loop3A_470 : i32 to index
        %parallel_loop3A_528 = tpu.vector_load %arg6[%parallel_loop3A_526, %parallel_loop3A_527] {strides = array<i32>} : memref<8x4096xf32, #tpu.memory_space<vmem>>, vector<1x16xf32>,
        %parallel_loop3A_529 = vector.shape_cast %parallel_loop3A_528 : vector<1x16xf32> to vector<16xf32>
        %parallel_loop3A_530 = vector.shape_cast %parallel_loop3A_524 : vector<16xf32> to vector<1x16xf32>
        tpu.vector_store %arg6[%parallel_loop3A_526, %parallel_loop3A_527], %parallel_loop3A_530 {strides = array<i32>} : memref<8x4096xf32, #tpu.memory_space<vmem>>, vector<1x16xf32>,
        %parallel_loop3A_531 = arith.constant 5 : i32
        %parallel_loop3A_532 = arith.index_cast %parallel_loop3A_531 : i32 to index
        %parallel_loop3A_533 = arith.index_cast %parallel_loop3A_470 : i32 to index
        %parallel_loop3A_534 = tpu.vector_load %arg6[%parallel_loop3A_532, %parallel_loop3A_533] {strides = array<i32>} : memref<8x4096xf32, #tpu.memory_space<vmem>>, vector<1x16xf32>,
        %parallel_loop3A_535 = vector.shape_cast %parallel_loop3A_534 : vector<1x16xf32> to vector<16xf32>
        %parallel_loop3A_536 = arith.addf %parallel_loop3A_535, %broadcast_in_dim3A_326 : vector<16xf32>
        %parallel_loop3A_537 = arith.constant 5 : i32
        %parallel_loop3A_538 = arith.index_cast %parallel_loop3A_537 : i32 to index
        %parallel_loop3A_539 = arith.index_cast %parallel_loop3A_470 : i32 to index
        %parallel_loop3A_540 = tpu.vector_load %arg6[%parallel_loop3A_538, %parallel_loop3A_539] {strides = array<i32>} : memref<8x4096xf32, #tpu.memory_space<vmem>>, vector<1x16xf32>,
        %parallel_loop3A_541 = vector.shape_cast %parallel_loop3A_540 : vector<1x16xf32> to vector<16xf32>
        %parallel_loop3A_542 = vector.shape_cast %parallel_loop3A_536 : vector<16xf32> to vector<1x16xf32>
        tpu.vector_store %arg6[%parallel_loop3A_538, %parallel_loop3A_539], %parallel_loop3A_542 {strides = array<i32>} : memref<8x4096xf32, #tpu.memory_space<vmem>>, vector<1x16xf32>,
        %parallel_loop3A_543 = arith.constant 6 : i32
        %parallel_loop3A_544 = arith.index_cast %parallel_loop3A_543 : i32 to index
        %parallel_loop3A_545 = arith.index_cast %parallel_loop3A_470 : i32 to index
        %parallel_loop3A_546 = tpu.vector_load %arg6[%parallel_loop3A_544, %parallel_loop3A_545] {strides = array<i32>} : memref<8x4096xf32, #tpu.memory_space<vmem>>, vector<1x16xf32>,
        %parallel_loop3A_547 = vector.shape_cast %parallel_loop3A_546 : vector<1x16xf32> to vector<16xf32>
        %parallel_loop3A_548 = arith.addf %parallel_loop3A_547, %broadcast_in_dim3A_329 : vector<16xf32>
        %parallel_loop3A_549 = arith.constant 6 : i32
        %parallel_loop3A_550 = arith.index_cast %parallel_loop3A_549 : i32 to index
        %parallel_loop3A_551 = arith.index_cast %parallel_loop3A_470 : i32 to index
        %parallel_loop3A_552 = tpu.vector_load %arg6[%parallel_loop3A_550, %parallel_loop3A_551] {strides = array<i32>} : memref<8x4096xf32, #tpu.memory_space<vmem>>, vector<1x16xf32>,
        %parallel_loop3A_553 = vector.shape_cast %parallel_loop3A_552 : vector<1x16xf32> to vector<16xf32>
        %parallel_loop3A_554 = vector.shape_cast %parallel_loop3A_548 : vector<16xf32> to vector<1x16xf32>
        tpu.vector_store %arg6[%parallel_loop3A_550, %parallel_loop3A_551], %parallel_loop3A_554 {strides = array<i32>} : memref<8x4096xf32, #tpu.memory_space<vmem>>, vector<1x16xf32>,
        %parallel_loop3A_555 = arith.constant 7 : i32
        %parallel_loop3A_556 = arith.index_cast %parallel_loop3A_555 : i32 to index
        %parallel_loop3A_557 = arith.index_cast %parallel_loop3A_470 : i32 to index
        %parallel_loop3A_558 = tpu.vector_load %arg6[%parallel_loop3A_556, %parallel_loop3A_557] {strides = array<i32>} : memref<8x4096xf32, #tpu.memory_space<vmem>>, vector<1x16xf32>,
        %parallel_loop3A_559 = vector.shape_cast %parallel_loop3A_558 : vector<1x16xf32> to vector<16xf32>
        %parallel_loop3A_560 = arith.addf %parallel_loop3A_559, %broadcast_in_dim3A_332 : vector<16xf32>
        %parallel_loop3A_561 = arith.constant 7 : i32
        %parallel_loop3A_562 = arith.index_cast %parallel_loop3A_561 : i32 to index
        %parallel_loop3A_563 = arith.index_cast %parallel_loop3A_470 : i32 to index
        %parallel_loop3A_564 = tpu.vector_load %arg6[%parallel_loop3A_562, %parallel_loop3A_563] {strides = array<i32>} : memref<8x4096xf32, #tpu.memory_space<vmem>>, vector<1x16xf32>,
        %parallel_loop3A_565 = vector.shape_cast %parallel_loop3A_564 : vector<1x16xf32> to vector<16xf32>
        %parallel_loop3A_566 = vector.shape_cast %parallel_loop3A_560 : vector<16xf32> to vector<1x16xf32>
        tpu.vector_store %arg6[%parallel_loop3A_562, %parallel_loop3A_563], %parallel_loop3A_566 {strides = array<i32>} : memref<8x4096xf32, #tpu.memory_space<vmem>>, vector<1x16xf32>,
      } {sc.loop_unroll_factor = 8 : i64, sc.parallel_access}
      %dma_wait3A_336 = arith.constant 0 : i32
      %dma_wait3A_337 = arith.constant 0 : i32
      %dma_wait3A_338 = tpu.memref_slice %arg4[%dma_wait3A_336, %dma_wait3A_337] : memref<12800x4096xf32, #tpu.memory_space<hbm>> -> memref<8x4096xf32, #tpu.memory_space<hbm>>
      %dma_wait3A_339 = arith.constant 0 : i32
      %dma_wait3A_340 = arith.constant 0 : i32
      %dma_wait3A_341 = tpu.memref_slice %arg4[%dma_wait3A_339, %dma_wait3A_340] : memref<12800x4096xf32, #tpu.memory_space<hbm>> -> memref<8x4096xf32, #tpu.memory_space<hbm>>
      tpu.wait_dma2 semaphore(%arg14 : memref<!tpu.dma_semaphore, #tpu.memory_space<semaphore_mem>>) src(%arg8 : memref<8x4096xf32, #tpu.memory_space<vmem>>) dst(%dma_wait3A_341 : memref<8x4096xf32, #tpu.memory_space<hbm>>)
      %dma_start3A_342 = arith.constant 0 : i32
      %dma_start3A_343 = tpu.memref_slice %arg4[%add3A_302, %dma_start3A_342] : memref<12800x4096xf32, #tpu.memory_space<hbm>> -> memref<8x4096xf32, #tpu.memory_space<hbm>>
      %dma_start3A_344 = arith.constant 0 : i32
      %dma_start3A_345 = tpu.memref_slice %arg4[%add3A_302, %dma_start3A_344] : memref<12800x4096xf32, #tpu.memory_space<hbm>> -> memref<8x4096xf32, #tpu.memory_space<hbm>>
      tpu.enqueue_dma source(%arg6 : memref<8x4096xf32, #tpu.memory_space<vmem>>) target(%dma_start3A_345 : memref<8x4096xf32, #tpu.memory_space<hbm>>) target_semaphore(%arg12 : memref<!tpu.dma_semaphore, #tpu.memory_space<semaphore_mem>>)
      %add3A_346 = arith.constant 16 : i32
      %add3A_347 = arith.addi %add3A_302, %add3A_346 : i32
      %dma_start3A_348 = arith.constant 0 : i32
      %dma_start3A_349 = tpu.memref_slice %arg2[%add3A_347, %dma_start3A_348] : memref<12800x4096xf32, #tpu.memory_space<hbm>> -> memref<8x4096xf32, #tpu.memory_space<hbm>>
      %dma_start3A_350 = arith.constant 0 : i32
      %dma_start3A_351 = tpu.memref_slice %arg2[%add3A_347, %dma_start3A_350] : memref<12800x4096xf32, #tpu.memory_space<hbm>> -> memref<8x4096xf32, #tpu.memory_space<hbm>>
      tpu.enqueue_dma source(%dma_start3A_351 : memref<8x4096xf32, #tpu.memory_space<hbm>>) target(%arg8 : memref<8x4096xf32, #tpu.memory_space<vmem>>) target_semaphore(%arg11 : memref<!tpu.dma_semaphore, #tpu.memory_space<semaphore_mem>>)
      %add3A_352 = arith.constant 4 : i32
      %add3A_353 = arith.addi %mul3A_125, %add3A_352 : i32
      %mul3A_354 = arith.constant 8 : i32
      %mul3A_355 = arith.muli %add3A_353, %mul3A_354 : i32
      %add3A_356 = arith.addi %mul3A_2, %mul3A_355 : i32
      %dma_wait3A_357 = arith.constant 0 : i32
      %dma_wait3A_358 = arith.constant 0 : i32
      %dma_wait3A_359 = tpu.memref_slice %arg2[%dma_wait3A_357, %dma_wait3A_358] : memref<12800x4096xf32, #tpu.memory_space<hbm>> -> memref<8x4096xf32, #tpu.memory_space<hbm>>
      %dma_wait3A_360 = arith.constant 0 : i32
      %dma_wait3A_361 = arith.constant 0 : i32
      %dma_wait3A_362 = tpu.memref_slice %arg2[%dma_wait3A_360, %dma_wait3A_361] : memref<12800x4096xf32, #tpu.memory_space<hbm>> -> memref<8x4096xf32, #tpu.memory_space<hbm>>
      tpu.wait_dma2 semaphore(%arg10 : memref<!tpu.dma_semaphore, #tpu.memory_space<semaphore_mem>>) src(%dma_wait3A_362 : memref<8x4096xf32, #tpu.memory_space<hbm>>) dst(%arg7 : memref<8x4096xf32, #tpu.memory_space<vmem>>)
      %add3A_363 = arith.constant 4 : i32
      %add3A_364 = arith.addi %mul3A_125, %add3A_363 : i32
      %mul3A_365 = arith.constant 8 : i32
      %mul3A_366 = arith.muli %add3A_364, %mul3A_365 : i32
      %get3A_367 = arith.index_cast %mul3A_366 : i32 to index
      %get3A_368 = tpu.vector_load %arg5[%get3A_367] {strides = array<i32>} : memref<400xf32, #tpu.memory_space<vmem>>, vector<16xf32>,
      %get3A_369 = vector.shape_cast %get3A_368 : vector<16xf32> to vector<16xf32>
      %slice3A_370 = vector.extract_strided_slice %get3A_369 {offsets = [0], sizes = [1], strides = [1]} : vector<16xf32> to vector<1xf32>
      %squeeze3A_371 = vector.extract %slice3A_370[0] : f32 from vector<1xf32>
      %broadcast_in_dim3A_372 = vector.broadcast %squeeze3A_371 : f32 to vector<16xf32>
      %slice3A_373 = vector.extract_strided_slice %get3A_369 {offsets = [1], sizes = [1], strides = [1]} : vector<16xf32> to vector<1xf32>
      %squeeze3A_374 = vector.extract %slice3A_373[0] : f32 from vector<1xf32>
      %broadcast_in_dim3A_375 = vector.broadcast %squeeze3A_374 : f32 to vector<16xf32>
      %slice3A_376 = vector.extract_strided_slice %get3A_369 {offsets = [2], sizes = [1], strides = [1]} : vector<16xf32> to vector<1xf32>
      %squeeze3A_377 = vector.extract %slice3A_376[0] : f32 from vector<1xf32>
      %broadcast_in_dim3A_378 = vector.broadcast %squeeze3A_377 : f32 to vector<16xf32>
      %slice3A_379 = vector.extract_strided_slice %get3A_369 {offsets = [3], sizes = [1], strides = [1]} : vector<16xf32> to vector<1xf32>
      %squeeze3A_380 = vector.extract %slice3A_379[0] : f32 from vector<1xf32>
      %broadcast_in_dim3A_381 = vector.broadcast %squeeze3A_380 : f32 to vector<16xf32>
      %slice3A_382 = vector.extract_strided_slice %get3A_369 {offsets = [4], sizes = [1], strides = [1]} : vector<16xf32> to vector<1xf32>
      %squeeze3A_383 = vector.extract %slice3A_382[0] : f32 from vector<1xf32>
      %broadcast_in_dim3A_384 = vector.broadcast %squeeze3A_383 : f32 to vector<16xf32>
      %slice3A_385 = vector.extract_strided_slice %get3A_369 {offsets = [5], sizes = [1], strides = [1]} : vector<16xf32> to vector<1xf32>
      %squeeze3A_386 = vector.extract %slice3A_385[0] : f32 from vector<1xf32>
      %broadcast_in_dim3A_387 = vector.broadcast %squeeze3A_386 : f32 to vector<16xf32>
      %slice3A_388 = vector.extract_strided_slice %get3A_369 {offsets = [6], sizes = [1], strides = [1]} : vector<16xf32> to vector<1xf32>
      %squeeze3A_389 = vector.extract %slice3A_388[0] : f32 from vector<1xf32>
      %broadcast_in_dim3A_390 = vector.broadcast %squeeze3A_389 : f32 to vector<16xf32>
      %slice3A_391 = vector.extract_strided_slice %get3A_369 {offsets = [7], sizes = [1], strides = [1]} : vector<16xf32> to vector<1xf32>
      %squeeze3A_392 = vector.extract %slice3A_391[0] : f32 from vector<1xf32>
      %broadcast_in_dim3A_393 = vector.broadcast %squeeze3A_392 : f32 to vector<16xf32>
      %parallel_loop3A_394 = arith.constant 0 : i32
      %parallel_loop3A_395 = arith.constant 256 : i32
      %parallel_loop3A_396 = arith.constant 1 : i32
      scf.for %parallel_loop3A_468 = %parallel_loop3A_394 to %parallel_loop3A_395 step %parallel_loop3A_396  : i32 {
        %parallel_loop3A_469 = arith.constant 16 : i32
        %parallel_loop3A_470 = arith.muli %parallel_loop3A_468, %parallel_loop3A_469 : i32
        %parallel_loop3A_471 = arith.constant 0 : i32
        %parallel_loop3A_472 = arith.index_cast %parallel_loop3A_471 : i32 to index
        %parallel_loop3A_473 = arith.index_cast %parallel_loop3A_470 : i32 to index
        %parallel_loop3A_474 = tpu.vector_load %arg7[%parallel_loop3A_472, %parallel_loop3A_473] {strides = array<i32>} : memref<8x4096xf32, #tpu.memory_space<vmem>>, vector<1x16xf32>,
        %parallel_loop3A_475 = vector.shape_cast %parallel_loop3A_474 : vector<1x16xf32> to vector<16xf32>
        %parallel_loop3A_476 = arith.addf %parallel_loop3A_475, %broadcast_in_dim3A_372 : vector<16xf32>
        %parallel_loop3A_477 = arith.constant 0 : i32
        %parallel_loop3A_478 = arith.index_cast %parallel_loop3A_477 : i32 to index
        %parallel_loop3A_479 = arith.index_cast %parallel_loop3A_470 : i32 to index
        %parallel_loop3A_480 = tpu.vector_load %arg7[%parallel_loop3A_478, %parallel_loop3A_479] {strides = array<i32>} : memref<8x4096xf32, #tpu.memory_space<vmem>>, vector<1x16xf32>,
        %parallel_loop3A_481 = vector.shape_cast %parallel_loop3A_480 : vector<1x16xf32> to vector<16xf32>
        %parallel_loop3A_482 = vector.shape_cast %parallel_loop3A_476 : vector<16xf32> to vector<1x16xf32>
        tpu.vector_store %arg7[%parallel_loop3A_478, %parallel_loop3A_479], %parallel_loop3A_482 {strides = array<i32>} : memref<8x4096xf32, #tpu.memory_space<vmem>>, vector<1x16xf32>,
        %parallel_loop3A_483 = arith.constant 1 : i32
        %parallel_loop3A_484 = arith.index_cast %parallel_loop3A_483 : i32 to index
        %parallel_loop3A_485 = arith.index_cast %parallel_loop3A_470 : i32 to index
        %parallel_loop3A_486 = tpu.vector_load %arg7[%parallel_loop3A_484, %parallel_loop3A_485] {strides = array<i32>} : memref<8x4096xf32, #tpu.memory_space<vmem>>, vector<1x16xf32>,
        %parallel_loop3A_487 = vector.shape_cast %parallel_loop3A_486 : vector<1x16xf32> to vector<16xf32>
        %parallel_loop3A_488 = arith.addf %parallel_loop3A_487, %broadcast_in_dim3A_375 : vector<16xf32>
        %parallel_loop3A_489 = arith.constant 1 : i32
        %parallel_loop3A_490 = arith.index_cast %parallel_loop3A_489 : i32 to index
        %parallel_loop3A_491 = arith.index_cast %parallel_loop3A_470 : i32 to index
        %parallel_loop3A_492 = tpu.vector_load %arg7[%parallel_loop3A_490, %parallel_loop3A_491] {strides = array<i32>} : memref<8x4096xf32, #tpu.memory_space<vmem>>, vector<1x16xf32>,
        %parallel_loop3A_493 = vector.shape_cast %parallel_loop3A_492 : vector<1x16xf32> to vector<16xf32>
        %parallel_loop3A_494 = vector.shape_cast %parallel_loop3A_488 : vector<16xf32> to vector<1x16xf32>
        tpu.vector_store %arg7[%parallel_loop3A_490, %parallel_loop3A_491], %parallel_loop3A_494 {strides = array<i32>} : memref<8x4096xf32, #tpu.memory_space<vmem>>, vector<1x16xf32>,
        %parallel_loop3A_495 = arith.constant 2 : i32
        %parallel_loop3A_496 = arith.index_cast %parallel_loop3A_495 : i32 to index
        %parallel_loop3A_497 = arith.index_cast %parallel_loop3A_470 : i32 to index
        %parallel_loop3A_498 = tpu.vector_load %arg7[%parallel_loop3A_496, %parallel_loop3A_497] {strides = array<i32>} : memref<8x4096xf32, #tpu.memory_space<vmem>>, vector<1x16xf32>,
        %parallel_loop3A_499 = vector.shape_cast %parallel_loop3A_498 : vector<1x16xf32> to vector<16xf32>
        %parallel_loop3A_500 = arith.addf %parallel_loop3A_499, %broadcast_in_dim3A_378 : vector<16xf32>
        %parallel_loop3A_501 = arith.constant 2 : i32
        %parallel_loop3A_502 = arith.index_cast %parallel_loop3A_501 : i32 to index
        %parallel_loop3A_503 = arith.index_cast %parallel_loop3A_470 : i32 to index
        %parallel_loop3A_504 = tpu.vector_load %arg7[%parallel_loop3A_502, %parallel_loop3A_503] {strides = array<i32>} : memref<8x4096xf32, #tpu.memory_space<vmem>>, vector<1x16xf32>,
        %parallel_loop3A_505 = vector.shape_cast %parallel_loop3A_504 : vector<1x16xf32> to vector<16xf32>
        %parallel_loop3A_506 = vector.shape_cast %parallel_loop3A_500 : vector<16xf32> to vector<1x16xf32>
        tpu.vector_store %arg7[%parallel_loop3A_502, %parallel_loop3A_503], %parallel_loop3A_506 {strides = array<i32>} : memref<8x4096xf32, #tpu.memory_space<vmem>>, vector<1x16xf32>,
        %parallel_loop3A_507 = arith.constant 3 : i32
        %parallel_loop3A_508 = arith.index_cast %parallel_loop3A_507 : i32 to index
        %parallel_loop3A_509 = arith.index_cast %parallel_loop3A_470 : i32 to index
        %parallel_loop3A_510 = tpu.vector_load %arg7[%parallel_loop3A_508, %parallel_loop3A_509] {strides = array<i32>} : memref<8x4096xf32, #tpu.memory_space<vmem>>, vector<1x16xf32>,
        %parallel_loop3A_511 = vector.shape_cast %parallel_loop3A_510 : vector<1x16xf32> to vector<16xf32>
        %parallel_loop3A_512 = arith.addf %parallel_loop3A_511, %broadcast_in_dim3A_381 : vector<16xf32>
        %parallel_loop3A_513 = arith.constant 3 : i32
        %parallel_loop3A_514 = arith.index_cast %parallel_loop3A_513 : i32 to index
        %parallel_loop3A_515 = arith.index_cast %parallel_loop3A_470 : i32 to index
        %parallel_loop3A_516 = tpu.vector_load %arg7[%parallel_loop3A_514, %parallel_loop3A_515] {strides = array<i32>} : memref<8x4096xf32, #tpu.memory_space<vmem>>, vector<1x16xf32>,
        %parallel_loop3A_517 = vector.shape_cast %parallel_loop3A_516 : vector<1x16xf32> to vector<16xf32>
        %parallel_loop3A_518 = vector.shape_cast %parallel_loop3A_512 : vector<16xf32> to vector<1x16xf32>
        tpu.vector_store %arg7[%parallel_loop3A_514, %parallel_loop3A_515], %parallel_loop3A_518 {strides = array<i32>} : memref<8x4096xf32, #tpu.memory_space<vmem>>, vector<1x16xf32>,
        %parallel_loop3A_519 = arith.constant 4 : i32
        %parallel_loop3A_520 = arith.index_cast %parallel_loop3A_519 : i32 to index
        %parallel_loop3A_521 = arith.index_cast %parallel_loop3A_470 : i32 to index
        %parallel_loop3A_522 = tpu.vector_load %arg7[%parallel_loop3A_520, %parallel_loop3A_521] {strides = array<i32>} : memref<8x4096xf32, #tpu.memory_space<vmem>>, vector<1x16xf32>,
        %parallel_loop3A_523 = vector.shape_cast %parallel_loop3A_522 : vector<1x16xf32> to vector<16xf32>
        %parallel_loop3A_524 = arith.addf %parallel_loop3A_523, %broadcast_in_dim3A_384 : vector<16xf32>
        %parallel_loop3A_525 = arith.constant 4 : i32
        %parallel_loop3A_526 = arith.index_cast %parallel_loop3A_525 : i32 to index
        %parallel_loop3A_527 = arith.index_cast %parallel_loop3A_470 : i32 to index
        %parallel_loop3A_528 = tpu.vector_load %arg7[%parallel_loop3A_526, %parallel_loop3A_527] {strides = array<i32>} : memref<8x4096xf32, #tpu.memory_space<vmem>>, vector<1x16xf32>,
        %parallel_loop3A_529 = vector.shape_cast %parallel_loop3A_528 : vector<1x16xf32> to vector<16xf32>
        %parallel_loop3A_530 = vector.shape_cast %parallel_loop3A_524 : vector<16xf32> to vector<1x16xf32>
        tpu.vector_store %arg7[%parallel_loop3A_526, %parallel_loop3A_527], %parallel_loop3A_530 {strides = array<i32>} : memref<8x4096xf32, #tpu.memory_space<vmem>>, vector<1x16xf32>,
        %parallel_loop3A_531 = arith.constant 5 : i32
        %parallel_loop3A_532 = arith.index_cast %parallel_loop3A_531 : i32 to index
        %parallel_loop3A_533 = arith.index_cast %parallel_loop3A_470 : i32 to index
        %parallel_loop3A_534 = tpu.vector_load %arg7[%parallel_loop3A_532, %parallel_loop3A_533] {strides = array<i32>} : memref<8x4096xf32, #tpu.memory_space<vmem>>, vector<1x16xf32>,
        %parallel_loop3A_535 = vector.shape_cast %parallel_loop3A_534 : vector<1x16xf32> to vector<16xf32>
        %parallel_loop3A_536 = arith.addf %parallel_loop3A_535, %broadcast_in_dim3A_387 : vector<16xf32>
        %parallel_loop3A_537 = arith.constant 5 : i32
        %parallel_loop3A_538 = arith.index_cast %parallel_loop3A_537 : i32 to index
        %parallel_loop3A_539 = arith.index_cast %parallel_loop3A_470 : i32 to index
        %parallel_loop3A_540 = tpu.vector_load %arg7[%parallel_loop3A_538, %parallel_loop3A_539] {strides = array<i32>} : memref<8x4096xf32, #tpu.memory_space<vmem>>, vector<1x16xf32>,
        %parallel_loop3A_541 = vector.shape_cast %parallel_loop3A_540 : vector<1x16xf32> to vector<16xf32>
        %parallel_loop3A_542 = vector.shape_cast %parallel_loop3A_536 : vector<16xf32> to vector<1x16xf32>
        tpu.vector_store %arg7[%parallel_loop3A_538, %parallel_loop3A_539], %parallel_loop3A_542 {strides = array<i32>} : memref<8x4096xf32, #tpu.memory_space<vmem>>, vector<1x16xf32>,
        %parallel_loop3A_543 = arith.constant 6 : i32
        %parallel_loop3A_544 = arith.index_cast %parallel_loop3A_543 : i32 to index
        %parallel_loop3A_545 = arith.index_cast %parallel_loop3A_470 : i32 to index
        %parallel_loop3A_546 = tpu.vector_load %arg7[%parallel_loop3A_544, %parallel_loop3A_545] {strides = array<i32>} : memref<8x4096xf32, #tpu.memory_space<vmem>>, vector<1x16xf32>,
        %parallel_loop3A_547 = vector.shape_cast %parallel_loop3A_546 : vector<1x16xf32> to vector<16xf32>
        %parallel_loop3A_548 = arith.addf %parallel_loop3A_547, %broadcast_in_dim3A_390 : vector<16xf32>
        %parallel_loop3A_549 = arith.constant 6 : i32
        %parallel_loop3A_550 = arith.index_cast %parallel_loop3A_549 : i32 to index
        %parallel_loop3A_551 = arith.index_cast %parallel_loop3A_470 : i32 to index
        %parallel_loop3A_552 = tpu.vector_load %arg7[%parallel_loop3A_550, %parallel_loop3A_551] {strides = array<i32>} : memref<8x4096xf32, #tpu.memory_space<vmem>>, vector<1x16xf32>,
        %parallel_loop3A_553 = vector.shape_cast %parallel_loop3A_552 : vector<1x16xf32> to vector<16xf32>
        %parallel_loop3A_554 = vector.shape_cast %parallel_loop3A_548 : vector<16xf32> to vector<1x16xf32>
        tpu.vector_store %arg7[%parallel_loop3A_550, %parallel_loop3A_551], %parallel_loop3A_554 {strides = array<i32>} : memref<8x4096xf32, #tpu.memory_space<vmem>>, vector<1x16xf32>,
        %parallel_loop3A_555 = arith.constant 7 : i32
        %parallel_loop3A_556 = arith.index_cast %parallel_loop3A_555 : i32 to index
        %parallel_loop3A_557 = arith.index_cast %parallel_loop3A_470 : i32 to index
        %parallel_loop3A_558 = tpu.vector_load %arg7[%parallel_loop3A_556, %parallel_loop3A_557] {strides = array<i32>} : memref<8x4096xf32, #tpu.memory_space<vmem>>, vector<1x16xf32>,
        %parallel_loop3A_559 = vector.shape_cast %parallel_loop3A_558 : vector<1x16xf32> to vector<16xf32>
        %parallel_loop3A_560 = arith.addf %parallel_loop3A_559, %broadcast_in_dim3A_393 : vector<16xf32>
        %parallel_loop3A_561 = arith.constant 7 : i32
        %parallel_loop3A_562 = arith.index_cast %parallel_loop3A_561 : i32 to index
        %parallel_loop3A_563 = arith.index_cast %parallel_loop3A_470 : i32 to index
        %parallel_loop3A_564 = tpu.vector_load %arg7[%parallel_loop3A_562, %parallel_loop3A_563] {strides = array<i32>} : memref<8x4096xf32, #tpu.memory_space<vmem>>, vector<1x16xf32>,
        %parallel_loop3A_565 = vector.shape_cast %parallel_loop3A_564 : vector<1x16xf32> to vector<16xf32>
        %parallel_loop3A_566 = vector.shape_cast %parallel_loop3A_560 : vector<16xf32> to vector<1x16xf32>
        tpu.vector_store %arg7[%parallel_loop3A_562, %parallel_loop3A_563], %parallel_loop3A_566 {strides = array<i32>} : memref<8x4096xf32, #tpu.memory_space<vmem>>, vector<1x16xf32>,
      } {sc.loop_unroll_factor = 8 : i64, sc.parallel_access}
      %dma_wait3A_397 = arith.constant 0 : i32
      %dma_wait3A_398 = arith.constant 0 : i32
      %dma_wait3A_399 = tpu.memref_slice %arg4[%dma_wait3A_397, %dma_wait3A_398] : memref<12800x4096xf32, #tpu.memory_space<hbm>> -> memref<8x4096xf32, #tpu.memory_space<hbm>>
      %dma_wait3A_400 = arith.constant 0 : i32
      %dma_wait3A_401 = arith.constant 0 : i32
      %dma_wait3A_402 = tpu.memref_slice %arg4[%dma_wait3A_400, %dma_wait3A_401] : memref<12800x4096xf32, #tpu.memory_space<hbm>> -> memref<8x4096xf32, #tpu.memory_space<hbm>>
      tpu.wait_dma2 semaphore(%arg12 : memref<!tpu.dma_semaphore, #tpu.memory_space<semaphore_mem>>) src(%arg6 : memref<8x4096xf32, #tpu.memory_space<vmem>>) dst(%dma_wait3A_402 : memref<8x4096xf32, #tpu.memory_space<hbm>>)
      %dma_start3A_403 = arith.constant 0 : i32
      %dma_start3A_404 = tpu.memref_slice %arg4[%add3A_356, %dma_start3A_403] : memref<12800x4096xf32, #tpu.memory_space<hbm>> -> memref<8x4096xf32, #tpu.memory_space<hbm>>
      %dma_start3A_405 = arith.constant 0 : i32
      %dma_start3A_406 = tpu.memref_slice %arg4[%add3A_356, %dma_start3A_405] : memref<12800x4096xf32, #tpu.memory_space<hbm>> -> memref<8x4096xf32, #tpu.memory_space<hbm>>
      tpu.enqueue_dma source(%arg7 : memref<8x4096xf32, #tpu.memory_space<vmem>>) target(%dma_start3A_406 : memref<8x4096xf32, #tpu.memory_space<hbm>>) target_semaphore(%arg13 : memref<!tpu.dma_semaphore, #tpu.memory_space<semaphore_mem>>)
      %add3A_407 = arith.constant 16 : i32
      %add3A_408 = arith.addi %add3A_356, %add3A_407 : i32
      %dma_start3A_409 = arith.constant 0 : i32
      %dma_start3A_410 = tpu.memref_slice %arg2[%add3A_408, %dma_start3A_409] : memref<12800x4096xf32, #tpu.memory_space<hbm>> -> memref<8x4096xf32, #tpu.memory_space<hbm>>
      %dma_start3A_411 = arith.constant 0 : i32
      %dma_start3A_412 = tpu.memref_slice %arg2[%add3A_408, %dma_start3A_411] : memref<12800x4096xf32, #tpu.memory_space<hbm>> -> memref<8x4096xf32, #tpu.memory_space<hbm>>
      tpu.enqueue_dma source(%dma_start3A_412 : memref<8x4096xf32, #tpu.memory_space<hbm>>) target(%arg6 : memref<8x4096xf32, #tpu.memory_space<vmem>>) target_semaphore(%arg9 : memref<!tpu.dma_semaphore, #tpu.memory_space<semaphore_mem>>)
      %add3A_413 = arith.constant 5 : i32
      %add3A_414 = arith.addi %mul3A_125, %add3A_413 : i32
      %mul3A_415 = arith.constant 8 : i32
      %mul3A_416 = arith.muli %add3A_414, %mul3A_415 : i32
      %add3A_417 = arith.addi %mul3A_2, %mul3A_416 : i32
      %dma_wait3A_418 = arith.constant 0 : i32
      %dma_wait3A_419 = arith.constant 0 : i32
      %dma_wait3A_420 = tpu.memref_slice %arg2[%dma_wait3A_418, %dma_wait3A_419] : memref<12800x4096xf32, #tpu.memory_space<hbm>> -> memref<8x4096xf32, #tpu.memory_space<hbm>>
      %dma_wait3A_421 = arith.constant 0 : i32
      %dma_wait3A_422 = arith.constant 0 : i32
      %dma_wait3A_423 = tpu.memref_slice %arg2[%dma_wait3A_421, %dma_wait3A_422] : memref<12800x4096xf32, #tpu.memory_space<hbm>> -> memref<8x4096xf32, #tpu.memory_space<hbm>>
      tpu.wait_dma2 semaphore(%arg11 : memref<!tpu.dma_semaphore, #tpu.memory_space<semaphore_mem>>) src(%dma_wait3A_423 : memref<8x4096xf32, #tpu.memory_space<hbm>>) dst(%arg8 : memref<8x4096xf32, #tpu.memory_space<vmem>>)
      %slice3A_424 = vector.extract_strided_slice %get3A_369 {offsets = [8], sizes = [1], strides = [1]} : vector<16xf32> to vector<1xf32>
      %squeeze3A_425 = vector.extract %slice3A_424[0] : f32 from vector<1xf32>
      %broadcast_in_dim3A_426 = vector.broadcast %squeeze3A_425 : f32 to vector<16xf32>
      %slice3A_427 = vector.extract_strided_slice %get3A_369 {offsets = [9], sizes = [1], strides = [1]} : vector<16xf32> to vector<1xf32>
      %squeeze3A_428 = vector.extract %slice3A_427[0] : f32 from vector<1xf32>
      %broadcast_in_dim3A_429 = vector.broadcast %squeeze3A_428 : f32 to vector<16xf32>
      %slice3A_430 = vector.extract_strided_slice %get3A_369 {offsets = [10], sizes = [1], strides = [1]} : vector<16xf32> to vector<1xf32>
      %squeeze3A_431 = vector.extract %slice3A_430[0] : f32 from vector<1xf32>
      %broadcast_in_dim3A_432 = vector.broadcast %squeeze3A_431 : f32 to vector<16xf32>
      %slice3A_433 = vector.extract_strided_slice %get3A_369 {offsets = [11], sizes = [1], strides = [1]} : vector<16xf32> to vector<1xf32>
      %squeeze3A_434 = vector.extract %slice3A_433[0] : f32 from vector<1xf32>
      %broadcast_in_dim3A_435 = vector.broadcast %squeeze3A_434 : f32 to vector<16xf32>
      %slice3A_436 = vector.extract_strided_slice %get3A_369 {offsets = [12], sizes = [1], strides = [1]} : vector<16xf32> to vector<1xf32>
      %squeeze3A_437 = vector.extract %slice3A_436[0] : f32 from vector<1xf32>
      %broadcast_in_dim3A_438 = vector.broadcast %squeeze3A_437 : f32 to vector<16xf32>
      %slice3A_439 = vector.extract_strided_slice %get3A_369 {offsets = [13], sizes = [1], strides = [1]} : vector<16xf32> to vector<1xf32>
      %squeeze3A_440 = vector.extract %slice3A_439[0] : f32 from vector<1xf32>
      %broadcast_in_dim3A_441 = vector.broadcast %squeeze3A_440 : f32 to vector<16xf32>
      %slice3A_442 = vector.extract_strided_slice %get3A_369 {offsets = [14], sizes = [1], strides = [1]} : vector<16xf32> to vector<1xf32>
      %squeeze3A_443 = vector.extract %slice3A_442[0] : f32 from vector<1xf32>
      %broadcast_in_dim3A_444 = vector.broadcast %squeeze3A_443 : f32 to vector<16xf32>
      %slice3A_445 = vector.extract_strided_slice %get3A_369 {offsets = [15], sizes = [1], strides = [1]} : vector<16xf32> to vector<1xf32>
      %squeeze3A_446 = vector.extract %slice3A_445[0] : f32 from vector<1xf32>
      %broadcast_in_dim3A_447 = vector.broadcast %squeeze3A_446 : f32 to vector<16xf32>
      %parallel_loop3A_448 = arith.constant 0 : i32
      %parallel_loop3A_449 = arith.constant 256 : i32
      %parallel_loop3A_450 = arith.constant 1 : i32
      scf.for %parallel_loop3A_468 = %parallel_loop3A_448 to %parallel_loop3A_449 step %parallel_loop3A_450  : i32 {
        %parallel_loop3A_469 = arith.constant 16 : i32
        %parallel_loop3A_470 = arith.muli %parallel_loop3A_468, %parallel_loop3A_469 : i32
        %parallel_loop3A_471 = arith.constant 0 : i32
        %parallel_loop3A_472 = arith.index_cast %parallel_loop3A_471 : i32 to index
        %parallel_loop3A_473 = arith.index_cast %parallel_loop3A_470 : i32 to index
        %parallel_loop3A_474 = tpu.vector_load %arg8[%parallel_loop3A_472, %parallel_loop3A_473] {strides = array<i32>} : memref<8x4096xf32, #tpu.memory_space<vmem>>, vector<1x16xf32>,
        %parallel_loop3A_475 = vector.shape_cast %parallel_loop3A_474 : vector<1x16xf32> to vector<16xf32>
        %parallel_loop3A_476 = arith.addf %parallel_loop3A_475, %broadcast_in_dim3A_426 : vector<16xf32>
        %parallel_loop3A_477 = arith.constant 0 : i32
        %parallel_loop3A_478 = arith.index_cast %parallel_loop3A_477 : i32 to index
        %parallel_loop3A_479 = arith.index_cast %parallel_loop3A_470 : i32 to index
        %parallel_loop3A_480 = tpu.vector_load %arg8[%parallel_loop3A_478, %parallel_loop3A_479] {strides = array<i32>} : memref<8x4096xf32, #tpu.memory_space<vmem>>, vector<1x16xf32>,
        %parallel_loop3A_481 = vector.shape_cast %parallel_loop3A_480 : vector<1x16xf32> to vector<16xf32>
        %parallel_loop3A_482 = vector.shape_cast %parallel_loop3A_476 : vector<16xf32> to vector<1x16xf32>
        tpu.vector_store %arg8[%parallel_loop3A_478, %parallel_loop3A_479], %parallel_loop3A_482 {strides = array<i32>} : memref<8x4096xf32, #tpu.memory_space<vmem>>, vector<1x16xf32>,
        %parallel_loop3A_483 = arith.constant 1 : i32
        %parallel_loop3A_484 = arith.index_cast %parallel_loop3A_483 : i32 to index
        %parallel_loop3A_485 = arith.index_cast %parallel_loop3A_470 : i32 to index
        %parallel_loop3A_486 = tpu.vector_load %arg8[%parallel_loop3A_484, %parallel_loop3A_485] {strides = array<i32>} : memref<8x4096xf32, #tpu.memory_space<vmem>>, vector<1x16xf32>,
        %parallel_loop3A_487 = vector.shape_cast %parallel_loop3A_486 : vector<1x16xf32> to vector<16xf32>
        %parallel_loop3A_488 = arith.addf %parallel_loop3A_487, %broadcast_in_dim3A_429 : vector<16xf32>
        %parallel_loop3A_489 = arith.constant 1 : i32
        %parallel_loop3A_490 = arith.index_cast %parallel_loop3A_489 : i32 to index
        %parallel_loop3A_491 = arith.index_cast %parallel_loop3A_470 : i32 to index
        %parallel_loop3A_492 = tpu.vector_load %arg8[%parallel_loop3A_490, %parallel_loop3A_491] {strides = array<i32>} : memref<8x4096xf32, #tpu.memory_space<vmem>>, vector<1x16xf32>,
        %parallel_loop3A_493 = vector.shape_cast %parallel_loop3A_492 : vector<1x16xf32> to vector<16xf32>
        %parallel_loop3A_494 = vector.shape_cast %parallel_loop3A_488 : vector<16xf32> to vector<1x16xf32>
        tpu.vector_store %arg8[%parallel_loop3A_490, %parallel_loop3A_491], %parallel_loop3A_494 {strides = array<i32>} : memref<8x4096xf32, #tpu.memory_space<vmem>>, vector<1x16xf32>,
        %parallel_loop3A_495 = arith.constant 2 : i32
        %parallel_loop3A_496 = arith.index_cast %parallel_loop3A_495 : i32 to index
        %parallel_loop3A_497 = arith.index_cast %parallel_loop3A_470 : i32 to index
        %parallel_loop3A_498 = tpu.vector_load %arg8[%parallel_loop3A_496, %parallel_loop3A_497] {strides = array<i32>} : memref<8x4096xf32, #tpu.memory_space<vmem>>, vector<1x16xf32>,
        %parallel_loop3A_499 = vector.shape_cast %parallel_loop3A_498 : vector<1x16xf32> to vector<16xf32>
        %parallel_loop3A_500 = arith.addf %parallel_loop3A_499, %broadcast_in_dim3A_432 : vector<16xf32>
        %parallel_loop3A_501 = arith.constant 2 : i32
        %parallel_loop3A_502 = arith.index_cast %parallel_loop3A_501 : i32 to index
        %parallel_loop3A_503 = arith.index_cast %parallel_loop3A_470 : i32 to index
        %parallel_loop3A_504 = tpu.vector_load %arg8[%parallel_loop3A_502, %parallel_loop3A_503] {strides = array<i32>} : memref<8x4096xf32, #tpu.memory_space<vmem>>, vector<1x16xf32>,
        %parallel_loop3A_505 = vector.shape_cast %parallel_loop3A_504 : vector<1x16xf32> to vector<16xf32>
        %parallel_loop3A_506 = vector.shape_cast %parallel_loop3A_500 : vector<16xf32> to vector<1x16xf32>
        tpu.vector_store %arg8[%parallel_loop3A_502, %parallel_loop3A_503], %parallel_loop3A_506 {strides = array<i32>} : memref<8x4096xf32, #tpu.memory_space<vmem>>, vector<1x16xf32>,
        %parallel_loop3A_507 = arith.constant 3 : i32
        %parallel_loop3A_508 = arith.index_cast %parallel_loop3A_507 : i32 to index
        %parallel_loop3A_509 = arith.index_cast %parallel_loop3A_470 : i32 to index
        %parallel_loop3A_510 = tpu.vector_load %arg8[%parallel_loop3A_508, %parallel_loop3A_509] {strides = array<i32>} : memref<8x4096xf32, #tpu.memory_space<vmem>>, vector<1x16xf32>,
        %parallel_loop3A_511 = vector.shape_cast %parallel_loop3A_510 : vector<1x16xf32> to vector<16xf32>
        %parallel_loop3A_512 = arith.addf %parallel_loop3A_511, %broadcast_in_dim3A_435 : vector<16xf32>
        %parallel_loop3A_513 = arith.constant 3 : i32
        %parallel_loop3A_514 = arith.index_cast %parallel_loop3A_513 : i32 to index
        %parallel_loop3A_515 = arith.index_cast %parallel_loop3A_470 : i32 to index
        %parallel_loop3A_516 = tpu.vector_load %arg8[%parallel_loop3A_514, %parallel_loop3A_515] {strides = array<i32>} : memref<8x4096xf32, #tpu.memory_space<vmem>>, vector<1x16xf32>,
        %parallel_loop3A_517 = vector.shape_cast %parallel_loop3A_516 : vector<1x16xf32> to vector<16xf32>
        %parallel_loop3A_518 = vector.shape_cast %parallel_loop3A_512 : vector<16xf32> to vector<1x16xf32>
        tpu.vector_store %arg8[%parallel_loop3A_514, %parallel_loop3A_515], %parallel_loop3A_518 {strides = array<i32>} : memref<8x4096xf32, #tpu.memory_space<vmem>>, vector<1x16xf32>,
        %parallel_loop3A_519 = arith.constant 4 : i32
        %parallel_loop3A_520 = arith.index_cast %parallel_loop3A_519 : i32 to index
        %parallel_loop3A_521 = arith.index_cast %parallel_loop3A_470 : i32 to index
        %parallel_loop3A_522 = tpu.vector_load %arg8[%parallel_loop3A_520, %parallel_loop3A_521] {strides = array<i32>} : memref<8x4096xf32, #tpu.memory_space<vmem>>, vector<1x16xf32>,
        %parallel_loop3A_523 = vector.shape_cast %parallel_loop3A_522 : vector<1x16xf32> to vector<16xf32>
        %parallel_loop3A_524 = arith.addf %parallel_loop3A_523, %broadcast_in_dim3A_438 : vector<16xf32>
        %parallel_loop3A_525 = arith.constant 4 : i32
        %parallel_loop3A_526 = arith.index_cast %parallel_loop3A_525 : i32 to index
        %parallel_loop3A_527 = arith.index_cast %parallel_loop3A_470 : i32 to index
        %parallel_loop3A_528 = tpu.vector_load %arg8[%parallel_loop3A_526, %parallel_loop3A_527] {strides = array<i32>} : memref<8x4096xf32, #tpu.memory_space<vmem>>, vector<1x16xf32>,
        %parallel_loop3A_529 = vector.shape_cast %parallel_loop3A_528 : vector<1x16xf32> to vector<16xf32>
        %parallel_loop3A_530 = vector.shape_cast %parallel_loop3A_524 : vector<16xf32> to vector<1x16xf32>
        tpu.vector_store %arg8[%parallel_loop3A_526, %parallel_loop3A_527], %parallel_loop3A_530 {strides = array<i32>} : memref<8x4096xf32, #tpu.memory_space<vmem>>, vector<1x16xf32>,
        %parallel_loop3A_531 = arith.constant 5 : i32
        %parallel_loop3A_532 = arith.index_cast %parallel_loop3A_531 : i32 to index
        %parallel_loop3A_533 = arith.index_cast %parallel_loop3A_470 : i32 to index
        %parallel_loop3A_534 = tpu.vector_load %arg8[%parallel_loop3A_532, %parallel_loop3A_533] {strides = array<i32>} : memref<8x4096xf32, #tpu.memory_space<vmem>>, vector<1x16xf32>,
        %parallel_loop3A_535 = vector.shape_cast %parallel_loop3A_534 : vector<1x16xf32> to vector<16xf32>
        %parallel_loop3A_536 = arith.addf %parallel_loop3A_535, %broadcast_in_dim3A_441 : vector<16xf32>
        %parallel_loop3A_537 = arith.constant 5 : i32
        %parallel_loop3A_538 = arith.index_cast %parallel_loop3A_537 : i32 to index
        %parallel_loop3A_539 = arith.index_cast %parallel_loop3A_470 : i32 to index
        %parallel_loop3A_540 = tpu.vector_load %arg8[%parallel_loop3A_538, %parallel_loop3A_539] {strides = array<i32>} : memref<8x4096xf32, #tpu.memory_space<vmem>>, vector<1x16xf32>,
        %parallel_loop3A_541 = vector.shape_cast %parallel_loop3A_540 : vector<1x16xf32> to vector<16xf32>
        %parallel_loop3A_542 = vector.shape_cast %parallel_loop3A_536 : vector<16xf32> to vector<1x16xf32>
        tpu.vector_store %arg8[%parallel_loop3A_538, %parallel_loop3A_539], %parallel_loop3A_542 {strides = array<i32>} : memref<8x4096xf32, #tpu.memory_space<vmem>>, vector<1x16xf32>,
        %parallel_loop3A_543 = arith.constant 6 : i32
        %parallel_loop3A_544 = arith.index_cast %parallel_loop3A_543 : i32 to index
        %parallel_loop3A_545 = arith.index_cast %parallel_loop3A_470 : i32 to index
        %parallel_loop3A_546 = tpu.vector_load %arg8[%parallel_loop3A_544, %parallel_loop3A_545] {strides = array<i32>} : memref<8x4096xf32, #tpu.memory_space<vmem>>, vector<1x16xf32>,
        %parallel_loop3A_547 = vector.shape_cast %parallel_loop3A_546 : vector<1x16xf32> to vector<16xf32>
        %parallel_loop3A_548 = arith.addf %parallel_loop3A_547, %broadcast_in_dim3A_444 : vector<16xf32>
        %parallel_loop3A_549 = arith.constant 6 : i32
        %parallel_loop3A_550 = arith.index_cast %parallel_loop3A_549 : i32 to index
        %parallel_loop3A_551 = arith.index_cast %parallel_loop3A_470 : i32 to index
        %parallel_loop3A_552 = tpu.vector_load %arg8[%parallel_loop3A_550, %parallel_loop3A_551] {strides = array<i32>} : memref<8x4096xf32, #tpu.memory_space<vmem>>, vector<1x16xf32>,
        %parallel_loop3A_553 = vector.shape_cast %parallel_loop3A_552 : vector<1x16xf32> to vector<16xf32>
        %parallel_loop3A_554 = vector.shape_cast %parallel_loop3A_548 : vector<16xf32> to vector<1x16xf32>
        tpu.vector_store %arg8[%parallel_loop3A_550, %parallel_loop3A_551], %parallel_loop3A_554 {strides = array<i32>} : memref<8x4096xf32, #tpu.memory_space<vmem>>, vector<1x16xf32>,
        %parallel_loop3A_555 = arith.constant 7 : i32
        %parallel_loop3A_556 = arith.index_cast %parallel_loop3A_555 : i32 to index
        %parallel_loop3A_557 = arith.index_cast %parallel_loop3A_470 : i32 to index
        %parallel_loop3A_558 = tpu.vector_load %arg8[%parallel_loop3A_556, %parallel_loop3A_557] {strides = array<i32>} : memref<8x4096xf32, #tpu.memory_space<vmem>>, vector<1x16xf32>,
        %parallel_loop3A_559 = vector.shape_cast %parallel_loop3A_558 : vector<1x16xf32> to vector<16xf32>
        %parallel_loop3A_560 = arith.addf %parallel_loop3A_559, %broadcast_in_dim3A_447 : vector<16xf32>
        %parallel_loop3A_561 = arith.constant 7 : i32
        %parallel_loop3A_562 = arith.index_cast %parallel_loop3A_561 : i32 to index
        %parallel_loop3A_563 = arith.index_cast %parallel_loop3A_470 : i32 to index
        %parallel_loop3A_564 = tpu.vector_load %arg8[%parallel_loop3A_562, %parallel_loop3A_563] {strides = array<i32>} : memref<8x4096xf32, #tpu.memory_space<vmem>>, vector<1x16xf32>,
        %parallel_loop3A_565 = vector.shape_cast %parallel_loop3A_564 : vector<1x16xf32> to vector<16xf32>
        %parallel_loop3A_566 = vector.shape_cast %parallel_loop3A_560 : vector<16xf32> to vector<1x16xf32>
        tpu.vector_store %arg8[%parallel_loop3A_562, %parallel_loop3A_563], %parallel_loop3A_566 {strides = array<i32>} : memref<8x4096xf32, #tpu.memory_space<vmem>>, vector<1x16xf32>,
      } {sc.loop_unroll_factor = 8 : i64, sc.parallel_access}
      %dma_wait3A_451 = arith.constant 0 : i32
      %dma_wait3A_452 = arith.constant 0 : i32
      %dma_wait3A_453 = tpu.memref_slice %arg4[%dma_wait3A_451, %dma_wait3A_452] : memref<12800x4096xf32, #tpu.memory_space<hbm>> -> memref<8x4096xf32, #tpu.memory_space<hbm>>
      %dma_wait3A_454 = arith.constant 0 : i32
      %dma_wait3A_455 = arith.constant 0 : i32
      %dma_wait3A_456 = tpu.memref_slice %arg4[%dma_wait3A_454, %dma_wait3A_455] : memref<12800x4096xf32, #tpu.memory_space<hbm>> -> memref<8x4096xf32, #tpu.memory_space<hbm>>
      tpu.wait_dma2 semaphore(%arg13 : memref<!tpu.dma_semaphore, #tpu.memory_space<semaphore_mem>>) src(%arg7 : memref<8x4096xf32, #tpu.memory_space<vmem>>) dst(%dma_wait3A_456 : memref<8x4096xf32, #tpu.memory_space<hbm>>)
      %dma_start3A_457 = arith.constant 0 : i32
      %dma_start3A_458 = tpu.memref_slice %arg4[%add3A_417, %dma_start3A_457] : memref<12800x4096xf32, #tpu.memory_space<hbm>> -> memref<8x4096xf32, #tpu.memory_space<hbm>>
      %dma_start3A_459 = arith.constant 0 : i32
      %dma_start3A_460 = tpu.memref_slice %arg4[%add3A_417, %dma_start3A_459] : memref<12800x4096xf32, #tpu.memory_space<hbm>> -> memref<8x4096xf32, #tpu.memory_space<hbm>>
      tpu.enqueue_dma source(%arg8 : memref<8x4096xf32, #tpu.memory_space<vmem>>) target(%dma_start3A_460 : memref<8x4096xf32, #tpu.memory_space<hbm>>) target_semaphore(%arg14 : memref<!tpu.dma_semaphore, #tpu.memory_space<semaphore_mem>>)
      %add3A_461 = arith.constant 16 : i32
      %add3A_462 = arith.addi %add3A_417, %add3A_461 : i32
      %dma_start3A_463 = arith.constant 0 : i32
      %dma_start3A_464 = tpu.memref_slice %arg2[%add3A_462, %dma_start3A_463] : memref<12800x4096xf32, #tpu.memory_space<hbm>> -> memref<8x4096xf32, #tpu.memory_space<hbm>>
      %dma_start3A_465 = arith.constant 0 : i32
      %dma_start3A_466 = tpu.memref_slice %arg2[%add3A_462, %dma_start3A_465] : memref<12800x4096xf32, #tpu.memory_space<hbm>> -> memref<8x4096xf32, #tpu.memory_space<hbm>>
      tpu.enqueue_dma source(%dma_start3A_466 : memref<8x4096xf32, #tpu.memory_space<hbm>>) target(%arg7 : memref<8x4096xf32, #tpu.memory_space<vmem>>) target_semaphore(%arg10 : memref<!tpu.dma_semaphore, #tpu.memory_space<semaphore_mem>>)
      %scan3A_467 = arith.constant 0 : i32
      scf.yield %scan3A_467 : i32
    }
    %scan3A_27 = arith.constant 8 : i32
    %add3A_28 = arith.constant 384 : i32
    %add3A_29 = arith.addi %mul3A_2, %add3A_28 : i32
    %dma_wait3A_30 = arith.constant 0 : i32
    %dma_wait3A_31 = arith.constant 0 : i32
    %dma_wait3A_32 = tpu.memref_slice %arg2[%dma_wait3A_30, %dma_wait3A_31] : memref<12800x4096xf32, #tpu.memory_space<hbm>> -> memref<8x4096xf32, #tpu.memory_space<hbm>>
    %dma_wait3A_33 = arith.constant 0 : i32
    %dma_wait3A_34 = arith.constant 0 : i32
    %dma_wait3A_35 = tpu.memref_slice %arg2[%dma_wait3A_33, %dma_wait3A_34] : memref<12800x4096xf32, #tpu.memory_space<hbm>> -> memref<8x4096xf32, #tpu.memory_space<hbm>>
    tpu.wait_dma2 semaphore(%arg9 : memref<!tpu.dma_semaphore, #tpu.memory_space<semaphore_mem>>) src(%dma_wait3A_35 : memref<8x4096xf32, #tpu.memory_space<hbm>>) dst(%arg6 : memref<8x4096xf32, #tpu.memory_space<vmem>>)
    %get3A = arith.constant 384 : index
    %get3A_36 = tpu.vector_load %arg5[%get3A] {strides = array<i32>} : memref<400xf32, #tpu.memory_space<vmem>>, vector<16xf32>,
    %get3A_37 = vector.shape_cast %get3A_36 : vector<16xf32> to vector<16xf32>
    %slice3A = vector.extract_strided_slice %get3A_37 {offsets = [0], sizes = [1], strides = [1]} : vector<16xf32> to vector<1xf32>
    %squeeze3A = vector.extract %slice3A[0] : f32 from vector<1xf32>
    %broadcast_in_dim3A = vector.broadcast %squeeze3A : f32 to vector<16xf32>
    %slice3A_38 = vector.extract_strided_slice %get3A_37 {offsets = [1], sizes = [1], strides = [1]} : vector<16xf32> to vector<1xf32>
    %squeeze3A_39 = vector.extract %slice3A_38[0] : f32 from vector<1xf32>
    %broadcast_in_dim3A_40 = vector.broadcast %squeeze3A_39 : f32 to vector<16xf32>
    %slice3A_41 = vector.extract_strided_slice %get3A_37 {offsets = [2], sizes = [1], strides = [1]} : vector<16xf32> to vector<1xf32>
    %squeeze3A_42 = vector.extract %slice3A_41[0] : f32 from vector<1xf32>
    %broadcast_in_dim3A_43 = vector.broadcast %squeeze3A_42 : f32 to vector<16xf32>
    %slice3A_44 = vector.extract_strided_slice %get3A_37 {offsets = [3], sizes = [1], strides = [1]} : vector<16xf32> to vector<1xf32>
    %squeeze3A_45 = vector.extract %slice3A_44[0] : f32 from vector<1xf32>
    %broadcast_in_dim3A_46 = vector.broadcast %squeeze3A_45 : f32 to vector<16xf32>
    %slice3A_47 = vector.extract_strided_slice %get3A_37 {offsets = [4], sizes = [1], strides = [1]} : vector<16xf32> to vector<1xf32>
    %squeeze3A_48 = vector.extract %slice3A_47[0] : f32 from vector<1xf32>
    %broadcast_in_dim3A_49 = vector.broadcast %squeeze3A_48 : f32 to vector<16xf32>
    %slice3A_50 = vector.extract_strided_slice %get3A_37 {offsets = [5], sizes = [1], strides = [1]} : vector<16xf32> to vector<1xf32>
    %squeeze3A_51 = vector.extract %slice3A_50[0] : f32 from vector<1xf32>
    %broadcast_in_dim3A_52 = vector.broadcast %squeeze3A_51 : f32 to vector<16xf32>
    %slice3A_53 = vector.extract_strided_slice %get3A_37 {offsets = [6], sizes = [1], strides = [1]} : vector<16xf32> to vector<1xf32>
    %squeeze3A_54 = vector.extract %slice3A_53[0] : f32 from vector<1xf32>
    %broadcast_in_dim3A_55 = vector.broadcast %squeeze3A_54 : f32 to vector<16xf32>
    %slice3A_56 = vector.extract_strided_slice %get3A_37 {offsets = [7], sizes = [1], strides = [1]} : vector<16xf32> to vector<1xf32>
    %squeeze3A_57 = vector.extract %slice3A_56[0] : f32 from vector<1xf32>
    %broadcast_in_dim3A_58 = vector.broadcast %squeeze3A_57 : f32 to vector<16xf32>
    %parallel_loop3A = arith.constant 0 : i32
    %parallel_loop3A_59 = arith.constant 256 : i32
    %parallel_loop3A_60 = arith.constant 1 : i32
    scf.for %parallel_loop3A_122 = %parallel_loop3A to %parallel_loop3A_59 step %parallel_loop3A_60  : i32 {
      %parallel_loop3A_123 = arith.constant 16 : i32
      %parallel_loop3A_124 = arith.muli %parallel_loop3A_122, %parallel_loop3A_123 : i32
      %parallel_loop3A_125 = arith.constant 0 : i32
      %parallel_loop3A_126 = arith.index_cast %parallel_loop3A_125 : i32 to index
      %parallel_loop3A_127 = arith.index_cast %parallel_loop3A_124 : i32 to index
      %parallel_loop3A_128 = tpu.vector_load %arg6[%parallel_loop3A_126, %parallel_loop3A_127] {strides = array<i32>} : memref<8x4096xf32, #tpu.memory_space<vmem>>, vector<1x16xf32>,
      %parallel_loop3A_129 = vector.shape_cast %parallel_loop3A_128 : vector<1x16xf32> to vector<16xf32>
      %parallel_loop3A_130 = arith.addf %parallel_loop3A_129, %broadcast_in_dim3A : vector<16xf32>
      %parallel_loop3A_131 = arith.constant 0 : i32
      %parallel_loop3A_132 = arith.index_cast %parallel_loop3A_131 : i32 to index
      %parallel_loop3A_133 = arith.index_cast %parallel_loop3A_124 : i32 to index
      %parallel_loop3A_134 = tpu.vector_load %arg6[%parallel_loop3A_132, %parallel_loop3A_133] {strides = array<i32>} : memref<8x4096xf32, #tpu.memory_space<vmem>>, vector<1x16xf32>,
      %parallel_loop3A_135 = vector.shape_cast %parallel_loop3A_134 : vector<1x16xf32> to vector<16xf32>
      %parallel_loop3A_136 = vector.shape_cast %parallel_loop3A_130 : vector<16xf32> to vector<1x16xf32>
      tpu.vector_store %arg6[%parallel_loop3A_132, %parallel_loop3A_133], %parallel_loop3A_136 {strides = array<i32>} : memref<8x4096xf32, #tpu.memory_space<vmem>>, vector<1x16xf32>,
      %parallel_loop3A_137 = arith.constant 1 : i32
      %parallel_loop3A_138 = arith.index_cast %parallel_loop3A_137 : i32 to index
      %parallel_loop3A_139 = arith.index_cast %parallel_loop3A_124 : i32 to index
      %parallel_loop3A_140 = tpu.vector_load %arg6[%parallel_loop3A_138, %parallel_loop3A_139] {strides = array<i32>} : memref<8x4096xf32, #tpu.memory_space<vmem>>, vector<1x16xf32>,
      %parallel_loop3A_141 = vector.shape_cast %parallel_loop3A_140 : vector<1x16xf32> to vector<16xf32>
      %parallel_loop3A_142 = arith.addf %parallel_loop3A_141, %broadcast_in_dim3A_40 : vector<16xf32>
      %parallel_loop3A_143 = arith.constant 1 : i32
      %parallel_loop3A_144 = arith.index_cast %parallel_loop3A_143 : i32 to index
      %parallel_loop3A_145 = arith.index_cast %parallel_loop3A_124 : i32 to index
      %parallel_loop3A_146 = tpu.vector_load %arg6[%parallel_loop3A_144, %parallel_loop3A_145] {strides = array<i32>} : memref<8x4096xf32, #tpu.memory_space<vmem>>, vector<1x16xf32>,
      %parallel_loop3A_147 = vector.shape_cast %parallel_loop3A_146 : vector<1x16xf32> to vector<16xf32>
      %parallel_loop3A_148 = vector.shape_cast %parallel_loop3A_142 : vector<16xf32> to vector<1x16xf32>
      tpu.vector_store %arg6[%parallel_loop3A_144, %parallel_loop3A_145], %parallel_loop3A_148 {strides = array<i32>} : memref<8x4096xf32, #tpu.memory_space<vmem>>, vector<1x16xf32>,
      %parallel_loop3A_149 = arith.constant 2 : i32
      %parallel_loop3A_150 = arith.index_cast %parallel_loop3A_149 : i32 to index
      %parallel_loop3A_151 = arith.index_cast %parallel_loop3A_124 : i32 to index
      %parallel_loop3A_152 = tpu.vector_load %arg6[%parallel_loop3A_150, %parallel_loop3A_151] {strides = array<i32>} : memref<8x4096xf32, #tpu.memory_space<vmem>>, vector<1x16xf32>,
      %parallel_loop3A_153 = vector.shape_cast %parallel_loop3A_152 : vector<1x16xf32> to vector<16xf32>
      %parallel_loop3A_154 = arith.addf %parallel_loop3A_153, %broadcast_in_dim3A_43 : vector<16xf32>
      %parallel_loop3A_155 = arith.constant 2 : i32
      %parallel_loop3A_156 = arith.index_cast %parallel_loop3A_155 : i32 to index
      %parallel_loop3A_157 = arith.index_cast %parallel_loop3A_124 : i32 to index
      %parallel_loop3A_158 = tpu.vector_load %arg6[%parallel_loop3A_156, %parallel_loop3A_157] {strides = array<i32>} : memref<8x4096xf32, #tpu.memory_space<vmem>>, vector<1x16xf32>,
      %parallel_loop3A_159 = vector.shape_cast %parallel_loop3A_158 : vector<1x16xf32> to vector<16xf32>
      %parallel_loop3A_160 = vector.shape_cast %parallel_loop3A_154 : vector<16xf32> to vector<1x16xf32>
      tpu.vector_store %arg6[%parallel_loop3A_156, %parallel_loop3A_157], %parallel_loop3A_160 {strides = array<i32>} : memref<8x4096xf32, #tpu.memory_space<vmem>>, vector<1x16xf32>,
      %parallel_loop3A_161 = arith.constant 3 : i32
      %parallel_loop3A_162 = arith.index_cast %parallel_loop3A_161 : i32 to index
      %parallel_loop3A_163 = arith.index_cast %parallel_loop3A_124 : i32 to index
      %parallel_loop3A_164 = tpu.vector_load %arg6[%parallel_loop3A_162, %parallel_loop3A_163] {strides = array<i32>} : memref<8x4096xf32, #tpu.memory_space<vmem>>, vector<1x16xf32>,
      %parallel_loop3A_165 = vector.shape_cast %parallel_loop3A_164 : vector<1x16xf32> to vector<16xf32>
      %parallel_loop3A_166 = arith.addf %parallel_loop3A_165, %broadcast_in_dim3A_46 : vector<16xf32>
      %parallel_loop3A_167 = arith.constant 3 : i32
      %parallel_loop3A_168 = arith.index_cast %parallel_loop3A_167 : i32 to index
      %parallel_loop3A_169 = arith.index_cast %parallel_loop3A_124 : i32 to index
      %parallel_loop3A_170 = tpu.vector_load %arg6[%parallel_loop3A_168, %parallel_loop3A_169] {strides = array<i32>} : memref<8x4096xf32, #tpu.memory_space<vmem>>, vector<1x16xf32>,
      %parallel_loop3A_171 = vector.shape_cast %parallel_loop3A_170 : vector<1x16xf32> to vector<16xf32>
      %parallel_loop3A_172 = vector.shape_cast %parallel_loop3A_166 : vector<16xf32> to vector<1x16xf32>
      tpu.vector_store %arg6[%parallel_loop3A_168, %parallel_loop3A_169], %parallel_loop3A_172 {strides = array<i32>} : memref<8x4096xf32, #tpu.memory_space<vmem>>, vector<1x16xf32>,
      %parallel_loop3A_173 = arith.constant 4 : i32
      %parallel_loop3A_174 = arith.index_cast %parallel_loop3A_173 : i32 to index
      %parallel_loop3A_175 = arith.index_cast %parallel_loop3A_124 : i32 to index
      %parallel_loop3A_176 = tpu.vector_load %arg6[%parallel_loop3A_174, %parallel_loop3A_175] {strides = array<i32>} : memref<8x4096xf32, #tpu.memory_space<vmem>>, vector<1x16xf32>,
      %parallel_loop3A_177 = vector.shape_cast %parallel_loop3A_176 : vector<1x16xf32> to vector<16xf32>
      %parallel_loop3A_178 = arith.addf %parallel_loop3A_177, %broadcast_in_dim3A_49 : vector<16xf32>
      %parallel_loop3A_179 = arith.constant 4 : i32
      %parallel_loop3A_180 = arith.index_cast %parallel_loop3A_179 : i32 to index
      %parallel_loop3A_181 = arith.index_cast %parallel_loop3A_124 : i32 to index
      %parallel_loop3A_182 = tpu.vector_load %arg6[%parallel_loop3A_180, %parallel_loop3A_181] {strides = array<i32>} : memref<8x4096xf32, #tpu.memory_space<vmem>>, vector<1x16xf32>,
      %parallel_loop3A_183 = vector.shape_cast %parallel_loop3A_182 : vector<1x16xf32> to vector<16xf32>
      %parallel_loop3A_184 = vector.shape_cast %parallel_loop3A_178 : vector<16xf32> to vector<1x16xf32>
      tpu.vector_store %arg6[%parallel_loop3A_180, %parallel_loop3A_181], %parallel_loop3A_184 {strides = array<i32>} : memref<8x4096xf32, #tpu.memory_space<vmem>>, vector<1x16xf32>,
      %parallel_loop3A_185 = arith.constant 5 : i32
      %parallel_loop3A_186 = arith.index_cast %parallel_loop3A_185 : i32 to index
      %parallel_loop3A_187 = arith.index_cast %parallel_loop3A_124 : i32 to index
      %parallel_loop3A_188 = tpu.vector_load %arg6[%parallel_loop3A_186, %parallel_loop3A_187] {strides = array<i32>} : memref<8x4096xf32, #tpu.memory_space<vmem>>, vector<1x16xf32>,
      %parallel_loop3A_189 = vector.shape_cast %parallel_loop3A_188 : vector<1x16xf32> to vector<16xf32>
      %parallel_loop3A_190 = arith.addf %parallel_loop3A_189, %broadcast_in_dim3A_52 : vector<16xf32>
      %parallel_loop3A_191 = arith.constant 5 : i32
      %parallel_loop3A_192 = arith.index_cast %parallel_loop3A_191 : i32 to index
      %parallel_loop3A_193 = arith.index_cast %parallel_loop3A_124 : i32 to index
      %parallel_loop3A_194 = tpu.vector_load %arg6[%parallel_loop3A_192, %parallel_loop3A_193] {strides = array<i32>} : memref<8x4096xf32, #tpu.memory_space<vmem>>, vector<1x16xf32>,
      %parallel_loop3A_195 = vector.shape_cast %parallel_loop3A_194 : vector<1x16xf32> to vector<16xf32>
      %parallel_loop3A_196 = vector.shape_cast %parallel_loop3A_190 : vector<16xf32> to vector<1x16xf32>
      tpu.vector_store %arg6[%parallel_loop3A_192, %parallel_loop3A_193], %parallel_loop3A_196 {strides = array<i32>} : memref<8x4096xf32, #tpu.memory_space<vmem>>, vector<1x16xf32>,
      %parallel_loop3A_197 = arith.constant 6 : i32
      %parallel_loop3A_198 = arith.index_cast %parallel_loop3A_197 : i32 to index
      %parallel_loop3A_199 = arith.index_cast %parallel_loop3A_124 : i32 to index
      %parallel_loop3A_200 = tpu.vector_load %arg6[%parallel_loop3A_198, %parallel_loop3A_199] {strides = array<i32>} : memref<8x4096xf32, #tpu.memory_space<vmem>>, vector<1x16xf32>,
      %parallel_loop3A_201 = vector.shape_cast %parallel_loop3A_200 : vector<1x16xf32> to vector<16xf32>
      %parallel_loop3A_202 = arith.addf %parallel_loop3A_201, %broadcast_in_dim3A_55 : vector<16xf32>
      %parallel_loop3A_203 = arith.constant 6 : i32
      %parallel_loop3A_204 = arith.index_cast %parallel_loop3A_203 : i32 to index
      %parallel_loop3A_205 = arith.index_cast %parallel_loop3A_124 : i32 to index
      %parallel_loop3A_206 = tpu.vector_load %arg6[%parallel_loop3A_204, %parallel_loop3A_205] {strides = array<i32>} : memref<8x4096xf32, #tpu.memory_space<vmem>>, vector<1x16xf32>,
      %parallel_loop3A_207 = vector.shape_cast %parallel_loop3A_206 : vector<1x16xf32> to vector<16xf32>
      %parallel_loop3A_208 = vector.shape_cast %parallel_loop3A_202 : vector<16xf32> to vector<1x16xf32>
      tpu.vector_store %arg6[%parallel_loop3A_204, %parallel_loop3A_205], %parallel_loop3A_208 {strides = array<i32>} : memref<8x4096xf32, #tpu.memory_space<vmem>>, vector<1x16xf32>,
      %parallel_loop3A_209 = arith.constant 7 : i32
      %parallel_loop3A_210 = arith.index_cast %parallel_loop3A_209 : i32 to index
      %parallel_loop3A_211 = arith.index_cast %parallel_loop3A_124 : i32 to index
      %parallel_loop3A_212 = tpu.vector_load %arg6[%parallel_loop3A_210, %parallel_loop3A_211] {strides = array<i32>} : memref<8x4096xf32, #tpu.memory_space<vmem>>, vector<1x16xf32>,
      %parallel_loop3A_213 = vector.shape_cast %parallel_loop3A_212 : vector<1x16xf32> to vector<16xf32>
      %parallel_loop3A_214 = arith.addf %parallel_loop3A_213, %broadcast_in_dim3A_58 : vector<16xf32>
      %parallel_loop3A_215 = arith.constant 7 : i32
      %parallel_loop3A_216 = arith.index_cast %parallel_loop3A_215 : i32 to index
      %parallel_loop3A_217 = arith.index_cast %parallel_loop3A_124 : i32 to index
      %parallel_loop3A_218 = tpu.vector_load %arg6[%parallel_loop3A_216, %parallel_loop3A_217] {strides = array<i32>} : memref<8x4096xf32, #tpu.memory_space<vmem>>, vector<1x16xf32>,
      %parallel_loop3A_219 = vector.shape_cast %parallel_loop3A_218 : vector<1x16xf32> to vector<16xf32>
      %parallel_loop3A_220 = vector.shape_cast %parallel_loop3A_214 : vector<16xf32> to vector<1x16xf32>
      tpu.vector_store %arg6[%parallel_loop3A_216, %parallel_loop3A_217], %parallel_loop3A_220 {strides = array<i32>} : memref<8x4096xf32, #tpu.memory_space<vmem>>, vector<1x16xf32>,
    } {sc.loop_unroll_factor = 8 : i64, sc.parallel_access}
    %dma_wait3A_61 = arith.constant 0 : i32
    %dma_wait3A_62 = arith.constant 0 : i32
    %dma_wait3A_63 = tpu.memref_slice %arg4[%dma_wait3A_61, %dma_wait3A_62] : memref<12800x4096xf32, #tpu.memory_space<hbm>> -> memref<8x4096xf32, #tpu.memory_space<hbm>>
    %dma_wait3A_64 = arith.constant 0 : i32
    %dma_wait3A_65 = arith.constant 0 : i32
    %dma_wait3A_66 = tpu.memref_slice %arg4[%dma_wait3A_64, %dma_wait3A_65] : memref<12800x4096xf32, #tpu.memory_space<hbm>> -> memref<8x4096xf32, #tpu.memory_space<hbm>>
    tpu.wait_dma2 semaphore(%arg14 : memref<!tpu.dma_semaphore, #tpu.memory_space<semaphore_mem>>) src(%arg8 : memref<8x4096xf32, #tpu.memory_space<vmem>>) dst(%dma_wait3A_66 : memref<8x4096xf32, #tpu.memory_space<hbm>>)
    %dma_start3A_67 = arith.constant 0 : i32
    %dma_start3A_68 = tpu.memref_slice %arg4[%add3A_29, %dma_start3A_67] : memref<12800x4096xf32, #tpu.memory_space<hbm>> -> memref<8x4096xf32, #tpu.memory_space<hbm>>
    %dma_start3A_69 = arith.constant 0 : i32
    %dma_start3A_70 = tpu.memref_slice %arg4[%add3A_29, %dma_start3A_69] : memref<12800x4096xf32, #tpu.memory_space<hbm>> -> memref<8x4096xf32, #tpu.memory_space<hbm>>
    tpu.enqueue_dma source(%arg6 : memref<8x4096xf32, #tpu.memory_space<vmem>>) target(%dma_start3A_70 : memref<8x4096xf32, #tpu.memory_space<hbm>>) target_semaphore(%arg12 : memref<!tpu.dma_semaphore, #tpu.memory_space<semaphore_mem>>)
    %add3A_71 = arith.constant 392 : i32
    %add3A_72 = arith.addi %mul3A_2, %add3A_71 : i32
    %dma_wait3A_73 = arith.constant 0 : i32
    %dma_wait3A_74 = arith.constant 0 : i32
    %dma_wait3A_75 = tpu.memref_slice %arg2[%dma_wait3A_73, %dma_wait3A_74] : memref<12800x4096xf32, #tpu.memory_space<hbm>> -> memref<8x4096xf32, #tpu.memory_space<hbm>>
    %dma_wait3A_76 = arith.constant 0 : i32
    %dma_wait3A_77 = arith.constant 0 : i32
    %dma_wait3A_78 = tpu.memref_slice %arg2[%dma_wait3A_76, %dma_wait3A_77] : memref<12800x4096xf32, #tpu.memory_space<hbm>> -> memref<8x4096xf32, #tpu.memory_space<hbm>>
    tpu.wait_dma2 semaphore(%arg10 : memref<!tpu.dma_semaphore, #tpu.memory_space<semaphore_mem>>) src(%dma_wait3A_78 : memref<8x4096xf32, #tpu.memory_space<hbm>>) dst(%arg7 : memref<8x4096xf32, #tpu.memory_space<vmem>>)
    %slice3A_79 = vector.extract_strided_slice %get3A_37 {offsets = [8], sizes = [1], strides = [1]} : vector<16xf32> to vector<1xf32>
    %squeeze3A_80 = vector.extract %slice3A_79[0] : f32 from vector<1xf32>
    %broadcast_in_dim3A_81 = vector.broadcast %squeeze3A_80 : f32 to vector<16xf32>
    %slice3A_82 = vector.extract_strided_slice %get3A_37 {offsets = [9], sizes = [1], strides = [1]} : vector<16xf32> to vector<1xf32>
    %squeeze3A_83 = vector.extract %slice3A_82[0] : f32 from vector<1xf32>
    %broadcast_in_dim3A_84 = vector.broadcast %squeeze3A_83 : f32 to vector<16xf32>
    %slice3A_85 = vector.extract_strided_slice %get3A_37 {offsets = [10], sizes = [1], strides = [1]} : vector<16xf32> to vector<1xf32>
    %squeeze3A_86 = vector.extract %slice3A_85[0] : f32 from vector<1xf32>
    %broadcast_in_dim3A_87 = vector.broadcast %squeeze3A_86 : f32 to vector<16xf32>
    %slice3A_88 = vector.extract_strided_slice %get3A_37 {offsets = [11], sizes = [1], strides = [1]} : vector<16xf32> to vector<1xf32>
    %squeeze3A_89 = vector.extract %slice3A_88[0] : f32 from vector<1xf32>
    %broadcast_in_dim3A_90 = vector.broadcast %squeeze3A_89 : f32 to vector<16xf32>
    %slice3A_91 = vector.extract_strided_slice %get3A_37 {offsets = [12], sizes = [1], strides = [1]} : vector<16xf32> to vector<1xf32>
    %squeeze3A_92 = vector.extract %slice3A_91[0] : f32 from vector<1xf32>
    %broadcast_in_dim3A_93 = vector.broadcast %squeeze3A_92 : f32 to vector<16xf32>
    %slice3A_94 = vector.extract_strided_slice %get3A_37 {offsets = [13], sizes = [1], strides = [1]} : vector<16xf32> to vector<1xf32>
    %squeeze3A_95 = vector.extract %slice3A_94[0] : f32 from vector<1xf32>
    %broadcast_in_dim3A_96 = vector.broadcast %squeeze3A_95 : f32 to vector<16xf32>
    %slice3A_97 = vector.extract_strided_slice %get3A_37 {offsets = [14], sizes = [1], strides = [1]} : vector<16xf32> to vector<1xf32>
    %squeeze3A_98 = vector.extract %slice3A_97[0] : f32 from vector<1xf32>
    %broadcast_in_dim3A_99 = vector.broadcast %squeeze3A_98 : f32 to vector<16xf32>
    %slice3A_100 = vector.extract_strided_slice %get3A_37 {offsets = [15], sizes = [1], strides = [1]} : vector<16xf32> to vector<1xf32>
    %squeeze3A_101 = vector.extract %slice3A_100[0] : f32 from vector<1xf32>
    %broadcast_in_dim3A_102 = vector.broadcast %squeeze3A_101 : f32 to vector<16xf32>
    %parallel_loop3A_103 = arith.constant 0 : i32
    %parallel_loop3A_104 = arith.constant 256 : i32
    %parallel_loop3A_105 = arith.constant 1 : i32
    scf.for %parallel_loop3A_122 = %parallel_loop3A_103 to %parallel_loop3A_104 step %parallel_loop3A_105  : i32 {
      %parallel_loop3A_123 = arith.constant 16 : i32
      %parallel_loop3A_124 = arith.muli %parallel_loop3A_122, %parallel_loop3A_123 : i32
      %parallel_loop3A_125 = arith.constant 0 : i32
      %parallel_loop3A_126 = arith.index_cast %parallel_loop3A_125 : i32 to index
      %parallel_loop3A_127 = arith.index_cast %parallel_loop3A_124 : i32 to index
      %parallel_loop3A_128 = tpu.vector_load %arg7[%parallel_loop3A_126, %parallel_loop3A_127] {strides = array<i32>} : memref<8x4096xf32, #tpu.memory_space<vmem>>, vector<1x16xf32>,
      %parallel_loop3A_129 = vector.shape_cast %parallel_loop3A_128 : vector<1x16xf32> to vector<16xf32>
      %parallel_loop3A_130 = arith.addf %parallel_loop3A_129, %broadcast_in_dim3A_81 : vector<16xf32>
      %parallel_loop3A_131 = arith.constant 0 : i32
      %parallel_loop3A_132 = arith.index_cast %parallel_loop3A_131 : i32 to index
      %parallel_loop3A_133 = arith.index_cast %parallel_loop3A_124 : i32 to index
      %parallel_loop3A_134 = tpu.vector_load %arg7[%parallel_loop3A_132, %parallel_loop3A_133] {strides = array<i32>} : memref<8x4096xf32, #tpu.memory_space<vmem>>, vector<1x16xf32>,
      %parallel_loop3A_135 = vector.shape_cast %parallel_loop3A_134 : vector<1x16xf32> to vector<16xf32>
      %parallel_loop3A_136 = vector.shape_cast %parallel_loop3A_130 : vector<16xf32> to vector<1x16xf32>
      tpu.vector_store %arg7[%parallel_loop3A_132, %parallel_loop3A_133], %parallel_loop3A_136 {strides = array<i32>} : memref<8x4096xf32, #tpu.memory_space<vmem>>, vector<1x16xf32>,
      %parallel_loop3A_137 = arith.constant 1 : i32
      %parallel_loop3A_138 = arith.index_cast %parallel_loop3A_137 : i32 to index
      %parallel_loop3A_139 = arith.index_cast %parallel_loop3A_124 : i32 to index
      %parallel_loop3A_140 = tpu.vector_load %arg7[%parallel_loop3A_138, %parallel_loop3A_139] {strides = array<i32>} : memref<8x4096xf32, #tpu.memory_space<vmem>>, vector<1x16xf32>,
      %parallel_loop3A_141 = vector.shape_cast %parallel_loop3A_140 : vector<1x16xf32> to vector<16xf32>
      %parallel_loop3A_142 = arith.addf %parallel_loop3A_141, %broadcast_in_dim3A_84 : vector<16xf32>
      %parallel_loop3A_143 = arith.constant 1 : i32
      %parallel_loop3A_144 = arith.index_cast %parallel_loop3A_143 : i32 to index
      %parallel_loop3A_145 = arith.index_cast %parallel_loop3A_124 : i32 to index
      %parallel_loop3A_146 = tpu.vector_load %arg7[%parallel_loop3A_144, %parallel_loop3A_145] {strides = array<i32>} : memref<8x4096xf32, #tpu.memory_space<vmem>>, vector<1x16xf32>,
      %parallel_loop3A_147 = vector.shape_cast %parallel_loop3A_146 : vector<1x16xf32> to vector<16xf32>
      %parallel_loop3A_148 = vector.shape_cast %parallel_loop3A_142 : vector<16xf32> to vector<1x16xf32>
      tpu.vector_store %arg7[%parallel_loop3A_144, %parallel_loop3A_145], %parallel_loop3A_148 {strides = array<i32>} : memref<8x4096xf32, #tpu.memory_space<vmem>>, vector<1x16xf32>,
      %parallel_loop3A_149 = arith.constant 2 : i32
      %parallel_loop3A_150 = arith.index_cast %parallel_loop3A_149 : i32 to index
      %parallel_loop3A_151 = arith.index_cast %parallel_loop3A_124 : i32 to index
      %parallel_loop3A_152 = tpu.vector_load %arg7[%parallel_loop3A_150, %parallel_loop3A_151] {strides = array<i32>} : memref<8x4096xf32, #tpu.memory_space<vmem>>, vector<1x16xf32>,
      %parallel_loop3A_153 = vector.shape_cast %parallel_loop3A_152 : vector<1x16xf32> to vector<16xf32>
      %parallel_loop3A_154 = arith.addf %parallel_loop3A_153, %broadcast_in_dim3A_87 : vector<16xf32>
      %parallel_loop3A_155 = arith.constant 2 : i32
      %parallel_loop3A_156 = arith.index_cast %parallel_loop3A_155 : i32 to index
      %parallel_loop3A_157 = arith.index_cast %parallel_loop3A_124 : i32 to index
      %parallel_loop3A_158 = tpu.vector_load %arg7[%parallel_loop3A_156, %parallel_loop3A_157] {strides = array<i32>} : memref<8x4096xf32, #tpu.memory_space<vmem>>, vector<1x16xf32>,
      %parallel_loop3A_159 = vector.shape_cast %parallel_loop3A_158 : vector<1x16xf32> to vector<16xf32>
      %parallel_loop3A_160 = vector.shape_cast %parallel_loop3A_154 : vector<16xf32> to vector<1x16xf32>
      tpu.vector_store %arg7[%parallel_loop3A_156, %parallel_loop3A_157], %parallel_loop3A_160 {strides = array<i32>} : memref<8x4096xf32, #tpu.memory_space<vmem>>, vector<1x16xf32>,
      %parallel_loop3A_161 = arith.constant 3 : i32
      %parallel_loop3A_162 = arith.index_cast %parallel_loop3A_161 : i32 to index
      %parallel_loop3A_163 = arith.index_cast %parallel_loop3A_124 : i32 to index
      %parallel_loop3A_164 = tpu.vector_load %arg7[%parallel_loop3A_162, %parallel_loop3A_163] {strides = array<i32>} : memref<8x4096xf32, #tpu.memory_space<vmem>>, vector<1x16xf32>,
      %parallel_loop3A_165 = vector.shape_cast %parallel_loop3A_164 : vector<1x16xf32> to vector<16xf32>
      %parallel_loop3A_166 = arith.addf %parallel_loop3A_165, %broadcast_in_dim3A_90 : vector<16xf32>
      %parallel_loop3A_167 = arith.constant 3 : i32
      %parallel_loop3A_168 = arith.index_cast %parallel_loop3A_167 : i32 to index
      %parallel_loop3A_169 = arith.index_cast %parallel_loop3A_124 : i32 to index
      %parallel_loop3A_170 = tpu.vector_load %arg7[%parallel_loop3A_168, %parallel_loop3A_169] {strides = array<i32>} : memref<8x4096xf32, #tpu.memory_space<vmem>>, vector<1x16xf32>,
      %parallel_loop3A_171 = vector.shape_cast %parallel_loop3A_170 : vector<1x16xf32> to vector<16xf32>
      %parallel_loop3A_172 = vector.shape_cast %parallel_loop3A_166 : vector<16xf32> to vector<1x16xf32>
      tpu.vector_store %arg7[%parallel_loop3A_168, %parallel_loop3A_169], %parallel_loop3A_172 {strides = array<i32>} : memref<8x4096xf32, #tpu.memory_space<vmem>>, vector<1x16xf32>,
      %parallel_loop3A_173 = arith.constant 4 : i32
      %parallel_loop3A_174 = arith.index_cast %parallel_loop3A_173 : i32 to index
      %parallel_loop3A_175 = arith.index_cast %parallel_loop3A_124 : i32 to index
      %parallel_loop3A_176 = tpu.vector_load %arg7[%parallel_loop3A_174, %parallel_loop3A_175] {strides = array<i32>} : memref<8x4096xf32, #tpu.memory_space<vmem>>, vector<1x16xf32>,
      %parallel_loop3A_177 = vector.shape_cast %parallel_loop3A_176 : vector<1x16xf32> to vector<16xf32>
      %parallel_loop3A_178 = arith.addf %parallel_loop3A_177, %broadcast_in_dim3A_93 : vector<16xf32>
      %parallel_loop3A_179 = arith.constant 4 : i32
      %parallel_loop3A_180 = arith.index_cast %parallel_loop3A_179 : i32 to index
      %parallel_loop3A_181 = arith.index_cast %parallel_loop3A_124 : i32 to index
      %parallel_loop3A_182 = tpu.vector_load %arg7[%parallel_loop3A_180, %parallel_loop3A_181] {strides = array<i32>} : memref<8x4096xf32, #tpu.memory_space<vmem>>, vector<1x16xf32>,
      %parallel_loop3A_183 = vector.shape_cast %parallel_loop3A_182 : vector<1x16xf32> to vector<16xf32>
      %parallel_loop3A_184 = vector.shape_cast %parallel_loop3A_178 : vector<16xf32> to vector<1x16xf32>
      tpu.vector_store %arg7[%parallel_loop3A_180, %parallel_loop3A_181], %parallel_loop3A_184 {strides = array<i32>} : memref<8x4096xf32, #tpu.memory_space<vmem>>, vector<1x16xf32>,
      %parallel_loop3A_185 = arith.constant 5 : i32
      %parallel_loop3A_186 = arith.index_cast %parallel_loop3A_185 : i32 to index
      %parallel_loop3A_187 = arith.index_cast %parallel_loop3A_124 : i32 to index
      %parallel_loop3A_188 = tpu.vector_load %arg7[%parallel_loop3A_186, %parallel_loop3A_187] {strides = array<i32>} : memref<8x4096xf32, #tpu.memory_space<vmem>>, vector<1x16xf32>,
      %parallel_loop3A_189 = vector.shape_cast %parallel_loop3A_188 : vector<1x16xf32> to vector<16xf32>
      %parallel_loop3A_190 = arith.addf %parallel_loop3A_189, %broadcast_in_dim3A_96 : vector<16xf32>
      %parallel_loop3A_191 = arith.constant 5 : i32
      %parallel_loop3A_192 = arith.index_cast %parallel_loop3A_191 : i32 to index
      %parallel_loop3A_193 = arith.index_cast %parallel_loop3A_124 : i32 to index
      %parallel_loop3A_194 = tpu.vector_load %arg7[%parallel_loop3A_192, %parallel_loop3A_193] {strides = array<i32>} : memref<8x4096xf32, #tpu.memory_space<vmem>>, vector<1x16xf32>,
      %parallel_loop3A_195 = vector.shape_cast %parallel_loop3A_194 : vector<1x16xf32> to vector<16xf32>
      %parallel_loop3A_196 = vector.shape_cast %parallel_loop3A_190 : vector<16xf32> to vector<1x16xf32>
      tpu.vector_store %arg7[%parallel_loop3A_192, %parallel_loop3A_193], %parallel_loop3A_196 {strides = array<i32>} : memref<8x4096xf32, #tpu.memory_space<vmem>>, vector<1x16xf32>,
      %parallel_loop3A_197 = arith.constant 6 : i32
      %parallel_loop3A_198 = arith.index_cast %parallel_loop3A_197 : i32 to index
      %parallel_loop3A_199 = arith.index_cast %parallel_loop3A_124 : i32 to index
      %parallel_loop3A_200 = tpu.vector_load %arg7[%parallel_loop3A_198, %parallel_loop3A_199] {strides = array<i32>} : memref<8x4096xf32, #tpu.memory_space<vmem>>, vector<1x16xf32>,
      %parallel_loop3A_201 = vector.shape_cast %parallel_loop3A_200 : vector<1x16xf32> to vector<16xf32>
      %parallel_loop3A_202 = arith.addf %parallel_loop3A_201, %broadcast_in_dim3A_99 : vector<16xf32>
      %parallel_loop3A_203 = arith.constant 6 : i32
      %parallel_loop3A_204 = arith.index_cast %parallel_loop3A_203 : i32 to index
      %parallel_loop3A_205 = arith.index_cast %parallel_loop3A_124 : i32 to index
      %parallel_loop3A_206 = tpu.vector_load %arg7[%parallel_loop3A_204, %parallel_loop3A_205] {strides = array<i32>} : memref<8x4096xf32, #tpu.memory_space<vmem>>, vector<1x16xf32>,
      %parallel_loop3A_207 = vector.shape_cast %parallel_loop3A_206 : vector<1x16xf32> to vector<16xf32>
      %parallel_loop3A_208 = vector.shape_cast %parallel_loop3A_202 : vector<16xf32> to vector<1x16xf32>
      tpu.vector_store %arg7[%parallel_loop3A_204, %parallel_loop3A_205], %parallel_loop3A_208 {strides = array<i32>} : memref<8x4096xf32, #tpu.memory_space<vmem>>, vector<1x16xf32>,
      %parallel_loop3A_209 = arith.constant 7 : i32
      %parallel_loop3A_210 = arith.index_cast %parallel_loop3A_209 : i32 to index
      %parallel_loop3A_211 = arith.index_cast %parallel_loop3A_124 : i32 to index
      %parallel_loop3A_212 = tpu.vector_load %arg7[%parallel_loop3A_210, %parallel_loop3A_211] {strides = array<i32>} : memref<8x4096xf32, #tpu.memory_space<vmem>>, vector<1x16xf32>,
      %parallel_loop3A_213 = vector.shape_cast %parallel_loop3A_212 : vector<1x16xf32> to vector<16xf32>
      %parallel_loop3A_214 = arith.addf %parallel_loop3A_213, %broadcast_in_dim3A_102 : vector<16xf32>
      %parallel_loop3A_215 = arith.constant 7 : i32
      %parallel_loop3A_216 = arith.index_cast %parallel_loop3A_215 : i32 to index
      %parallel_loop3A_217 = arith.index_cast %parallel_loop3A_124 : i32 to index
      %parallel_loop3A_218 = tpu.vector_load %arg7[%parallel_loop3A_216, %parallel_loop3A_217] {strides = array<i32>} : memref<8x4096xf32, #tpu.memory_space<vmem>>, vector<1x16xf32>,
      %parallel_loop3A_219 = vector.shape_cast %parallel_loop3A_218 : vector<1x16xf32> to vector<16xf32>
      %parallel_loop3A_220 = vector.shape_cast %parallel_loop3A_214 : vector<16xf32> to vector<1x16xf32>
      tpu.vector_store %arg7[%parallel_loop3A_216, %parallel_loop3A_217], %parallel_loop3A_220 {strides = array<i32>} : memref<8x4096xf32, #tpu.memory_space<vmem>>, vector<1x16xf32>,
    } {sc.loop_unroll_factor = 8 : i64, sc.parallel_access}
    %dma_wait3A_106 = arith.constant 0 : i32
    %dma_wait3A_107 = arith.constant 0 : i32
    %dma_wait3A_108 = tpu.memref_slice %arg4[%dma_wait3A_106, %dma_wait3A_107] : memref<12800x4096xf32, #tpu.memory_space<hbm>> -> memref<8x4096xf32, #tpu.memory_space<hbm>>
    %dma_wait3A_109 = arith.constant 0 : i32
    %dma_wait3A_110 = arith.constant 0 : i32
    %dma_wait3A_111 = tpu.memref_slice %arg4[%dma_wait3A_109, %dma_wait3A_110] : memref<12800x4096xf32, #tpu.memory_space<hbm>> -> memref<8x4096xf32, #tpu.memory_space<hbm>>
    tpu.wait_dma2 semaphore(%arg12 : memref<!tpu.dma_semaphore, #tpu.memory_space<semaphore_mem>>) src(%arg6 : memref<8x4096xf32, #tpu.memory_space<vmem>>) dst(%dma_wait3A_111 : memref<8x4096xf32, #tpu.memory_space<hbm>>)
    %dma_start3A_112 = arith.constant 0 : i32
    %dma_start3A_113 = tpu.memref_slice %arg4[%add3A_72, %dma_start3A_112] : memref<12800x4096xf32, #tpu.memory_space<hbm>> -> memref<8x4096xf32, #tpu.memory_space<hbm>>
    %dma_start3A_114 = arith.constant 0 : i32
    %dma_start3A_115 = tpu.memref_slice %arg4[%add3A_72, %dma_start3A_114] : memref<12800x4096xf32, #tpu.memory_space<hbm>> -> memref<8x4096xf32, #tpu.memory_space<hbm>>
    tpu.enqueue_dma source(%arg7 : memref<8x4096xf32, #tpu.memory_space<vmem>>) target(%dma_start3A_115 : memref<8x4096xf32, #tpu.memory_space<hbm>>) target_semaphore(%arg13 : memref<!tpu.dma_semaphore, #tpu.memory_space<semaphore_mem>>)
    %dma_wait3A_116 = arith.constant 0 : i32
    %dma_wait3A_117 = arith.constant 0 : i32
    %dma_wait3A_118 = tpu.memref_slice %arg4[%dma_wait3A_116, %dma_wait3A_117] : memref<12800x4096xf32, #tpu.memory_space<hbm>> -> memref<8x4096xf32, #tpu.memory_space<hbm>>
    %dma_wait3A_119 = arith.constant 0 : i32
    %dma_wait3A_120 = arith.constant 0 : i32
    %dma_wait3A_121 = tpu.memref_slice %arg4[%dma_wait3A_119, %dma_wait3A_120] : memref<12800x4096xf32, #tpu.memory_space<hbm>> -> memref<8x4096xf32, #tpu.memory_space<hbm>>
    tpu.wait_dma2 semaphore(%arg13 : memref<!tpu.dma_semaphore, #tpu.memory_space<semaphore_mem>>) src(%arg7 : memref<8x4096xf32, #tpu.memory_space<vmem>>) dst(%dma_wait3A_121 : memref<8x4096xf32, #tpu.memory_space<hbm>>)
    return
  }
}

</mosaic_0001>

<sc_bundles>
// kernel: kernel.3.cloned.1.call-start
scs
__scs_entry_jumppad:
0x0: {  	(pc) =	sbr.rel $0x88, $3  }
0x1: {  	(tag) =	ssettag $0x0;
	lr =	simm.s32 $0x1  }
0x2: {  	[smem:$0x3F9F] =	sst lr;
	_ =	strace $0xD0000000  }
0x3: {  	_ = 	snop  }
0x4: {  	_ = 	snop  }
0x5: {  	_ = 	snop  }
0x6: {  	_ = 	snop  }
0x7: {  	_ = 	snop  }
__scs_overlays_trampoline_lowered:
0x8: {  	[smem:$0x3FAE] =	sst s0  }
0x9: {  	[smem:$0x3FAF] =	sst s1  }
0xa: {  	[smem:$0x3FB0] =	sst s2  }
0xb: {  	[smem:$0x3FB1] =	sst s3  }
0xc: {  	[smem:$0x3FB2] =	sst s4  }
0xd: {  	[smem:$0x3FB3] =	sst s5  }
0xe: {  	[smem:$0x3FB4] =	sst s6  }
0xf: {  	[smem:$0x3FB5] =	sst s7  }
0x10: {  	[smem:$0x3FB6] =	sst s8  }
0x11: {  	[smem:$0x3FB7] =	sst s9;
	s0 =	simm.s32 @!p0 $0x0  }
0x12: {  	s1 =	sld [smem:$0x3F9D];
	s0 =	simm.s32 @p0 $0x1  }
0x13: {  	[smem:$0x3FB8] =	sst s0;
	s0 =	simm.s32 @!p1 $0x0  }
0x14: {  	s2 =	sld [smem:$0x3F9C];
	s0 =	simm.s32 @p1 $0x1  }
0x15: {  	[smem:$0x3FB9] =	sst s0;
	s0 =	simm.s32 @!p2 $0x0  }
0x16: {  	s3 =	sld [smem:$0x3FDB];
	s0 =	simm.s32 @p2 $0x1  }
0x17: {  	s4 =	simm.s32 $0x1BF5;
	[smem:$0x3FBB] =	sst s0  }
0x18: {  	s0 =	sld [smem:$0x3F9E];
	_ =	swait.ge [sflag:s4], $0x0  }
0x19: {  	s7 =	sld [smem:$0x3F9F]  }
0x1a: {  	s8 =	sadd.s32 $0xFFFFE003, lr  }
0x1b: {  	s9 =	sadd.s32 $0xFFFFFEF7, lr;
	s5 =	simm.s32 $0xFFFFFFFF;
	p2 =	slt.u32 s8, $0xFFFFF086  }
0x1c: {  	p1 =	slt.u32 s9, $0xF7A;
	s5 =	simm.s32 @!p2 $0x0  }
0x1d: {  	s5 =	simm.s32 @p1 $0x1;
	p0 =	seq.s32 s7, s2  }
0x1e: {  	s7 =	smul.u32 @!p0 $0xF7A, s2;
	p2 =	seq.s32 @!p0 s5, $0x0  }
0x1f: {  	s9 =	smul.u32 $0xF7A, s1;
	s8 =	simm.s32 @!p0 $0x1BF5;
	p2 =	por !p2, p0  }
0x20: {  	[sflag:s8] =	ssyncset.s32 @!p0 $0xFFFFF086;
	s6 =	sadd.s32 @!p0 s3, s7;
	s7 =	simm.s32 @!p0 $0x108  }
0x21: {  	s3 =	sadd.s32 s3, s9;
	s6 =	sadd.s32 @!p0 $0x88, s6;
	s7 =	simm.s32 @p2 $0x1082  }
0x22: {  	[simem:s7], [sflag:s8] =	dma.local @!p0 [hbm:s6], $0xF7A  }
0x23: {  	s9 =	sor.u32 $0xD0000000, s2;
	s6 =	simm.s32 $0x108;
	_ =	swait.ge @!p0 [sflag:s8], $0x0  }
0x24: {  	s3 =	sadd.s32 $0x88, s3;
	s6 =	simm.s32 @!p1 $0x1082;
	[sflag:s4] =	ssyncset.s32 $0xFFFFF086  }
0x25: {  	[simem:s6], [sflag:s4] =	dma.local [hbm:s3], $0xF7A  }
0x26: {  	[smem:$0x3F9F] =	sst s1;
	(tag) =	ssettag s2;
	_ =	strace s9  }
0x27: {  	s1 =	sld [smem:$0x3FAF]  }
0x28: {  	s2 =	sld [smem:$0x3FB0]  }
0x29: {  	s4 =	sld [smem:$0x3FB2]  }
0x2a: {  	p0 =	seq.s32 s5, $0x0;
	s5 =	sld [smem:$0x3FB3]  }
0x2b: {  	s6 =	sld [smem:$0x3FB4]  }
0x2c: {  	s7 =	sld [smem:$0x3FB5]  }
0x2d: {  	s3 =	simm.s32 $0x108;
	s8 =	sld [smem:$0x3FB6]  }
0x2e: {  	s3 =	simm.s32 @!p0 $0x1082;
	s9 =	sld [smem:$0x3FB7]  }
0x2f: {  	lr =	sadd.s32 s0, s3;
	s0 =	sld [smem:$0x3FAE]  }
0x30: {  	s3 =	sld [smem:$0x3FB1]  }
0x31: {  	[smem:$0x3FBA] =	sst s10  }
0x32: {  	s10 =	sld [smem:$0x3FB8];
	_ =	sdelay $0x3  }
0x33: {  	p0 =	seq.s32 s10, $0x1;
	s10 =	sld [smem:$0x3FBA];
	_ =	sdelay $0x3  }
0x34: {  	[smem:$0x3FBA] =	sst s10  }
0x35: {  	s10 =	sld [smem:$0x3FB9];
	_ =	sdelay $0x3  }
0x36: {  	p1 =	seq.s32 s10, $0x1;
	s10 =	sld [smem:$0x3FBA];
	_ =	sdelay $0x3  }
0x37: {  	[smem:$0x3FBA] =	sst s10  }
0x38: {  	s10 =	sld [smem:$0x3FBB]  }
0x39: {  	_ = 	snop;
	(pc) =	sbr.ind lr, $3  }
0x3a: {  	_ = 	snop  }
0x3b: {  	_ = 	snop  }
0x3c: {  	p2 =	seq.s32 s10, $0x1;
	s10 =	sld [smem:$0x3FBA]  }
0x3d: {  	_ =	shalt  }
0x3e: {  	_ =	shalt  }
0x3f: {  	_ =	shalt  }
0x40: {  	_ =	shalt  }
0x41: {  	_ =	shalt  }
0x42: {  	_ =	shalt  }
0x43: {  	_ =	shalt  }
0x44: {  	_ =	shalt  }
0x45: {  	_ =	shalt  }
0x46: {  	_ =	shalt  }
0x47: {  	_ =	shalt  }
0x48: {  	_ =	shalt  }
0x49: {  	_ =	shalt  }
0x4a: {  	_ =	shalt  }
0x4b: {  	_ =	shalt  }
0x4c: {  	_ =	shalt  }
0x4d: {  	_ =	shalt  }
0x4e: {  	_ =	shalt  }
0x4f: {  	_ =	shalt  }
0x50: {  	_ =	shalt  }
0x51: {  	_ =	shalt  }
0x52: {  	_ =	shalt  }
0x53: {  	_ =	shalt  }
0x54: {  	_ =	shalt  }
0x55: {  	_ =	shalt  }
0x56: {  	_ =	shalt  }
0x57: {  	_ =	shalt  }
0x58: {  	_ =	shalt  }
0x59: {  	_ =	shalt  }
0x5a: {  	_ =	shalt  }
0x5b: {  	_ =	shalt  }
0x5c: {  	_ =	shalt  }
0x5d: {  	_ =	shalt  }
0x5e: {  	_ =	shalt  }
0x5f: {  	_ =	shalt  }
0x60: {  	_ =	shalt  }
0x61: {  	_ =	shalt  }
0x62: {  	_ =	shalt  }
0x63: {  	_ =	shalt  }
0x64: {  	_ =	shalt  }
0x65: {  	_ =	shalt  }
0x66: {  	_ =	shalt  }
0x67: {  	_ =	shalt  }
0x68: {  	_ =	shalt  }
0x69: {  	_ =	shalt  }
0x6a: {  	_ =	shalt  }
0x6b: {  	_ =	shalt  }
0x6c: {  	_ =	shalt  }
0x6d: {  	_ =	shalt  }
0x6e: {  	_ =	shalt  }
0x6f: {  	_ =	shalt  }
0x70: {  	_ =	shalt  }
0x71: {  	_ =	shalt  }
0x72: {  	_ =	shalt  }
0x73: {  	_ =	shalt  }
0x74: {  	_ =	shalt  }
0x75: {  	_ =	shalt  }
0x76: {  	_ =	shalt  }
0x77: {  	_ =	shalt  }
0x78: {  	_ =	shalt  }
0x79: {  	_ =	shalt  }
0x7a: {  	_ =	shalt  }
0x7b: {  	_ =	shalt  }
0x7c: {  	_ =	shalt  }
0x7d: {  	_ =	shalt  }
0x7e: {  	_ =	shalt  }
0x7f: {  	_ =	shalt  }
0x80: {  	_ =	shalt  }
0x81: {  	_ =	shalt  }
0x82: {  	_ =	shalt  }
0x83: {  	_ =	shalt  }
0x84: {  	_ =	shalt  }
0x85: {  	_ =	shalt  }
0x86: {  	_ =	shalt  }
0x87: {  	_ =	shalt  }
.Lfunc_end0:
.L_simem_size_0:
called_computation_lowered:
.L_overlay_start_0:
0x88: {  	s2 =	sld [smem:$0x3FD9]  }
0x89: {  	s3 =	sld [smem:$0x3FFE];
	_ =	sdelay $0x1  }
0x8a: {  	s1 =	srdreg.scid  }
0x8b: {  	s0 =	sand.u32 $0x1, s1  }
0x8c: {  	s17 =	sshll.u32 s0, $0xA;
	s2 =	sadd.s32 s3, s2  }
0x8d: {  	s2 =	sadd.s32 s2, s17  }
0x8e: {  	[smem:$0x3FC6] =	sst s2  }
0x8f: {  	_ = 	snop  }
0x90: {  	s2 =	sld [smem:$0x3FC9]  }
0x91: {  	s18 =	sld [smem:$0x3FD0];
	(tm) =	ssettm $0x1  }
0x92: {  	s4 =	sld [smem:$0x3FFB];
	_ =	sdelay $0x3  }
0x93: {  	_ =	strace s4  }
0x94: {  	s4 =	sld [smem:$0x3FFC];
	_ =	sdelay $0x3  }
0x95: {  	_ =	strace s4  }
0x96: {  	s4 =	sld [smem:$0x3FFD];
	_ =	sdelay $0x3  }
0x97: {  	_ =	strace s4  }
0x98: {  	_ =	strace $0x8FFFFFFF  }
0x99: {  	s19 =	sld [smem:$0x3FDB];
	_ =	sdelay $0x1  }
0x9a: {  	s5 =	simm.s32 $_scs_section_size  }
0x9b: {  	s6 =	simm.s32 $_size__tile_overlayer_lowered;
	s7 =	simm.s32 $_tile_overlayer_lowered  }
0x9c: {  	s22 =	simm.s32 $0x1BFF;
	s21 =	sshll.u32 s7, $0x1;
	s4 =	sadd.s32 s5, s19  }
0x9d: {  	s8 =	simm.s32 $0x0;
	s20 =	sshll.u32 s6, $0x1;
	s6 =	sadd.s32 s21, s4  }
0x9e: {  	[timem:s8], [sflag:s22] =	dma.local [hbm:s6], s20  }
0x9f: {  	_ =	swait.ge [sflag:s22], s20  }
0xa0: {  	s5 =	ssub.s32 $0x0, s20;
	[sflag:s22] =	ssyncset.done $0x0  }
0xa1: {  	[sflag:s22] =	ssyncadd.s32 s5;
	_ =	sdelay $0x1  }
0xa2: {  	s23 =	simm.s32 $0x1B8B  }
0xa3: {  	_ =	swait.ge [sflag:s23], $0x1  }
0xa4: {  	[sflag:s23] =	ssyncset.done $0x0  }
0xa5: {  	s25 =	simm.s32 $0x1B8E;
	s24 =	sld [smem:$0x3FFE];
	[sflag:s23] =	ssyncadd.s32 $0xFFFFFFFF  }
0xa6: {  	s26 =	simm.s32 $execute0_lowered;
	[smem:$0x3FD2] =	sst s25  }
0xa7: {  	s6 =	sshll.u32 s26, $0x1;
	_ =	strace $0x80000046;
	[dreg:$0x1] =	wrdreg $0xFFFFFFFF  }
0xa8: {  	s28 =	simm.s32 $_size_execute0_lowered;
	s4 =	sadd.s32 s4, s6;
	[dreg:$0x0] =	wrdreg $0x0  }
0xa9: {  	s6 =	sshll.u32 s28, $0x1;
	[dreg:$0x2] =	wrdreg s4  }
0xaa: {  	[dreg:$0x3] =	wrdreg s6  }
0xab: {  	[dreg:$0x4] =	wrdreg $0xC0  }
0xac: {  	_ =	task [dreg:s8], $0x5FFFF  }
0xad: {  	[dreg:$0x1] =	wrdreg $0xFFFFFFFF  }
0xae: {  	[dreg:$0x0] =	wrdreg $0x60  }
0xaf: {  	[dreg:$0x2] =	wrdreg s2  }
0xb0: {  	[dreg:$0x3] =	wrdreg s24  }
0xb1: {  	[dreg:$0x4] =	wrdreg s18  }
0xb2: {  	[dreg:$0x5] =	wrdreg $0x9  }
0xb3: {  	_ =	task.clear_ibuf [dreg:s8], $0x6FFFF;
	_ =	strace $0x90000046  }
0xb4: {  	s29 =	simm.s32 $0x9;
	_ =	strace $0x80000048  }
0xb5: {  	_ =	swait.ge [sflag:s29], $0x1  }
0xb6: {  	[sflag:s29] =	ssyncadd.s32 $0xFFFFFFFF  }
0xb7: {  	_ =	strace $0x90000048  }
0xb8: {  	_ =	sfence  }
0xb9: {  	s30 =	sld [smem:$0x0];
	_ =	sdelay $0x2  }
0xba: {  	s31 =	sshll.u32 s1, $0xD;
	s1 =	sshrl.u32 s1, $0x2  }
0xbb: {  	s3 =	sand.u32 $0x4000, s31;
	s1 =	sadd.s32 s1, s30  }
0xbc: {  	s0 =	sor.u32 s3, s0;
	s1 =	sshll.u32 s1, $0x11  }
0xbd: {  	s0 =	sor.u32 s1, s0  }
0xbe: {  	s0 =	sadd.s32 $0x8F2B, s0  }
0xbf: {  	[sflag:s0] =	ssyncadd.remote.s32 $0x1  }
0xc0: {  	_ =	sfence.sel $0xFFFF  }
0xc1: {  	[dreg:$0x0] =	wrdreg $0xFFFFFFFF;
	(pc) =	sbr.abs _section_cstart, $3  }
0xc2: {  	[dreg:$0x1] =	wrdreg $0xFFFFFFFF  }
0xc3: {  	_ =	task.clear_ibuf [dreg:s8], $0x2FFFF;
	_ =	strace $0x9FFFFFFF  }
0xc4: {  	(tm) =	ssettm $0x7FFFFFFF  }
0xc5: {  	_ =	shalt  }
tec
execute0_lowered:
.L_overlay_start_1:
0x0: {  	(tag) =	ssettag $0x1  }
0x1: {  	s1 =	rddreg [dreg:$0x0]  }
0x2: {  	s5 =	rddreg [dreg:$0x1];
	s3 =	srdreg.scid  }
0x3: {  	s0 =	stileid.u32;
	s2 =	rddreg [dreg:$0x2];
	s15 =	simm.s32 $0x7  }
0x4: {  	s16 =	simm.s32 $0x200;
	s17 =	simm.s32 $0x8200;
	s18 =	simm.s32 $0x1  }
0x5: {  	s19 =	simm.s32 $0x10200;
	s20 =	simm.s32 $0x2;
	s21 =	simm.s32 $0x4  }
0x6: {  	s22 =	simm.s32 $0x3;
	s6 =	sand.u32 $0x1, s3;
	s4 =	sshll.u32 s0, $0x1  }
0x7: {  	s23 =	simm.s32 $0x5;
	s24 =	simm.s32 $0x6;
	s7 =	sor.u32 s6, s4  }
0x8: {  	s25 =	simm.s32 $0x0;
	s3 =	simm.s32 $0x0;
	s4 =	smul.u32 $0x190, s7  }
0x9: {  	[smem:$0x7FF] =	sst s3;
	s6 =	ssub.s32 $0x2, s6;
	s9 =	smul.u32 $0x32000, s7  }
0xa: {  	_ =	strace $0x80000047;
	s30 =	sshrl.u32 s6, $0x1;
	s10 =	smul.u32 $0x190000, s7  }
0xb: {  	s14 =	ssub.s32 s6, s30;
	s8 =	sshrl.u32 s4, $0x3;
	s6 =	sadd.s32 s1, s9  }
0xc: {  	s31 =	sshrl.u32 s10, $0x3;
	s9 =	sor.u32 $0x8, s4;
	s10 =	sadd.s32 $0x18, s4  }
0xd: {  	s11 =	sadd.s32 $0x28, s4;
	s14 =	smax.u32 s14, $0x1;
	s5 =	sadd.s32 s8, s5  }
0xe: {  	s7 =	sadd.s32 $0x1000, s6;
	s8 =	sadd.s32 $0x2000, s1;
	s1 =	sadd.s32 s2, s31  }
0xf: {  	s5 =	sadd.s32 $0x400, s5;
	s12 =	sadd.s32 $0x30000, s1;
	s13 =	sadd.s32 $0x31000, s1  }
.LBB2_1:
0x10: {  	[tilespmem:s3], [sflag:$0x7] =	stream.linear.gather [hbm4b:s5+s3], $0x190, $0x38;
	[tilespmem:$0x18200] =	vst v63  }
0x11: {  	_ =	swait.ge [sflag:s15], $0x190  }
0x12: {  	[sflag:s15] =	ssyncset.done $0x0  }
0x13: {  	[sflag:s15] =	ssyncadd.s32 $0xFFFFFE70  }
0x14: {  	v0 =	vld [tilespmem:$0x0]  }
0x15: {  	v1 =	vld [tilespmem:$0x10]  }
0x16: {  	v2 =	vld [tilespmem:$0x20]  }
0x17: {  	v3 =	vld [tilespmem:$0x30]  }
0x18: {  	v4 =	vld [tilespmem:$0x40]  }
0x19: {  	v5 =	vld [tilespmem:$0x50];
	v0 =	vmul.f32 $8.000000000e+00, v0  }
0x1a: {  	v6 =	vld [tilespmem:$0x60];
	v1 =	vmul.f32 $8.000000000e+00, v1  }
0x1b: {  	v24 =	vld [tilespmem:$0x70];
	v23 =	vmul.f32 $8.000000000e+00, v2;
	[tilespmem:$0x0] =	vst v0  }
0x1c: {  	v26 =	vld [tilespmem:$0x80];
	v25 =	vmul.f32 $8.000000000e+00, v3;
	[tilespmem:$0x10] =	vst v1  }
0x1d: {  	v28 =	vld [tilespmem:$0x90];
	v27 =	vmul.f32 $8.000000000e+00, v4;
	[tilespmem:$0x20] =	vst v23  }
0x1e: {  	v30 =	vld [tilespmem:$0xA0];
	v29 =	vmul.f32 $8.000000000e+00, v5;
	[tilespmem:$0x30] =	vst v25  }
0x1f: {  	v32 =	vld [tilespmem:$0xB0];
	v31 =	vmul.f32 $8.000000000e+00, v6;
	[tilespmem:$0x40] =	vst v27  }
0x20: {  	v34 =	vld [tilespmem:$0xC0];
	v33 =	vmul.f32 $8.000000000e+00, v24;
	[tilespmem:$0x50] =	vst v29  }
0x21: {  	v36 =	vld [tilespmem:$0xD0];
	v35 =	vmul.f32 $8.000000000e+00, v26;
	[tilespmem:$0x60] =	vst v31  }
0x22: {  	v38 =	vld [tilespmem:$0xE0];
	v37 =	vmul.f32 $8.000000000e+00, v28;
	[tilespmem:$0x70] =	vst v33  }
0x23: {  	v40 =	vld [tilespmem:$0xF0];
	v39 =	vmul.f32 $8.000000000e+00, v30;
	[tilespmem:$0x80] =	vst v35  }
0x24: {  	v42 =	vld [tilespmem:$0x100];
	v41 =	vmul.f32 $8.000000000e+00, v32;
	[tilespmem:$0x90] =	vst v37  }
0x25: {  	v44 =	vld [tilespmem:$0x110];
	v43 =	vmul.f32 $8.000000000e+00, v34;
	[tilespmem:$0xA0] =	vst v39  }
0x26: {  	v46 =	vld [tilespmem:$0x120];
	v45 =	vmul.f32 $8.000000000e+00, v36;
	[tilespmem:$0xB0] =	vst v41  }
0x27: {  	v48 =	vld [tilespmem:$0x130];
	v47 =	vmul.f32 $8.000000000e+00, v38;
	[tilespmem:$0xC0] =	vst v43  }
0x28: {  	v50 =	vld [tilespmem:$0x140];
	v49 =	vmul.f32 $8.000000000e+00, v40;
	[tilespmem:$0xD0] =	vst v45  }
0x29: {  	v52 =	vld [tilespmem:$0x150];
	v51 =	vmul.f32 $8.000000000e+00, v42;
	[tilespmem:$0xE0] =	vst v47  }
0x2a: {  	v54 =	vld [tilespmem:$0x160];
	v53 =	vmul.f32 $8.000000000e+00, v44;
	[tilespmem:$0xF0] =	vst v49  }
0x2b: {  	v56 =	vld [tilespmem:$0x170];
	v55 =	vmul.f32 $8.000000000e+00, v46;
	[tilespmem:$0x100] =	vst v51  }
0x2c: {  	v58 =	vld [tilespmem:$0x180];
	v57 =	vmul.f32 $8.000000000e+00, v48;
	[tilespmem:$0x110] =	vst v53  }
0x2d: {  	v59 =	vmul.f32 $8.000000000e+00, v50;
	[tilespmem:$0x120] =	vst v55  }
0x2e: {  	v60 =	vmul.f32 $8.000000000e+00, v52;
	[tilespmem:$0x130] =	vst v57  }
0x2f: {  	v61 =	vmul.f32 $8.000000000e+00, v54;
	[tilespmem:$0x140] =	vst v59  }
0x30: {  	v62 =	vmul.f32 $8.000000000e+00, v56;
	[tilespmem:$0x150] =	vst v60  }
0x31: {  	v63 =	vmul.f32 $8.000000000e+00, v58;
	[tilespmem:$0x160] =	vst v61  }
0x32: {  	[tilespmem:$0x170] =	vst v62  }
0x33: {  	[tilespmem:$0x180] =	vst v63  }
0x34: {  	[tilespmem:s16], [sflag:$0x1] =	stream.linear.gather [hbm4b:s6+s3], $0x8000, $0x38;
	[tilespmem:$0x18200] =	vst v63  }
0x35: {  	s26 =	simm.s32 $0x0  }
0x36: {  	[tilespmem:s17], [sflag:$0x2] =	stream.linear.gather [hbm4b:s7+s3], $0x8000, $0x38;
	[tilespmem:$0x18200] =	vst v63  }
.LBB2_2:
0x37: {  	_ =	swait.ge [sflag:s18], $0x8000  }
0x38: {  	s28 =	smul.u32 $0x30, s26;
	[sflag:s18] =	ssyncset.done $0x0  }
0x39: {  	[sflag:s18] =	ssyncadd.s32 $0xFFFF8000  }
0x3a: {  	s29 =	simm.s32 $0x400;
	v0 =	vld [tilespmem:s28+$0x0]  }
0x3b: {  	v4 =	vld [tilespmem:s29+$0x1F0]  }
0x3c: {  	v5 =	vld [tilespmem:s29+$0xFFFFFE80]  }
0x3d: {  	v7 =	vld [tilespmem:s29+$0xFFFFFF00]  }
0x3e: {  	v6 =	vld [tilespmem:s29+$0xFFFFFE10]  }
0x3f: {  	v8 =	vld [tilespmem:s29+$0xFFFFFF80];
	v2 =	vbroadcast v0, $0x7  }
0x40: {  	v9 =	vld [tilespmem:s29+$0x0];
	v3 =	vbroadcast v0, $0x1  }
0x41: {  	v16 =	vld [tilespmem:s29+$0xFFFFFF90];
	v1 =	vbroadcast v0, $0x0;
	v15 =	vadd.f32 v4, v2  }
0x42: {  	v10 =	vld [tilespmem:s29+$0x80];
	v4 =	vbroadcast v0, $0x2;
	v17 =	vadd.f32 v5, v3  }
0x43: {  	v11 =	vld [tilespmem:s29+$0x100];
	v5 =	vbroadcast v0, $0x3;
	[tilespmem:s29+$0x1F0] =	vst v15;
	v15 =	vadd.f32 v6, v1  }
0x44: {  	v19 =	vld [tilespmem:s29+$0x90];
	v20 =	vadd.f32 v7, v4;
	[tilespmem:s29+$0xFFFFFE80] =	vst v17  }
0x45: {  	v12 =	vld [tilespmem:s29+$0x180];
	v6 =	vbroadcast v0, $0x4;
	v21 =	vadd.f32 v8, v5;
	[tilespmem:s29+$0xFFFFFE10] =	vst v15  }
0x46: {  	v13 =	vld [tilespmem:s29+$0xFFFFFE90];
	v7 =	vbroadcast v0, $0x5;
	v16 =	vadd.f32 v16, v5;
	[tilespmem:s29+$0xFFFFFF00] =	vst v20  }
0x47: {  	v14 =	vld [tilespmem:s29+$0xFFFFFF10];
	v9 =	vadd.f32 v9, v6;
	[tilespmem:s29+$0xFFFFFF80] =	vst v21  }
0x48: {  	v18 =	vld [tilespmem:s29+$0x10];
	v8 =	vbroadcast v0, $0x6;
	v10 =	vadd.f32 v10, v7;
	[tilespmem:s29+$0xFFFFFF90] =	vst v16  }
0x49: {  	v15 =	vld [tilespmem:s29+$0x190];
	v16 =	vadd.f32 v19, v7;
	[tilespmem:s29+$0x0] =	vst v9  }
0x4a: {  	v59 =	vld [tilespmem:s29+$0xFFFFFE20];
	v9 =	vadd.f32 v11, v8;
	[tilespmem:s29+$0x80] =	vst v10  }
0x4b: {  	v10 =	vadd.f32 v12, v2;
	v12 =	vld [tilespmem:s29+$0xFFFFFF20];
	[tilespmem:s29+$0x90] =	vst v16  }
0x4c: {  	v60 =	vld [tilespmem:s29+$0xA0];
	[tilespmem:s29+$0x100] =	vst v9;
	v9 =	vadd.f32 v13, v3  }
0x4d: {  	[tilespmem:s29+$0x180] =	vst v10;
	v10 =	vadd.f32 v14, v4;
	v14 =	vld [tilespmem:s29+$0x20]  }
0x4e: {  	v17 =	vld [tilespmem:s29+$0x110];
	v15 =	vadd.f32 v15, v2;
	[tilespmem:s29+$0xFFFFFE90] =	vst v9  }
0x4f: {  	v9 =	vadd.f32 v59, v1;
	[tilespmem:s29+$0xFFFFFF10] =	vst v10;
	v10 =	vld [tilespmem:s29+$0x120]  }
0x50: {  	v11 =	vld [tilespmem:s29+$0xFFFFFEA0];
	[tilespmem:s29+$0x190] =	vst v15;
	v12 =	vadd.f32 v12, v4  }
0x51: {  	v16 =	vld [tilespmem:s29+$0xFFFFFEB0];
	[tilespmem:s29+$0xFFFFFE20] =	vst v9;
	v9 =	vadd.f32 v18, v6  }
0x52: {  	v13 =	vld [tilespmem:s29+$0xFFFFFFA0];
	[tilespmem:s29+$0xFFFFFF20] =	vst v12;
	v14 =	vadd.f32 v14, v6  }
0x53: {  	[tilespmem:s29+$0x10] =	vst v9;
	v9 =	vadd.f32 v17, v8;
	v17 =	vld [tilespmem:s29+$0xFFFFFE30]  }
0x54: {  	v15 =	vld [tilespmem:s29+$0xFFFFFFB0];
	[tilespmem:s29+$0x20] =	vst v14;
	v10 =	vadd.f32 v10, v8  }
0x55: {  	v61 =	vld [tilespmem:s29+$0x1A0];
	[tilespmem:s29+$0x110] =	vst v9;
	v9 =	vadd.f32 v11, v3  }
0x56: {  	v11 =	vld [tilespmem:s29+$0xFFFFFF30];
	[tilespmem:s29+$0x120] =	vst v10;
	v10 =	vadd.f32 v16, v3  }
0x57: {  	v62 =	vld [tilespmem:s29+$0xFFFFFE40];
	[tilespmem:s29+$0xFFFFFEA0] =	vst v9;
	v9 =	vadd.f32 v13, v5  }
0x58: {  	v63 =	vld [tilespmem:s29+$0xC0];
	v12 =	vadd.f32 v17, v1;
	[tilespmem:s29+$0xFFFFFEB0] =	vst v10  }
0x59: {  	v13 =	vld [tilespmem:s29+$0x30];
	v10 =	vadd.f32 v15, v5;
	[tilespmem:s29+$0xFFFFFFA0] =	vst v9  }
0x5a: {  	v9 =	vld [tilespmem:s29+$0x130];
	[tilespmem:s29+$0xFFFFFE30] =	vst v12;
	v12 =	vadd.f32 v60, v7  }
0x5b: {  	v14 =	vld [tilespmem:s29+$0x1B0];
	v11 =	vadd.f32 v11, v4;
	[tilespmem:s29+$0xFFFFFFB0] =	vst v10  }
0x5c: {  	v16 =	vld [tilespmem:s29+$0xFFFFFEC0];
	v10 =	vadd.f32 v62, v1;
	[tilespmem:s29+$0xA0] =	vst v12  }
0x5d: {  	v17 =	vld [tilespmem:s29+$0xB0];
	v12 =	vadd.f32 v61, v2;
	[tilespmem:s29+$0xFFFFFF30] =	vst v11  }
0x5e: {  	v15 =	vld [tilespmem:s29+$0xFFFFFFC0];
	v11 =	vadd.f32 v13, v6;
	[tilespmem:s29+$0xFFFFFE40] =	vst v10  }
0x5f: {  	[tilespmem:s29+$0x1A0] =	vst v12;
	v12 =	vld [tilespmem:s29+$0xFFFFFF40];
	v9 =	vadd.f32 v9, v8  }
0x60: {  	v13 =	vld [tilespmem:s29+$0x40];
	v10 =	vadd.f32 v14, v2;
	[tilespmem:s29+$0x30] =	vst v11  }
0x61: {  	v14 =	vld [tilespmem:s29+$0x1C0];
	[tilespmem:s29+$0x130] =	vst v9;
	v9 =	vadd.f32 v16, v3  }
0x62: {  	v17 =	vadd.f32 v17, v7;
	v11 =	vld [tilespmem:s29+$0x140];
	[tilespmem:s29+$0x1B0] =	vst v10  }
0x63: {  	v16 =	vld [tilespmem:s29+$0xFFFFFE50];
	[tilespmem:s29+$0xFFFFFEC0] =	vst v9;
	v9 =	vadd.f32 v15, v5  }
0x64: {  	[tilespmem:s29+$0xB0] =	vst v17;
	v10 =	vadd.f32 v12, v4;
	v12 =	vld [tilespmem:s29+$0xFFFFFED0]  }
0x65: {  	v17 =	vld [tilespmem:s29+$0x50];
	[tilespmem:s29+$0xFFFFFFC0] =	vst v9;
	v9 =	vadd.f32 v63, v7  }
0x66: {  	[tilespmem:s29+$0xFFFFFF40] =	vst v10;
	v10 =	vadd.f32 v13, v6;
	v13 =	vld [tilespmem:s29+$0xFFFFFFD0]  }
0x67: {  	v15 =	vld [tilespmem:s29+$0xFFFFFF50];
	v11 =	vadd.f32 v11, v8;
	[tilespmem:s29+$0xC0] =	vst v9  }
0x68: {  	v9 =	vld [tilespmem:s29+$0x150];
	[tilespmem:s29+$0x40] =	vst v10;
	v10 =	vadd.f32 v16, v1  }
0x69: {  	[tilespmem:s29+$0x140] =	vst v11;
	v16 =	vld [tilespmem:s29+$0xD0];
	v11 =	vadd.f32 v12, v3  }
0x6a: {  	v12 =	vld [tilespmem:s29+$0x1D0];
	[tilespmem:s29+$0xFFFFFE50] =	vst v10;
	v10 =	vadd.f32 v14, v2  }
0x6b: {  	v14 =	vld [tilespmem:s29+$0xFFFFFE60];
	[tilespmem:s29+$0xFFFFFED0] =	vst v11;
	v11 =	vadd.f32 v13, v5  }
0x6c: {  	[tilespmem:s29+$0x1C0] =	vst v10;
	v10 =	vadd.f32 v15, v4  }
0x6d: {  	v13 =	vld [tilespmem:s29+$0xFFFFFEE0];
	v9 =	vadd.f32 v9, v8;
	[tilespmem:s29+$0xFFFFFFD0] =	vst v11  }
0x6e: {  	v15 =	vld [tilespmem:s29+$0xFFFFFF60];
	v11 =	vadd.f32 v16, v7;
	[tilespmem:s29+$0xFFFFFF50] =	vst v10  }
0x6f: {  	v16 =	vld [tilespmem:s29+$0xFFFFFFE0];
	v10 =	vadd.f32 v17, v6;
	[tilespmem:s29+$0x150] =	vst v9  }
0x70: {  	v12 =	vadd.f32 v12, v2;
	[tilespmem:s29+$0xD0] =	vst v11;
	v11 =	vadd.f32 v14, v1;
	v14 =	vld [tilespmem:s29+$0xE0]  }
0x71: {  	[tilespmem:s29+$0x50] =	vst v10;
	v10 =	vld [tilespmem:s29+$0x60]  }
0x72: {  	v9 =	vld [tilespmem:s29+$0x160];
	v13 =	vadd.f32 v13, v3;
	[tilespmem:s29+$0x1D0] =	vst v12  }
0x73: {  	v12 =	vld [tilespmem:s29+$0x1E0];
	[tilespmem:s29+$0xFFFFFE60] =	vst v11;
	v11 =	vadd.f32 v15, v4  }
0x74: {  	v15 =	vld [tilespmem:s29+$0xFFFFFE70];
	[tilespmem:s29+$0xFFFFFEE0] =	vst v13;
	v13 =	vadd.f32 v16, v5  }
0x75: {  	v16 =	vld [tilespmem:s29+$0xFFFFFEF0];
	[tilespmem:s29+$0xFFFFFF60] =	vst v11;
	v11 =	vadd.f32 v14, v7  }
0x76: {  	v17 =	vld [tilespmem:s29+$0xFFFFFF70];
	[tilespmem:s29+$0xFFFFFFE0] =	vst v13;
	v10 =	vadd.f32 v10, v6  }
0x77: {  	v13 =	vadd.f32 v9, v8;
	v9 =	vld [tilespmem:s29+$0xFFFFFFF0];
	[tilespmem:s29+$0xE0] =	vst v11  }
0x78: {  	v12 =	vadd.f32 v12, v2;
	[tilespmem:s29+$0x60] =	vst v10;
	v10 =	vld [tilespmem:s29+$0x70]  }
0x79: {  	[tilespmem:s29+$0x160] =	vst v13;
	v15 =	vadd.f32 v15, v1;
	v11 =	vld [tilespmem:s29+$0xF0]  }
0x7a: {  	[tilespmem:s29+$0x1E0] =	vst v12;
	v12 =	vld [tilespmem:s29+$0x170];
	v14 =	vadd.f32 v16, v3  }
0x7b: {  	s30 =	simm.s32 $0x0;
	s31 =	simm.s32 $0x800;
	v13 =	vld [tilespmem:s29+$0xFFFFFE00];
	[tilespmem:s29+$0xFFFFFE70] =	vst v15;
	v15 =	vadd.f32 v17, v4  }
.LBB2_3:
0x7c: {  	v16 =	vld [tilespmem:s31+$0x1F0];
	s30 =	sadd.s32 $0x8, s30;
	[tilespmem:s29+$0xFFFFFEF0] =	vst v14;
	v9 =	vadd.f32 v9, v5  }
0x7d: {  	v14 =	vld [tilespmem:s31+$0xFFFFFE80];
	p0 =	slt.u32 s30, $0xF8;
	[tilespmem:s29+$0xFFFFFF70] =	vst v15;
	v10 =	vadd.f32 v10, v6  }
0x7e: {  	v15 =	vld [tilespmem:s31+$0xFFFFFF00];
	[tilespmem:s29+$0xFFFFFFF0] =	vst v9;
	v9 =	vadd.f32 v11, v7  }
0x7f: {  	v11 =	vld [tilespmem:s31+$0xFFFFFF80];
	[tilespmem:s29+$0x70] =	vst v10;
	v10 =	vadd.f32 v12, v8  }
0x80: {  	v12 =	vld [tilespmem:s31+$0x0];
	v13 =	vadd.f32 v13, v1;
	[tilespmem:s29+$0xF0] =	vst v9  }
0x81: {  	v9 =	vld [tilespmem:s31+$0x80];
	v16 =	vadd.f32 v16, v2;
	[tilespmem:s29+$0x170] =	vst v10  }
0x82: {  	v10 =	vadd.f32 v14, v3;
	v14 =	vld [tilespmem:s31+$0x100];
	[tilespmem:s29+$0xFFFFFE00] =	vst v13;
	s29 =	smov.u32 s31  }
0x83: {  	v13 =	vadd.f32 v15, v4;
	v15 =	vld [tilespmem:s31+$0x180];
	[tilespmem:s31+$0x1F0] =	vst v16  }
0x84: {  	[tilespmem:s31+$0xFFFFFE80] =	vst v10;
	v10 =	vadd.f32 v11, v5;
	v11 =	vld [tilespmem:s31+$0xFFFFFE10]  }
0x85: {  	[tilespmem:s31+$0xFFFFFF00] =	vst v13;
	v12 =	vadd.f32 v12, v6;
	v13 =	vld [tilespmem:s31+$0xFFFFFE90]  }
0x86: {  	[tilespmem:s31+$0xFFFFFF80] =	vst v10;
	v9 =	vadd.f32 v9, v7;
	v10 =	vld [tilespmem:s31+$0xFFFFFF10]  }
0x87: {  	[tilespmem:s31+$0x0] =	vst v12;
	v12 =	vadd.f32 v14, v8;
	v14 =	vld [tilespmem:s31+$0xFFFFFF90]  }
0x88: {  	[tilespmem:s31+$0x80] =	vst v9;
	v9 =	vadd.f32 v15, v2;
	v15 =	vld [tilespmem:s31+$0x10]  }
0x89: {  	[tilespmem:s31+$0x100] =	vst v12;
	v11 =	vadd.f32 v11, v1;
	v12 =	vld [tilespmem:s31+$0x90]  }
0x8a: {  	[tilespmem:s31+$0x180] =	vst v9;
	v9 =	vadd.f32 v13, v3;
	v13 =	vld [tilespmem:s31+$0x110]  }
0x8b: {  	[tilespmem:s31+$0xFFFFFE10] =	vst v11;
	v10 =	vadd.f32 v10, v4;
	v11 =	vld [tilespmem:s31+$0x190]  }
0x8c: {  	[tilespmem:s31+$0xFFFFFE90] =	vst v9;
	v9 =	vadd.f32 v14, v5;
	v14 =	vld [tilespmem:s31+$0xFFFFFE20]  }
0x8d: {  	[tilespmem:s31+$0xFFFFFF10] =	vst v10;
	v10 =	vadd.f32 v15, v6;
	v15 =	vld [tilespmem:s31+$0xFFFFFEA0]  }
0x8e: {  	[tilespmem:s31+$0xFFFFFF90] =	vst v9;
	v9 =	vadd.f32 v12, v7;
	v12 =	vld [tilespmem:s31+$0xFFFFFF20]  }
0x8f: {  	[tilespmem:s31+$0x10] =	vst v10;
	v10 =	vadd.f32 v13, v8;
	v13 =	vld [tilespmem:s31+$0xFFFFFFA0]  }
0x90: {  	[tilespmem:s31+$0x90] =	vst v9;
	v9 =	vadd.f32 v11, v2;
	v11 =	vld [tilespmem:s31+$0x20]  }
0x91: {  	[tilespmem:s31+$0x110] =	vst v10;
	v10 =	vadd.f32 v14, v1;
	v14 =	vld [tilespmem:s31+$0xA0]  }
0x92: {  	[tilespmem:s31+$0x190] =	vst v9;
	v9 =	vadd.f32 v15, v3;
	v15 =	vld [tilespmem:s31+$0x120]  }
0x93: {  	[tilespmem:s31+$0xFFFFFE20] =	vst v10;
	v10 =	vadd.f32 v12, v4;
	v12 =	vld [tilespmem:s31+$0x1A0]  }
0x94: {  	[tilespmem:s31+$0xFFFFFEA0] =	vst v9;
	v9 =	vadd.f32 v13, v5;
	v13 =	vld [tilespmem:s31+$0xFFFFFE30]  }
0x95: {  	[tilespmem:s31+$0xFFFFFF20] =	vst v10;
	v10 =	vadd.f32 v11, v6;
	v11 =	vld [tilespmem:s31+$0xFFFFFEB0]  }
0x96: {  	[tilespmem:s31+$0xFFFFFFA0] =	vst v9;
	v9 =	vadd.f32 v14, v7;
	v14 =	vld [tilespmem:s31+$0xFFFFFF30]  }
0x97: {  	[tilespmem:s31+$0x20] =	vst v10;
	v10 =	vadd.f32 v15, v8;
	v15 =	vld [tilespmem:s31+$0xFFFFFFB0]  }
0x98: {  	[tilespmem:s31+$0xA0] =	vst v9;
	v9 =	vadd.f32 v12, v2;
	v12 =	vld [tilespmem:s31+$0x30]  }
0x99: {  	[tilespmem:s31+$0x120] =	vst v10;
	v10 =	vadd.f32 v13, v1;
	v13 =	vld [tilespmem:s31+$0xB0]  }
0x9a: {  	[tilespmem:s31+$0x1A0] =	vst v9;
	v9 =	vadd.f32 v11, v3;
	v11 =	vld [tilespmem:s31+$0x130]  }
0x9b: {  	[tilespmem:s31+$0xFFFFFE30] =	vst v10;
	v10 =	vadd.f32 v14, v4;
	v14 =	vld [tilespmem:s31+$0x1B0]  }
0x9c: {  	[tilespmem:s31+$0xFFFFFEB0] =	vst v9;
	v9 =	vadd.f32 v15, v5;
	v15 =	vld [tilespmem:s31+$0xFFFFFE40]  }
0x9d: {  	[tilespmem:s31+$0xFFFFFF30] =	vst v10;
	v10 =	vadd.f32 v12, v6;
	v12 =	vld [tilespmem:s31+$0xFFFFFEC0]  }
0x9e: {  	[tilespmem:s31+$0xFFFFFFB0] =	vst v9;
	v9 =	vadd.f32 v13, v7;
	v13 =	vld [tilespmem:s31+$0xFFFFFF40]  }
0x9f: {  	[tilespmem:s31+$0x30] =	vst v10;
	v10 =	vadd.f32 v11, v8;
	v11 =	vld [tilespmem:s31+$0xFFFFFFC0]  }
0xa0: {  	[tilespmem:s31+$0xB0] =	vst v9;
	v9 =	vadd.f32 v14, v2;
	v14 =	vld [tilespmem:s31+$0x40]  }
0xa1: {  	[tilespmem:s31+$0x130] =	vst v10;
	v10 =	vadd.f32 v15, v1;
	v15 =	vld [tilespmem:s31+$0xC0]  }
0xa2: {  	[tilespmem:s31+$0x1B0] =	vst v9;
	v9 =	vadd.f32 v12, v3;
	v12 =	vld [tilespmem:s31+$0x140]  }
0xa3: {  	[tilespmem:s31+$0xFFFFFE40] =	vst v10;
	v10 =	vadd.f32 v13, v4;
	v13 =	vld [tilespmem:s31+$0x1C0]  }
0xa4: {  	[tilespmem:s31+$0xFFFFFEC0] =	vst v9;
	v9 =	vadd.f32 v11, v5;
	v11 =	vld [tilespmem:s31+$0xFFFFFE50]  }
0xa5: {  	[tilespmem:s31+$0xFFFFFF40] =	vst v10;
	v10 =	vadd.f32 v14, v6;
	v14 =	vld [tilespmem:s31+$0xFFFFFED0]  }
0xa6: {  	[tilespmem:s31+$0xFFFFFFC0] =	vst v9;
	v9 =	vadd.f32 v15, v7;
	v15 =	vld [tilespmem:s31+$0xFFFFFF50]  }
0xa7: {  	[tilespmem:s31+$0x40] =	vst v10;
	v10 =	vadd.f32 v12, v8;
	v12 =	vld [tilespmem:s31+$0xFFFFFFD0]  }
0xa8: {  	[tilespmem:s31+$0xC0] =	vst v9;
	v9 =	vadd.f32 v13, v2;
	v13 =	vld [tilespmem:s31+$0x50]  }
0xa9: {  	[tilespmem:s31+$0x140] =	vst v10;
	v10 =	vadd.f32 v11, v1;
	v11 =	vld [tilespmem:s31+$0xD0]  }
0xaa: {  	[tilespmem:s31+$0x1C0] =	vst v9;
	v9 =	vadd.f32 v14, v3;
	v14 =	vld [tilespmem:s31+$0x150]  }
0xab: {  	[tilespmem:s31+$0xFFFFFE50] =	vst v10;
	v10 =	vadd.f32 v15, v4;
	v15 =	vld [tilespmem:s31+$0x1D0]  }
0xac: {  	[tilespmem:s31+$0xFFFFFED0] =	vst v9;
	v9 =	vadd.f32 v12, v5;
	v12 =	vld [tilespmem:s31+$0xFFFFFE60]  }
0xad: {  	[tilespmem:s31+$0xFFFFFF50] =	vst v10;
	v10 =	vadd.f32 v13, v6;
	v13 =	vld [tilespmem:s31+$0xFFFFFEE0]  }
0xae: {  	[tilespmem:s31+$0xFFFFFFD0] =	vst v9;
	v9 =	vadd.f32 v11, v7;
	v11 =	vld [tilespmem:s31+$0xFFFFFF60]  }
0xaf: {  	[tilespmem:s31+$0x50] =	vst v10;
	v10 =	vadd.f32 v14, v8;
	v14 =	vld [tilespmem:s31+$0xFFFFFFE0]  }
0xb0: {  	[tilespmem:s31+$0xD0] =	vst v9;
	v9 =	vadd.f32 v15, v2;
	v15 =	vld [tilespmem:s31+$0x60]  }
0xb1: {  	[tilespmem:s31+$0x150] =	vst v10;
	v10 =	vadd.f32 v12, v1;
	v12 =	vld [tilespmem:s31+$0xE0]  }
0xb2: {  	[tilespmem:s31+$0x1D0] =	vst v9;
	v9 =	vadd.f32 v13, v3;
	v13 =	vld [tilespmem:s31+$0x160]  }
0xb3: {  	[tilespmem:s31+$0xFFFFFE60] =	vst v10;
	v10 =	vadd.f32 v11, v4;
	v11 =	vld [tilespmem:s31+$0x1E0]  }
0xb4: {  	[tilespmem:s31+$0xFFFFFEE0] =	vst v9;
	v9 =	vadd.f32 v14, v5;
	v14 =	vld [tilespmem:s31+$0xFFFFFE70]  }
0xb5: {  	[tilespmem:s31+$0xFFFFFF60] =	vst v10;
	v10 =	vadd.f32 v15, v6;
	v15 =	vld [tilespmem:s31+$0xFFFFFEF0]  }
0xb6: {  	[tilespmem:s31+$0xFFFFFFE0] =	vst v9;
	v12 =	vadd.f32 v12, v7;
	v16 =	vld [tilespmem:s31+$0xFFFFFF70]  }
.Ltmp0:
0xb7: {  	[tilespmem:s31+$0x60] =	vst v10;
	v13 =	vadd.f32 v13, v8;
	v9 =	vld [tilespmem:s31+$0xFFFFFFF0];
	(pc) =	sbr.rel @p0 .LBB2_3-.Ltmp0, $4  }
0xb8: {  	[tilespmem:s31+$0xE0] =	vst v12;
	v12 =	vadd.f32 v11, v2;
	v10 =	vld [tilespmem:s31+$0x70]  }
0xb9: {  	[tilespmem:s31+$0x160] =	vst v13;
	v17 =	vadd.f32 v14, v1;
	v11 =	vld [tilespmem:s31+$0xF0]  }
0xba: {  	[tilespmem:s31+$0x1E0] =	vst v12;
	v14 =	vadd.f32 v15, v3;
	v12 =	vld [tilespmem:s31+$0x170]  }
0xbb: {  	s31 =	sadd.s32 $0x400, s31;
	v13 =	vld [tilespmem:s29+$0xFFFFFE00];
	[tilespmem:s29+$0xFFFFFE70] =	vst v17;
	v15 =	vadd.f32 v16, v4  }
0xbc: {  	[tilespmem:s29+$0xFFFFFEF0] =	vst v14;
	v2 =	vadd.f32 v9, v5  }
0xbd: {  	[tilespmem:s29+$0xFFFFFF70] =	vst v15;
	v3 =	vadd.f32 v10, v6  }
0xbe: {  	[tilespmem:s29+$0xFFFFFFF0] =	vst v2;
	v2 =	vadd.f32 v11, v7  }
0xbf: {  	[tilespmem:s29+$0x70] =	vst v3;
	v3 =	vadd.f32 v12, v8  }
0xc0: {  	v1 =	vadd.f32 v13, v1;
	[tilespmem:s29+$0xF0] =	vst v2  }
0xc1: {  	p0 =	seq.s32 s26, $0x0;
	[tilespmem:s29+$0x170] =	vst v3  }
0xc2: {  	s1 =	simm.s32 @!p0 $0x6;
	[tilespmem:s29+$0xFFFFFE00] =	vst v1  }
0xc3: {  	s29 =	sadd.s32 s4, s28;
	_ =	swait.ge @!p0 [sflag:s1], $0x8000  }
0xc4: {  	s29 =	sshll.u32 s29, $0x9;
	[sflag:s1] =	ssyncset.done @!p0 $0x0  }
0xc5: {  	[sflag:s1] =	ssyncadd.s32 @!p0 $0xFFFF8000;
	s1 =	sadd.s32 s2, s29  }
0xc6: {  	[hbm4b:s1+s3] =	stream.linear.scatter [tilespmem:s16], [sflag:$0x4], $0x8000, $0x38;
	[tilespmem:$0x18200] =	vst v63  }
0xc7: {  	s1 =	sadd.s32 s29, s8  }
0xc8: {  	[tilespmem:s19], [sflag:$0x3] =	stream.linear.gather [hbm4b:s1+s3], $0x8000, $0x38;
	[tilespmem:$0x18200] =	vst v63  }
0xc9: {  	_ =	swait.ge [sflag:s20], $0x8000  }
0xca: {  	[sflag:s20] =	ssyncset.done $0x0  }
0xcb: {  	s29 =	simm.s32 $0x8400;
	[sflag:s20] =	ssyncadd.s32 $0xFFFF8000  }
0xcc: {  	v4 =	vld [tilespmem:s29+$0x1F0]  }
0xcd: {  	v5 =	vld [tilespmem:s29+$0xFFFFFE80]  }
0xce: {  	v7 =	vld [tilespmem:s29+$0xFFFFFF00]  }
0xcf: {  	v6 =	vld [tilespmem:s29+$0xFFFFFE10]  }
0xd0: {  	v2 =	vbroadcast v0, $0xF;
	v8 =	vld [tilespmem:s29+$0xFFFFFF80]  }
0xd1: {  	v3 =	vbroadcast v0, $0x9;
	v9 =	vld [tilespmem:s29+$0x0]  }
0xd2: {  	v1 =	vbroadcast v0, $0x8;
	v16 =	vld [tilespmem:s29+$0xFFFFFF90];
	v15 =	vadd.f32 v4, v2  }
0xd3: {  	v10 =	vld [tilespmem:s29+$0x80];
	v4 =	vbroadcast v0, $0xA;
	v17 =	vadd.f32 v5, v3  }
0xd4: {  	v11 =	vld [tilespmem:s29+$0x100];
	v5 =	vbroadcast v0, $0xB;
	[tilespmem:s29+$0x1F0] =	vst v15;
	v15 =	vadd.f32 v6, v1  }
0xd5: {  	v19 =	vld [tilespmem:s29+$0x90];
	v20 =	vadd.f32 v7, v4;
	[tilespmem:s29+$0xFFFFFE80] =	vst v17  }
0xd6: {  	v59 =	vld [tilespmem:s29+$0xB0];
	v6 =	vbroadcast v0, $0xC;
	v8 =	vadd.f32 v8, v5;
	[tilespmem:s29+$0xFFFFFE10] =	vst v15  }
0xd7: {  	v12 =	vld [tilespmem:s29+$0x180];
	v7 =	vbroadcast v0, $0xD;
	v16 =	vadd.f32 v16, v5;
	[tilespmem:s29+$0xFFFFFF00] =	vst v20  }
0xd8: {  	v13 =	vld [tilespmem:s29+$0xFFFFFE90];
	v9 =	vadd.f32 v9, v6;
	[tilespmem:s29+$0xFFFFFF80] =	vst v8  }
0xd9: {  	v14 =	vld [tilespmem:s29+$0xFFFFFF10];
	v8 =	vadd.f32 v10, v7;
	[tilespmem:s29+$0xFFFFFF90] =	vst v16  }
0xda: {  	v18 =	vld [tilespmem:s29+$0x10];
	v0 =	vbroadcast v0, $0xE;
	v55 =	vadd.f32 v19, v7;
	[tilespmem:s29+$0x0] =	vst v9  }
0xdb: {  	v15 =	vld [tilespmem:s29+$0x190];
	v17 =	vadd.f32 v59, v7;
	[tilespmem:s29+$0x80] =	vst v8  }
0xdc: {  	v10 =	vld [tilespmem:s29+$0xFFFFFE20];
	v9 =	vadd.f32 v11, v0;
	[tilespmem:s29+$0x90] =	vst v55  }
0xdd: {  	v8 =	vadd.f32 v12, v2;
	v12 =	vld [tilespmem:s29+$0xFFFFFF20];
	[tilespmem:s29+$0xB0] =	vst v17  }
0xde: {  	v54 =	vld [tilespmem:s29+$0x110];
	[tilespmem:s29+$0x100] =	vst v9;
	v9 =	vadd.f32 v13, v3  }
0xdf: {  	v57 =	vld [tilespmem:s29+$0xFFFFFE30];
	[tilespmem:s29+$0x180] =	vst v8;
	v8 =	vadd.f32 v14, v4  }
0xe0: {  	v14 =	vld [tilespmem:s29+$0x20];
	v15 =	vadd.f32 v15, v2;
	[tilespmem:s29+$0xFFFFFE90] =	vst v9  }
0xe1: {  	v56 =	vld [tilespmem:s29+$0x1A0];
	v9 =	vadd.f32 v10, v1;
	[tilespmem:s29+$0xFFFFFF10] =	vst v8  }
0xe2: {  	v10 =	vld [tilespmem:s29+$0xA0];
	[tilespmem:s29+$0x190] =	vst v15;
	v12 =	vadd.f32 v12, v4  }
0xe3: {  	v11 =	vld [tilespmem:s29+$0xFFFFFEA0];
	[tilespmem:s29+$0xFFFFFE20] =	vst v9;
	v9 =	vadd.f32 v18, v6  }
0xe4: {  	v8 =	vld [tilespmem:s29+$0x120];
	[tilespmem:s29+$0xFFFFFF20] =	vst v12;
	v12 =	vadd.f32 v57, v1  }
0xe5: {  	v13 =	vld [tilespmem:s29+$0xFFFFFFA0];
	v14 =	vadd.f32 v14, v6;
	[tilespmem:s29+$0x10] =	vst v9  }
0xe6: {  	v58 =	vld [tilespmem:s29+$0xFFFFFEB0];
	v9 =	vadd.f32 v54, v0;
	[tilespmem:s29+$0xFFFFFE30] =	vst v12  }
0xe7: {  	v60 =	vld [tilespmem:s29+$0xFFFFFEC0];
	v10 =	vadd.f32 v10, v7;
	[tilespmem:s29+$0x20] =	vst v14  }
0xe8: {  	v15 =	vld [tilespmem:s29+$0xFFFFFFB0];
	[tilespmem:s29+$0x110] =	vst v9;
	v9 =	vadd.f32 v11, v3  }
0xe9: {  	v8 =	vadd.f32 v8, v0;
	v11 =	vld [tilespmem:s29+$0xFFFFFF30];
	[tilespmem:s29+$0xA0] =	vst v10  }
0xea: {  	v14 =	vld [tilespmem:s29+$0xFFFFFE40];
	[tilespmem:s29+$0xFFFFFEA0] =	vst v9;
	v9 =	vadd.f32 v13, v5  }
0xeb: {  	[tilespmem:s29+$0x120] =	vst v8;
	v8 =	vadd.f32 v58, v3;
	v13 =	vld [tilespmem:s29+$0x30]  }
0xec: {  	v10 =	vadd.f32 v56, v2;
	[tilespmem:s29+$0xFFFFFFA0] =	vst v9;
	v9 =	vld [tilespmem:s29+$0x130]  }
0xed: {  	v12 =	vld [tilespmem:s29+$0x1B0];
	[tilespmem:s29+$0xFFFFFEB0] =	vst v8;
	v8 =	vadd.f32 v15, v5  }
0xee: {  	v61 =	vld [tilespmem:s29+$0xFFFFFE50];
	[tilespmem:s29+$0x1A0] =	vst v10;
	v10 =	vadd.f32 v11, v4  }
0xef: {  	v11 =	vld [tilespmem:s29+$0xFFFFFF40];
	[tilespmem:s29+$0xFFFFFFB0] =	vst v8;
	v8 =	vadd.f32 v14, v1  }
0xf0: {  	v15 =	vld [tilespmem:s29+$0xFFFFFFC0];
	[tilespmem:s29+$0xFFFFFF30] =	vst v10;
	v10 =	vadd.f32 v13, v6  }
0xf1: {  	v13 =	vld [tilespmem:s29+$0x40];
	[tilespmem:s29+$0xFFFFFE40] =	vst v8;
	v8 =	vadd.f32 v9, v0  }
0xf2: {  	[tilespmem:s29+$0x30] =	vst v10;
	v10 =	vld [tilespmem:s29+$0x140];
	v9 =	vadd.f32 v12, v2  }
0xf3: {  	v14 =	vld [tilespmem:s29+$0xC0];
	[tilespmem:s29+$0x130] =	vst v8;
	v8 =	vadd.f32 v60, v3  }
0xf4: {  	v62 =	vld [tilespmem:s29+$0xD0];
	[tilespmem:s29+$0x1B0] =	vst v9;
	v9 =	vadd.f32 v11, v4  }
0xf5: {  	v11 =	vld [tilespmem:s29+$0xFFFFFED0];
	[tilespmem:s29+$0xFFFFFEC0] =	vst v8;
	v8 =	vadd.f32 v15, v5  }
0xf6: {  	v12 =	vld [tilespmem:s29+$0x1C0];
	[tilespmem:s29+$0xFFFFFF40] =	vst v9;
	v9 =	vadd.f32 v13, v6  }
0xf7: {  	v13 =	vld [tilespmem:s29+$0xFFFFFFD0];
	v10 =	vadd.f32 v10, v0;
	[tilespmem:s29+$0xFFFFFFC0] =	vst v8  }
0xf8: {  	v15 =	vld [tilespmem:s29+$0xFFFFFF50];
	v8 =	vadd.f32 v14, v7;
	[tilespmem:s29+$0x40] =	vst v9  }
0xf9: {  	v14 =	vld [tilespmem:s29+$0x50];
	v9 =	vadd.f32 v61, v1;
	[tilespmem:s29+$0x140] =	vst v10  }
0xfa: {  	v10 =	vadd.f32 v11, v3;
	v11 =	vld [tilespmem:s29+$0x1D0];
	[tilespmem:s29+$0xC0] =	vst v8  }
0xfb: {  	[tilespmem:s29+$0xFFFFFE50] =	vst v9;
	v9 =	vadd.f32 v12, v2;
	v12 =	vld [tilespmem:s29+$0xFFFFFE60]  }
0xfc: {  	v8 =	vld [tilespmem:s29+$0x150];
	[tilespmem:s29+$0xFFFFFED0] =	vst v10;
	v10 =	vadd.f32 v13, v5  }
0xfd: {  	v13 =	vld [tilespmem:s29+$0xFFFFFEE0];
	[tilespmem:s29+$0x1C0] =	vst v9;
	v9 =	vadd.f32 v15, v4  }
0xfe: {  	v15 =	vld [tilespmem:s29+$0xFFFFFFE0];
	[tilespmem:s29+$0xFFFFFFD0] =	vst v10;
	v10 =	vadd.f32 v62, v7  }
0xff: {  	[tilespmem:s29+$0xFFFFFF50] =	vst v9;
	v9 =	vadd.f32 v14, v6;
	v14 =	vld [tilespmem:s29+$0xFFFFFF60]  }
0x100: {  	v11 =	vadd.f32 v11, v2;
	[tilespmem:s29+$0xD0] =	vst v10;
	v10 =	vadd.f32 v12, v1;
	v12 =	vld [tilespmem:s29+$0xE0]  }
0x101: {  	v8 =	vadd.f32 v8, v0;
	[tilespmem:s29+$0x50] =	vst v9;
	v9 =	vld [tilespmem:s29+$0x60]  }
0x102: {  	v13 =	vadd.f32 v13, v3;
	[tilespmem:s29+$0x1D0] =	vst v11;
	v11 =	vld [tilespmem:s29+$0x1E0]  }
0x103: {  	[tilespmem:s29+$0x150] =	vst v8;
	v8 =	vld [tilespmem:s29+$0x160]  }
0x104: {  	[tilespmem:s29+$0xFFFFFEE0] =	vst v13;
	v13 =	vadd.f32 v15, v5  }
0x105: {  	[tilespmem:s29+$0xFFFFFE60] =	vst v10;
	v10 =	vadd.f32 v14, v4;
	v14 =	vld [tilespmem:s29+$0xFFFFFE70]  }
0x106: {  	v15 =	vld [tilespmem:s29+$0xFFFFFEF0];
	[tilespmem:s29+$0xFFFFFFE0] =	vst v13;
	v9 =	vadd.f32 v9, v6  }
0x107: {  	v63 =	vld [tilespmem:s29+$0xFFFFFF70];
	[tilespmem:s29+$0xFFFFFF60] =	vst v10;
	v10 =	vadd.f32 v12, v7  }
0x108: {  	v11 =	vadd.f32 v11, v2;
	v12 =	vadd.f32 v8, v0;
	v8 =	vld [tilespmem:s29+$0xFFFFFFF0];
	[tilespmem:s29+$0x60] =	vst v9  }
0x109: {  	[tilespmem:s29+$0xE0] =	vst v10;
	v9 =	vld [tilespmem:s29+$0x70]  }
0x10a: {  	v10 =	vld [tilespmem:s29+$0xF0];
	[tilespmem:s29+$0x1E0] =	vst v11;
	v14 =	vadd.f32 v14, v1  }
0x10b: {  	v11 =	vld [tilespmem:s29+$0x170];
	v13 =	vadd.f32 v15, v3;
	[tilespmem:s29+$0x160] =	vst v12  }
0x10c: {  	s30 =	simm.s32 $0x0;
	s31 =	simm.s32 $0x8800;
	v12 =	vld [tilespmem:s29+$0xFFFFFE00];
	[tilespmem:s29+$0xFFFFFE70] =	vst v14;
	v14 =	vadd.f32 v63, v4  }
.LBB2_5:
0x10d: {  	v15 =	vld [tilespmem:s31+$0x1F0];
	s30 =	sadd.s32 $0x8, s30;
	[tilespmem:s29+$0xFFFFFEF0] =	vst v13;
	v8 =	vadd.f32 v8, v5  }
0x10e: {  	v13 =	vld [tilespmem:s31+$0xFFFFFE80];
	p0 =	slt.u32 s30, $0xF8;
	[tilespmem:s29+$0xFFFFFF70] =	vst v14;
	v9 =	vadd.f32 v9, v6  }
0x10f: {  	v14 =	vld [tilespmem:s31+$0xFFFFFF00];
	[tilespmem:s29+$0xFFFFFFF0] =	vst v8;
	v8 =	vadd.f32 v10, v7  }
0x110: {  	v10 =	vld [tilespmem:s31+$0xFFFFFF80];
	[tilespmem:s29+$0x70] =	vst v9;
	v9 =	vadd.f32 v11, v0  }
0x111: {  	v11 =	vld [tilespmem:s31+$0x0];
	v12 =	vadd.f32 v12, v1;
	[tilespmem:s29+$0xF0] =	vst v8  }
0x112: {  	v8 =	vld [tilespmem:s31+$0x80];
	v15 =	vadd.f32 v15, v2;
	[tilespmem:s29+$0x170] =	vst v9  }
0x113: {  	v9 =	vadd.f32 v13, v3;
	v13 =	vld [tilespmem:s31+$0x100];
	[tilespmem:s29+$0xFFFFFE00] =	vst v12;
	s29 =	smov.u32 s31  }
0x114: {  	v12 =	vadd.f32 v14, v4;
	v14 =	vld [tilespmem:s31+$0x180];
	[tilespmem:s31+$0x1F0] =	vst v15  }
0x115: {  	[tilespmem:s31+$0xFFFFFE80] =	vst v9;
	v9 =	vadd.f32 v10, v5;
	v10 =	vld [tilespmem:s31+$0xFFFFFE10]  }
0x116: {  	[tilespmem:s31+$0xFFFFFF00] =	vst v12;
	v11 =	vadd.f32 v11, v6;
	v12 =	vld [tilespmem:s31+$0xFFFFFE90]  }
0x117: {  	[tilespmem:s31+$0xFFFFFF80] =	vst v9;
	v8 =	vadd.f32 v8, v7;
	v9 =	vld [tilespmem:s31+$0xFFFFFF10]  }
0x118: {  	[tilespmem:s31+$0x0] =	vst v11;
	v11 =	vadd.f32 v13, v0;
	v13 =	vld [tilespmem:s31+$0xFFFFFF90]  }
0x119: {  	[tilespmem:s31+$0x80] =	vst v8;
	v8 =	vadd.f32 v14, v2;
	v14 =	vld [tilespmem:s31+$0x10]  }
0x11a: {  	[tilespmem:s31+$0x100] =	vst v11;
	v10 =	vadd.f32 v10, v1;
	v11 =	vld [tilespmem:s31+$0x90]  }
0x11b: {  	[tilespmem:s31+$0x180] =	vst v8;
	v8 =	vadd.f32 v12, v3;
	v12 =	vld [tilespmem:s31+$0x110]  }
0x11c: {  	[tilespmem:s31+$0xFFFFFE10] =	vst v10;
	v9 =	vadd.f32 v9, v4;
	v10 =	vld [tilespmem:s31+$0x190]  }
0x11d: {  	[tilespmem:s31+$0xFFFFFE90] =	vst v8;
	v8 =	vadd.f32 v13, v5;
	v13 =	vld [tilespmem:s31+$0xFFFFFE20]  }
0x11e: {  	[tilespmem:s31+$0xFFFFFF10] =	vst v9;
	v9 =	vadd.f32 v14, v6;
	v14 =	vld [tilespmem:s31+$0xFFFFFEA0]  }
0x11f: {  	[tilespmem:s31+$0xFFFFFF90] =	vst v8;
	v8 =	vadd.f32 v11, v7;
	v11 =	vld [tilespmem:s31+$0xFFFFFF20]  }
0x120: {  	[tilespmem:s31+$0x10] =	vst v9;
	v9 =	vadd.f32 v12, v0;
	v12 =	vld [tilespmem:s31+$0xFFFFFFA0]  }
0x121: {  	[tilespmem:s31+$0x90] =	vst v8;
	v8 =	vadd.f32 v10, v2;
	v10 =	vld [tilespmem:s31+$0x20]  }
0x122: {  	[tilespmem:s31+$0x110] =	vst v9;
	v9 =	vadd.f32 v13, v1;
	v13 =	vld [tilespmem:s31+$0xA0]  }
0x123: {  	[tilespmem:s31+$0x190] =	vst v8;
	v8 =	vadd.f32 v14, v3;
	v14 =	vld [tilespmem:s31+$0x120]  }
0x124: {  	[tilespmem:s31+$0xFFFFFE20] =	vst v9;
	v9 =	vadd.f32 v11, v4;
	v11 =	vld [tilespmem:s31+$0x1A0]  }
0x125: {  	[tilespmem:s31+$0xFFFFFEA0] =	vst v8;
	v8 =	vadd.f32 v12, v5;
	v12 =	vld [tilespmem:s31+$0xFFFFFE30]  }
0x126: {  	[tilespmem:s31+$0xFFFFFF20] =	vst v9;
	v9 =	vadd.f32 v10, v6;
	v10 =	vld [tilespmem:s31+$0xFFFFFEB0]  }
0x127: {  	[tilespmem:s31+$0xFFFFFFA0] =	vst v8;
	v8 =	vadd.f32 v13, v7;
	v13 =	vld [tilespmem:s31+$0xFFFFFF30]  }
0x128: {  	[tilespmem:s31+$0x20] =	vst v9;
	v9 =	vadd.f32 v14, v0;
	v14 =	vld [tilespmem:s31+$0xFFFFFFB0]  }
0x129: {  	[tilespmem:s31+$0xA0] =	vst v8;
	v8 =	vadd.f32 v11, v2;
	v11 =	vld [tilespmem:s31+$0x30]  }
0x12a: {  	[tilespmem:s31+$0x120] =	vst v9;
	v9 =	vadd.f32 v12, v1;
	v12 =	vld [tilespmem:s31+$0xB0]  }
0x12b: {  	[tilespmem:s31+$0x1A0] =	vst v8;
	v8 =	vadd.f32 v10, v3;
	v10 =	vld [tilespmem:s31+$0x130]  }
0x12c: {  	[tilespmem:s31+$0xFFFFFE30] =	vst v9;
	v9 =	vadd.f32 v13, v4;
	v13 =	vld [tilespmem:s31+$0x1B0]  }
0x12d: {  	[tilespmem:s31+$0xFFFFFEB0] =	vst v8;
	v8 =	vadd.f32 v14, v5;
	v14 =	vld [tilespmem:s31+$0xFFFFFE40]  }
0x12e: {  	[tilespmem:s31+$0xFFFFFF30] =	vst v9;
	v9 =	vadd.f32 v11, v6;
	v11 =	vld [tilespmem:s31+$0xFFFFFEC0]  }
0x12f: {  	[tilespmem:s31+$0xFFFFFFB0] =	vst v8;
	v8 =	vadd.f32 v12, v7;
	v12 =	vld [tilespmem:s31+$0xFFFFFF40]  }
0x130: {  	[tilespmem:s31+$0x30] =	vst v9;
	v9 =	vadd.f32 v10, v0;
	v10 =	vld [tilespmem:s31+$0xFFFFFFC0]  }
0x131: {  	[tilespmem:s31+$0xB0] =	vst v8;
	v8 =	vadd.f32 v13, v2;
	v13 =	vld [tilespmem:s31+$0x40]  }
0x132: {  	[tilespmem:s31+$0x130] =	vst v9;
	v9 =	vadd.f32 v14, v1;
	v14 =	vld [tilespmem:s31+$0xC0]  }
0x133: {  	[tilespmem:s31+$0x1B0] =	vst v8;
	v8 =	vadd.f32 v11, v3;
	v11 =	vld [tilespmem:s31+$0x140]  }
0x134: {  	[tilespmem:s31+$0xFFFFFE40] =	vst v9;
	v9 =	vadd.f32 v12, v4;
	v12 =	vld [tilespmem:s31+$0x1C0]  }
0x135: {  	[tilespmem:s31+$0xFFFFFEC0] =	vst v8;
	v8 =	vadd.f32 v10, v5;
	v10 =	vld [tilespmem:s31+$0xFFFFFE50]  }
0x136: {  	[tilespmem:s31+$0xFFFFFF40] =	vst v9;
	v9 =	vadd.f32 v13, v6;
	v13 =	vld [tilespmem:s31+$0xFFFFFED0]  }
0x137: {  	[tilespmem:s31+$0xFFFFFFC0] =	vst v8;
	v8 =	vadd.f32 v14, v7;
	v14 =	vld [tilespmem:s31+$0xFFFFFF50]  }
0x138: {  	[tilespmem:s31+$0x40] =	vst v9;
	v9 =	vadd.f32 v11, v0;
	v11 =	vld [tilespmem:s31+$0xFFFFFFD0]  }
0x139: {  	[tilespmem:s31+$0xC0] =	vst v8;
	v8 =	vadd.f32 v12, v2;
	v12 =	vld [tilespmem:s31+$0x50]  }
0x13a: {  	[tilespmem:s31+$0x140] =	vst v9;
	v9 =	vadd.f32 v10, v1;
	v10 =	vld [tilespmem:s31+$0xD0]  }
0x13b: {  	[tilespmem:s31+$0x1C0] =	vst v8;
	v8 =	vadd.f32 v13, v3;
	v13 =	vld [tilespmem:s31+$0x150]  }
0x13c: {  	[tilespmem:s31+$0xFFFFFE50] =	vst v9;
	v9 =	vadd.f32 v14, v4;
	v14 =	vld [tilespmem:s31+$0x1D0]  }
0x13d: {  	[tilespmem:s31+$0xFFFFFED0] =	vst v8;
	v8 =	vadd.f32 v11, v5;
	v11 =	vld [tilespmem:s31+$0xFFFFFE60]  }
0x13e: {  	[tilespmem:s31+$0xFFFFFF50] =	vst v9;
	v9 =	vadd.f32 v12, v6;
	v12 =	vld [tilespmem:s31+$0xFFFFFEE0]  }
0x13f: {  	[tilespmem:s31+$0xFFFFFFD0] =	vst v8;
	v8 =	vadd.f32 v10, v7;
	v10 =	vld [tilespmem:s31+$0xFFFFFF60]  }
0x140: {  	[tilespmem:s31+$0x50] =	vst v9;
	v9 =	vadd.f32 v13, v0;
	v13 =	vld [tilespmem:s31+$0xFFFFFFE0]  }
0x141: {  	[tilespmem:s31+$0xD0] =	vst v8;
	v8 =	vadd.f32 v14, v2;
	v14 =	vld [tilespmem:s31+$0x60]  }
0x142: {  	[tilespmem:s31+$0x150] =	vst v9;
	v9 =	vadd.f32 v11, v1;
	v11 =	vld [tilespmem:s31+$0xE0]  }
0x143: {  	[tilespmem:s31+$0x1D0] =	vst v8;
	v8 =	vadd.f32 v12, v3;
	v12 =	vld [tilespmem:s31+$0x160]  }
0x144: {  	[tilespmem:s31+$0xFFFFFE60] =	vst v9;
	v9 =	vadd.f32 v10, v4;
	v10 =	vld [tilespmem:s31+$0x1E0]  }
0x145: {  	[tilespmem:s31+$0xFFFFFEE0] =	vst v8;
	v8 =	vadd.f32 v13, v5;
	v13 =	vld [tilespmem:s31+$0xFFFFFE70]  }
0x146: {  	[tilespmem:s31+$0xFFFFFF60] =	vst v9;
	v9 =	vadd.f32 v14, v6;
	v14 =	vld [tilespmem:s31+$0xFFFFFEF0]  }
0x147: {  	[tilespmem:s31+$0xFFFFFFE0] =	vst v8;
	v11 =	vadd.f32 v11, v7;
	v15 =	vld [tilespmem:s31+$0xFFFFFF70]  }
.Ltmp1:
0x148: {  	[tilespmem:s31+$0x60] =	vst v9;
	v12 =	vadd.f32 v12, v0;
	v8 =	vld [tilespmem:s31+$0xFFFFFFF0];
	(pc) =	sbr.rel @p0 .LBB2_5-.Ltmp1, $4  }
0x149: {  	[tilespmem:s31+$0xE0] =	vst v11;
	v11 =	vadd.f32 v10, v2;
	v9 =	vld [tilespmem:s31+$0x70]  }
0x14a: {  	[tilespmem:s31+$0x160] =	vst v12;
	v16 =	vadd.f32 v13, v1;
	v10 =	vld [tilespmem:s31+$0xF0]  }
0x14b: {  	[tilespmem:s31+$0x1E0] =	vst v11;
	v13 =	vadd.f32 v14, v3;
	v11 =	vld [tilespmem:s31+$0x170]  }
0x14c: {  	s31 =	sadd.s32 $0x400, s31;
	v12 =	vld [tilespmem:s29+$0xFFFFFE00];
	[tilespmem:s29+$0xFFFFFE70] =	vst v16;
	v14 =	vadd.f32 v15, v4  }
0x14d: {  	[tilespmem:s29+$0xFFFFFEF0] =	vst v13;
	v2 =	vadd.f32 v8, v5  }
0x14e: {  	[tilespmem:s29+$0xFFFFFF70] =	vst v14;
	v3 =	vadd.f32 v9, v6  }
0x14f: {  	[tilespmem:s29+$0xFFFFFFF0] =	vst v2;
	v2 =	vadd.f32 v10, v7  }
0x150: {  	[tilespmem:s29+$0x70] =	vst v3;
	v0 =	vadd.f32 v11, v0  }
0x151: {  	v1 =	vadd.f32 v12, v1;
	[tilespmem:s29+$0xF0] =	vst v2  }
0x152: {  	[tilespmem:s29+$0x170] =	vst v0  }
0x153: {  	[tilespmem:s29+$0xFFFFFE00] =	vst v1  }
0x154: {  	s1 =	sadd.s32 s28, s9;
	_ =	swait.ge [sflag:s21], $0x8000  }
0x155: {  	s1 =	sshll.u32 s1, $0x9;
	[sflag:s21] =	ssyncset.done $0x0  }
0x156: {  	s29 =	sadd.s32 s2, s1;
	[sflag:s21] =	ssyncadd.s32 $0xFFFF8000  }
0x157: {  	[hbm4b:s29+s3] =	stream.linear.scatter [tilespmem:s17], [sflag:$0x5], $0x8000, $0x38;
	[tilespmem:$0x18200] =	vst v63  }
0x158: {  	s1 =	sadd.s32 s1, s8  }
0x159: {  	[tilespmem:s16], [sflag:$0x1] =	stream.linear.gather [hbm4b:s1+s3], $0x8000, $0x38;
	[tilespmem:$0x18200] =	vst v63  }
0x15a: {  	_ =	swait.ge [sflag:s22], $0x8000  }
0x15b: {  	[sflag:s22] =	ssyncset.done $0x0  }
0x15c: {  	[sflag:s22] =	ssyncadd.s32 $0xFFFF8000  }
0x15d: {  	s29 =	simm.s32 $0x10400;
	v0 =	vld [tilespmem:s28+$0x10]  }
0x15e: {  	v4 =	vld [tilespmem:s29+$0x1F0]  }
0x15f: {  	v5 =	vld [tilespmem:s29+$0xFFFFFE80]  }
0x160: {  	v7 =	vld [tilespmem:s29+$0xFFFFFF00]  }
0x161: {  	v6 =	vld [tilespmem:s29+$0xFFFFFE10]  }
0x162: {  	v8 =	vld [tilespmem:s29+$0xFFFFFF80];
	v2 =	vbroadcast v0, $0x7  }
0x163: {  	v9 =	vld [tilespmem:s29+$0x0];
	v3 =	vbroadcast v0, $0x1  }
0x164: {  	v16 =	vld [tilespmem:s29+$0xFFFFFF90];
	v1 =	vbroadcast v0, $0x0;
	v15 =	vadd.f32 v4, v2  }
0x165: {  	v10 =	vld [tilespmem:s29+$0x80];
	v4 =	vbroadcast v0, $0x2;
	v17 =	vadd.f32 v5, v3  }
0x166: {  	v11 =	vld [tilespmem:s29+$0x100];
	v5 =	vbroadcast v0, $0x3;
	[tilespmem:s29+$0x1F0] =	vst v15;
	v15 =	vadd.f32 v6, v1  }
0x167: {  	v19 =	vld [tilespmem:s29+$0x90];
	v20 =	vadd.f32 v7, v4;
	[tilespmem:s29+$0xFFFFFE80] =	vst v17  }
0x168: {  	v12 =	vld [tilespmem:s29+$0x180];
	v6 =	vbroadcast v0, $0x4;
	v21 =	vadd.f32 v8, v5;
	[tilespmem:s29+$0xFFFFFE10] =	vst v15  }
0x169: {  	v13 =	vld [tilespmem:s29+$0xFFFFFE90];
	v7 =	vbroadcast v0, $0x5;
	v16 =	vadd.f32 v16, v5;
	[tilespmem:s29+$0xFFFFFF00] =	vst v20  }
0x16a: {  	v14 =	vld [tilespmem:s29+$0xFFFFFF10];
	v9 =	vadd.f32 v9, v6;
	[tilespmem:s29+$0xFFFFFF80] =	vst v21  }
0x16b: {  	v18 =	vld [tilespmem:s29+$0x10];
	v8 =	vbroadcast v0, $0x6;
	v10 =	vadd.f32 v10, v7;
	[tilespmem:s29+$0xFFFFFF90] =	vst v16  }
0x16c: {  	v15 =	vld [tilespmem:s29+$0x190];
	v16 =	vadd.f32 v19, v7;
	[tilespmem:s29+$0x0] =	vst v9  }
0x16d: {  	v59 =	vld [tilespmem:s29+$0xFFFFFE20];
	v9 =	vadd.f32 v11, v8;
	[tilespmem:s29+$0x80] =	vst v10  }
0x16e: {  	v10 =	vadd.f32 v12, v2;
	v12 =	vld [tilespmem:s29+$0xFFFFFF20];
	[tilespmem:s29+$0x90] =	vst v16  }
0x16f: {  	v60 =	vld [tilespmem:s29+$0xA0];
	[tilespmem:s29+$0x100] =	vst v9;
	v9 =	vadd.f32 v13, v3  }
0x170: {  	[tilespmem:s29+$0x180] =	vst v10;
	v10 =	vadd.f32 v14, v4;
	v14 =	vld [tilespmem:s29+$0x20]  }
0x171: {  	v17 =	vld [tilespmem:s29+$0x110];
	v15 =	vadd.f32 v15, v2;
	[tilespmem:s29+$0xFFFFFE90] =	vst v9  }
0x172: {  	v9 =	vadd.f32 v59, v1;
	[tilespmem:s29+$0xFFFFFF10] =	vst v10;
	v10 =	vld [tilespmem:s29+$0x120]  }
0x173: {  	v11 =	vld [tilespmem:s29+$0xFFFFFEA0];
	[tilespmem:s29+$0x190] =	vst v15;
	v12 =	vadd.f32 v12, v4  }
0x174: {  	v16 =	vld [tilespmem:s29+$0xFFFFFEB0];
	[tilespmem:s29+$0xFFFFFE20] =	vst v9;
	v9 =	vadd.f32 v18, v6  }
0x175: {  	v13 =	vld [tilespmem:s29+$0xFFFFFFA0];
	[tilespmem:s29+$0xFFFFFF20] =	vst v12;
	v14 =	vadd.f32 v14, v6  }
0x176: {  	[tilespmem:s29+$0x10] =	vst v9;
	v9 =	vadd.f32 v17, v8;
	v17 =	vld [tilespmem:s29+$0xFFFFFE30]  }
0x177: {  	v15 =	vld [tilespmem:s29+$0xFFFFFFB0];
	[tilespmem:s29+$0x20] =	vst v14;
	v10 =	vadd.f32 v10, v8  }
0x178: {  	v61 =	vld [tilespmem:s29+$0x1A0];
	[tilespmem:s29+$0x110] =	vst v9;
	v9 =	vadd.f32 v11, v3  }
0x179: {  	v11 =	vld [tilespmem:s29+$0xFFFFFF30];
	[tilespmem:s29+$0x120] =	vst v10;
	v10 =	vadd.f32 v16, v3  }
0x17a: {  	v62 =	vld [tilespmem:s29+$0xFFFFFE40];
	[tilespmem:s29+$0xFFFFFEA0] =	vst v9;
	v9 =	vadd.f32 v13, v5  }
0x17b: {  	v63 =	vld [tilespmem:s29+$0xC0];
	v12 =	vadd.f32 v17, v1;
	[tilespmem:s29+$0xFFFFFEB0] =	vst v10  }
0x17c: {  	v13 =	vld [tilespmem:s29+$0x30];
	v10 =	vadd.f32 v15, v5;
	[tilespmem:s29+$0xFFFFFFA0] =	vst v9  }
0x17d: {  	v9 =	vld [tilespmem:s29+$0x130];
	[tilespmem:s29+$0xFFFFFE30] =	vst v12;
	v12 =	vadd.f32 v60, v7  }
0x17e: {  	v14 =	vld [tilespmem:s29+$0x1B0];
	v11 =	vadd.f32 v11, v4;
	[tilespmem:s29+$0xFFFFFFB0] =	vst v10  }
0x17f: {  	v16 =	vld [tilespmem:s29+$0xFFFFFEC0];
	v10 =	vadd.f32 v62, v1;
	[tilespmem:s29+$0xA0] =	vst v12  }
0x180: {  	v17 =	vld [tilespmem:s29+$0xB0];
	v12 =	vadd.f32 v61, v2;
	[tilespmem:s29+$0xFFFFFF30] =	vst v11  }
0x181: {  	v15 =	vld [tilespmem:s29+$0xFFFFFFC0];
	v11 =	vadd.f32 v13, v6;
	[tilespmem:s29+$0xFFFFFE40] =	vst v10  }
0x182: {  	[tilespmem:s29+$0x1A0] =	vst v12;
	v12 =	vld [tilespmem:s29+$0xFFFFFF40];
	v9 =	vadd.f32 v9, v8  }
0x183: {  	v13 =	vld [tilespmem:s29+$0x40];
	v10 =	vadd.f32 v14, v2;
	[tilespmem:s29+$0x30] =	vst v11  }
0x184: {  	v14 =	vld [tilespmem:s29+$0x1C0];
	[tilespmem:s29+$0x130] =	vst v9;
	v9 =	vadd.f32 v16, v3  }
0x185: {  	v17 =	vadd.f32 v17, v7;
	v11 =	vld [tilespmem:s29+$0x140];
	[tilespmem:s29+$0x1B0] =	vst v10  }
0x186: {  	v16 =	vld [tilespmem:s29+$0xFFFFFE50];
	[tilespmem:s29+$0xFFFFFEC0] =	vst v9;
	v9 =	vadd.f32 v15, v5  }
0x187: {  	[tilespmem:s29+$0xB0] =	vst v17;
	v10 =	vadd.f32 v12, v4;
	v12 =	vld [tilespmem:s29+$0xFFFFFED0]  }
0x188: {  	v17 =	vld [tilespmem:s29+$0x50];
	[tilespmem:s29+$0xFFFFFFC0] =	vst v9;
	v9 =	vadd.f32 v63, v7  }
0x189: {  	[tilespmem:s29+$0xFFFFFF40] =	vst v10;
	v10 =	vadd.f32 v13, v6;
	v13 =	vld [tilespmem:s29+$0xFFFFFFD0]  }
0x18a: {  	v15 =	vld [tilespmem:s29+$0xFFFFFF50];
	v11 =	vadd.f32 v11, v8;
	[tilespmem:s29+$0xC0] =	vst v9  }
0x18b: {  	v9 =	vld [tilespmem:s29+$0x150];
	[tilespmem:s29+$0x40] =	vst v10;
	v10 =	vadd.f32 v16, v1  }
0x18c: {  	[tilespmem:s29+$0x140] =	vst v11;
	v16 =	vld [tilespmem:s29+$0xD0];
	v11 =	vadd.f32 v12, v3  }
0x18d: {  	v12 =	vld [tilespmem:s29+$0x1D0];
	[tilespmem:s29+$0xFFFFFE50] =	vst v10;
	v10 =	vadd.f32 v14, v2  }
0x18e: {  	v14 =	vld [tilespmem:s29+$0xFFFFFE60];
	[tilespmem:s29+$0xFFFFFED0] =	vst v11;
	v11 =	vadd.f32 v13, v5  }
0x18f: {  	[tilespmem:s29+$0x1C0] =	vst v10;
	v10 =	vadd.f32 v15, v4  }
0x190: {  	v13 =	vld [tilespmem:s29+$0xFFFFFEE0];
	v9 =	vadd.f32 v9, v8;
	[tilespmem:s29+$0xFFFFFFD0] =	vst v11  }
0x191: {  	v15 =	vld [tilespmem:s29+$0xFFFFFF60];
	v11 =	vadd.f32 v16, v7;
	[tilespmem:s29+$0xFFFFFF50] =	vst v10  }
0x192: {  	v16 =	vld [tilespmem:s29+$0xFFFFFFE0];
	v10 =	vadd.f32 v17, v6;
	[tilespmem:s29+$0x150] =	vst v9  }
0x193: {  	v12 =	vadd.f32 v12, v2;
	[tilespmem:s29+$0xD0] =	vst v11;
	v11 =	vadd.f32 v14, v1;
	v14 =	vld [tilespmem:s29+$0xE0]  }
0x194: {  	[tilespmem:s29+$0x50] =	vst v10;
	v10 =	vld [tilespmem:s29+$0x60]  }
0x195: {  	v9 =	vld [tilespmem:s29+$0x160];
	v13 =	vadd.f32 v13, v3;
	[tilespmem:s29+$0x1D0] =	vst v12  }
0x196: {  	v12 =	vld [tilespmem:s29+$0x1E0];
	[tilespmem:s29+$0xFFFFFE60] =	vst v11;
	v11 =	vadd.f32 v15, v4  }
0x197: {  	v15 =	vld [tilespmem:s29+$0xFFFFFE70];
	[tilespmem:s29+$0xFFFFFEE0] =	vst v13;
	v13 =	vadd.f32 v16, v5  }
0x198: {  	v16 =	vld [tilespmem:s29+$0xFFFFFEF0];
	[tilespmem:s29+$0xFFFFFF60] =	vst v11;
	v11 =	vadd.f32 v14, v7  }
0x199: {  	v17 =	vld [tilespmem:s29+$0xFFFFFF70];
	[tilespmem:s29+$0xFFFFFFE0] =	vst v13;
	v10 =	vadd.f32 v10, v6  }
0x19a: {  	v13 =	vadd.f32 v9, v8;
	v9 =	vld [tilespmem:s29+$0xFFFFFFF0];
	[tilespmem:s29+$0xE0] =	vst v11  }
0x19b: {  	v12 =	vadd.f32 v12, v2;
	[tilespmem:s29+$0x60] =	vst v10;
	v10 =	vld [tilespmem:s29+$0x70]  }
0x19c: {  	[tilespmem:s29+$0x160] =	vst v13;
	v15 =	vadd.f32 v15, v1;
	v11 =	vld [tilespmem:s29+$0xF0]  }
0x19d: {  	[tilespmem:s29+$0x1E0] =	vst v12;
	v12 =	vld [tilespmem:s29+$0x170];
	v14 =	vadd.f32 v16, v3  }
0x19e: {  	s30 =	sadd.s32 $0x10, s28;
	s31 =	simm.s32 $0x0;
	s1 =	simm.s32 $0x10800;
	v13 =	vld [tilespmem:s29+$0xFFFFFE00];
	[tilespmem:s29+$0xFFFFFE70] =	vst v15;
	v15 =	vadd.f32 v17, v4  }
.LBB2_7:
0x19f: {  	v16 =	vld [tilespmem:s1+$0x1F0];
	s31 =	sadd.s32 $0x8, s31;
	[tilespmem:s29+$0xFFFFFEF0] =	vst v14;
	v9 =	vadd.f32 v9, v5  }
0x1a0: {  	v14 =	vld [tilespmem:s1+$0xFFFFFE80];
	p0 =	slt.u32 s31, $0xF8;
	[tilespmem:s29+$0xFFFFFF70] =	vst v15;
	v10 =	vadd.f32 v10, v6  }
0x1a1: {  	v15 =	vld [tilespmem:s1+$0xFFFFFF00];
	[tilespmem:s29+$0xFFFFFFF0] =	vst v9;
	v9 =	vadd.f32 v11, v7  }
0x1a2: {  	v11 =	vld [tilespmem:s1+$0xFFFFFF80];
	[tilespmem:s29+$0x70] =	vst v10;
	v10 =	vadd.f32 v12, v8  }
0x1a3: {  	v12 =	vld [tilespmem:s1+$0x0];
	v13 =	vadd.f32 v13, v1;
	[tilespmem:s29+$0xF0] =	vst v9  }
0x1a4: {  	v9 =	vld [tilespmem:s1+$0x80];
	v16 =	vadd.f32 v16, v2;
	[tilespmem:s29+$0x170] =	vst v10  }
0x1a5: {  	v10 =	vadd.f32 v14, v3;
	v14 =	vld [tilespmem:s1+$0x100];
	[tilespmem:s29+$0xFFFFFE00] =	vst v13;
	s29 =	smov.u32 s1  }
0x1a6: {  	v13 =	vadd.f32 v15, v4;
	v15 =	vld [tilespmem:s1+$0x180];
	[tilespmem:s1+$0x1F0] =	vst v16  }
0x1a7: {  	[tilespmem:s1+$0xFFFFFE80] =	vst v10;
	v10 =	vadd.f32 v11, v5;
	v11 =	vld [tilespmem:s1+$0xFFFFFE10]  }
0x1a8: {  	[tilespmem:s1+$0xFFFFFF00] =	vst v13;
	v12 =	vadd.f32 v12, v6;
	v13 =	vld [tilespmem:s1+$0xFFFFFE90]  }
0x1a9: {  	[tilespmem:s1+$0xFFFFFF80] =	vst v10;
	v9 =	vadd.f32 v9, v7;
	v10 =	vld [tilespmem:s1+$0xFFFFFF10]  }
0x1aa: {  	[tilespmem:s1+$0x0] =	vst v12;
	v12 =	vadd.f32 v14, v8;
	v14 =	vld [tilespmem:s1+$0xFFFFFF90]  }
0x1ab: {  	[tilespmem:s1+$0x80] =	vst v9;
	v9 =	vadd.f32 v15, v2;
	v15 =	vld [tilespmem:s1+$0x10]  }
0x1ac: {  	[tilespmem:s1+$0x100] =	vst v12;
	v11 =	vadd.f32 v11, v1;
	v12 =	vld [tilespmem:s1+$0x90]  }
0x1ad: {  	[tilespmem:s1+$0x180] =	vst v9;
	v9 =	vadd.f32 v13, v3;
	v13 =	vld [tilespmem:s1+$0x110]  }
0x1ae: {  	[tilespmem:s1+$0xFFFFFE10] =	vst v11;
	v10 =	vadd.f32 v10, v4;
	v11 =	vld [tilespmem:s1+$0x190]  }
0x1af: {  	[tilespmem:s1+$0xFFFFFE90] =	vst v9;
	v9 =	vadd.f32 v14, v5;
	v14 =	vld [tilespmem:s1+$0xFFFFFE20]  }
0x1b0: {  	[tilespmem:s1+$0xFFFFFF10] =	vst v10;
	v10 =	vadd.f32 v15, v6;
	v15 =	vld [tilespmem:s1+$0xFFFFFEA0]  }
0x1b1: {  	[tilespmem:s1+$0xFFFFFF90] =	vst v9;
	v9 =	vadd.f32 v12, v7;
	v12 =	vld [tilespmem:s1+$0xFFFFFF20]  }
0x1b2: {  	[tilespmem:s1+$0x10] =	vst v10;
	v10 =	vadd.f32 v13, v8;
	v13 =	vld [tilespmem:s1+$0xFFFFFFA0]  }
0x1b3: {  	[tilespmem:s1+$0x90] =	vst v9;
	v9 =	vadd.f32 v11, v2;
	v11 =	vld [tilespmem:s1+$0x20]  }
0x1b4: {  	[tilespmem:s1+$0x110] =	vst v10;
	v10 =	vadd.f32 v14, v1;
	v14 =	vld [tilespmem:s1+$0xA0]  }
0x1b5: {  	[tilespmem:s1+$0x190] =	vst v9;
	v9 =	vadd.f32 v15, v3;
	v15 =	vld [tilespmem:s1+$0x120]  }
0x1b6: {  	[tilespmem:s1+$0xFFFFFE20] =	vst v10;
	v10 =	vadd.f32 v12, v4;
	v12 =	vld [tilespmem:s1+$0x1A0]  }
0x1b7: {  	[tilespmem:s1+$0xFFFFFEA0] =	vst v9;
	v9 =	vadd.f32 v13, v5;
	v13 =	vld [tilespmem:s1+$0xFFFFFE30]  }
0x1b8: {  	[tilespmem:s1+$0xFFFFFF20] =	vst v10;
	v10 =	vadd.f32 v11, v6;
	v11 =	vld [tilespmem:s1+$0xFFFFFEB0]  }
0x1b9: {  	[tilespmem:s1+$0xFFFFFFA0] =	vst v9;
	v9 =	vadd.f32 v14, v7;
	v14 =	vld [tilespmem:s1+$0xFFFFFF30]  }
0x1ba: {  	[tilespmem:s1+$0x20] =	vst v10;
	v10 =	vadd.f32 v15, v8;
	v15 =	vld [tilespmem:s1+$0xFFFFFFB0]  }
0x1bb: {  	[tilespmem:s1+$0xA0] =	vst v9;
	v9 =	vadd.f32 v12, v2;
	v12 =	vld [tilespmem:s1+$0x30]  }
0x1bc: {  	[tilespmem:s1+$0x120] =	vst v10;
	v10 =	vadd.f32 v13, v1;
	v13 =	vld [tilespmem:s1+$0xB0]  }
0x1bd: {  	[tilespmem:s1+$0x1A0] =	vst v9;
	v9 =	vadd.f32 v11, v3;
	v11 =	vld [tilespmem:s1+$0x130]  }
0x1be: {  	[tilespmem:s1+$0xFFFFFE30] =	vst v10;
	v10 =	vadd.f32 v14, v4;
	v14 =	vld [tilespmem:s1+$0x1B0]  }
0x1bf: {  	[tilespmem:s1+$0xFFFFFEB0] =	vst v9;
	v9 =	vadd.f32 v15, v5;
	v15 =	vld [tilespmem:s1+$0xFFFFFE40]  }
0x1c0: {  	[tilespmem:s1+$0xFFFFFF30] =	vst v10;
	v10 =	vadd.f32 v12, v6;
	v12 =	vld [tilespmem:s1+$0xFFFFFEC0]  }
0x1c1: {  	[tilespmem:s1+$0xFFFFFFB0] =	vst v9;
	v9 =	vadd.f32 v13, v7;
	v13 =	vld [tilespmem:s1+$0xFFFFFF40]  }
0x1c2: {  	[tilespmem:s1+$0x30] =	vst v10;
	v10 =	vadd.f32 v11, v8;
	v11 =	vld [tilespmem:s1+$0xFFFFFFC0]  }
0x1c3: {  	[tilespmem:s1+$0xB0] =	vst v9;
	v9 =	vadd.f32 v14, v2;
	v14 =	vld [tilespmem:s1+$0x40]  }
0x1c4: {  	[tilespmem:s1+$0x130] =	vst v10;
	v10 =	vadd.f32 v15, v1;
	v15 =	vld [tilespmem:s1+$0xC0]  }
0x1c5: {  	[tilespmem:s1+$0x1B0] =	vst v9;
	v9 =	vadd.f32 v12, v3;
	v12 =	vld [tilespmem:s1+$0x140]  }
0x1c6: {  	[tilespmem:s1+$0xFFFFFE40] =	vst v10;
	v10 =	vadd.f32 v13, v4;
	v13 =	vld [tilespmem:s1+$0x1C0]  }
0x1c7: {  	[tilespmem:s1+$0xFFFFFEC0] =	vst v9;
	v9 =	vadd.f32 v11, v5;
	v11 =	vld [tilespmem:s1+$0xFFFFFE50]  }
0x1c8: {  	[tilespmem:s1+$0xFFFFFF40] =	vst v10;
	v10 =	vadd.f32 v14, v6;
	v14 =	vld [tilespmem:s1+$0xFFFFFED0]  }
0x1c9: {  	[tilespmem:s1+$0xFFFFFFC0] =	vst v9;
	v9 =	vadd.f32 v15, v7;
	v15 =	vld [tilespmem:s1+$0xFFFFFF50]  }
0x1ca: {  	[tilespmem:s1+$0x40] =	vst v10;
	v10 =	vadd.f32 v12, v8;
	v12 =	vld [tilespmem:s1+$0xFFFFFFD0]  }
0x1cb: {  	[tilespmem:s1+$0xC0] =	vst v9;
	v9 =	vadd.f32 v13, v2;
	v13 =	vld [tilespmem:s1+$0x50]  }
0x1cc: {  	[tilespmem:s1+$0x140] =	vst v10;
	v10 =	vadd.f32 v11, v1;
	v11 =	vld [tilespmem:s1+$0xD0]  }
0x1cd: {  	[tilespmem:s1+$0x1C0] =	vst v9;
	v9 =	vadd.f32 v14, v3;
	v14 =	vld [tilespmem:s1+$0x150]  }
0x1ce: {  	[tilespmem:s1+$0xFFFFFE50] =	vst v10;
	v10 =	vadd.f32 v15, v4;
	v15 =	vld [tilespmem:s1+$0x1D0]  }
0x1cf: {  	[tilespmem:s1+$0xFFFFFED0] =	vst v9;
	v9 =	vadd.f32 v12, v5;
	v12 =	vld [tilespmem:s1+$0xFFFFFE60]  }
0x1d0: {  	[tilespmem:s1+$0xFFFFFF50] =	vst v10;
	v10 =	vadd.f32 v13, v6;
	v13 =	vld [tilespmem:s1+$0xFFFFFEE0]  }
0x1d1: {  	[tilespmem:s1+$0xFFFFFFD0] =	vst v9;
	v9 =	vadd.f32 v11, v7;
	v11 =	vld [tilespmem:s1+$0xFFFFFF60]  }
0x1d2: {  	[tilespmem:s1+$0x50] =	vst v10;
	v10 =	vadd.f32 v14, v8;
	v14 =	vld [tilespmem:s1+$0xFFFFFFE0]  }
0x1d3: {  	[tilespmem:s1+$0xD0] =	vst v9;
	v9 =	vadd.f32 v15, v2;
	v15 =	vld [tilespmem:s1+$0x60]  }
0x1d4: {  	[tilespmem:s1+$0x150] =	vst v10;
	v10 =	vadd.f32 v12, v1;
	v12 =	vld [tilespmem:s1+$0xE0]  }
0x1d5: {  	[tilespmem:s1+$0x1D0] =	vst v9;
	v9 =	vadd.f32 v13, v3;
	v13 =	vld [tilespmem:s1+$0x160]  }
0x1d6: {  	[tilespmem:s1+$0xFFFFFE60] =	vst v10;
	v10 =	vadd.f32 v11, v4;
	v11 =	vld [tilespmem:s1+$0x1E0]  }
0x1d7: {  	[tilespmem:s1+$0xFFFFFEE0] =	vst v9;
	v9 =	vadd.f32 v14, v5;
	v14 =	vld [tilespmem:s1+$0xFFFFFE70]  }
0x1d8: {  	[tilespmem:s1+$0xFFFFFF60] =	vst v10;
	v10 =	vadd.f32 v15, v6;
	v15 =	vld [tilespmem:s1+$0xFFFFFEF0]  }
0x1d9: {  	[tilespmem:s1+$0xFFFFFFE0] =	vst v9;
	v12 =	vadd.f32 v12, v7;
	v16 =	vld [tilespmem:s1+$0xFFFFFF70]  }
.Ltmp2:
0x1da: {  	[tilespmem:s1+$0x60] =	vst v10;
	v13 =	vadd.f32 v13, v8;
	v9 =	vld [tilespmem:s1+$0xFFFFFFF0];
	(pc) =	sbr.rel @p0 .LBB2_7-.Ltmp2, $4  }
0x1db: {  	[tilespmem:s1+$0xE0] =	vst v12;
	v12 =	vadd.f32 v11, v2;
	v10 =	vld [tilespmem:s1+$0x70]  }
0x1dc: {  	[tilespmem:s1+$0x160] =	vst v13;
	v17 =	vadd.f32 v14, v1;
	v11 =	vld [tilespmem:s1+$0xF0]  }
0x1dd: {  	[tilespmem:s1+$0x1E0] =	vst v12;
	v14 =	vadd.f32 v15, v3;
	v12 =	vld [tilespmem:s1+$0x170]  }
0x1de: {  	s1 =	sadd.s32 $0x400, s1;
	v13 =	vld [tilespmem:s29+$0xFFFFFE00];
	[tilespmem:s29+$0xFFFFFE70] =	vst v17;
	v15 =	vadd.f32 v16, v4  }
0x1df: {  	[tilespmem:s29+$0xFFFFFEF0] =	vst v14;
	v2 =	vadd.f32 v9, v5  }
0x1e0: {  	[tilespmem:s29+$0xFFFFFF70] =	vst v15;
	v3 =	vadd.f32 v10, v6  }
0x1e1: {  	[tilespmem:s29+$0xFFFFFFF0] =	vst v2;
	v2 =	vadd.f32 v11, v7  }
0x1e2: {  	[tilespmem:s29+$0x70] =	vst v3;
	v3 =	vadd.f32 v12, v8  }
0x1e3: {  	v1 =	vadd.f32 v13, v1;
	[tilespmem:s29+$0xF0] =	vst v2  }
0x1e4: {  	[tilespmem:s29+$0x170] =	vst v3  }
0x1e5: {  	[tilespmem:s29+$0xFFFFFE00] =	vst v1  }
0x1e6: {  	s1 =	sadd.s32 s4, s30;
	_ =	swait.ge [sflag:s23], $0x8000  }
0x1e7: {  	s1 =	sshll.u32 s1, $0x9;
	[sflag:s23] =	ssyncset.done $0x0  }
0x1e8: {  	s29 =	sadd.s32 s2, s1;
	[sflag:s23] =	ssyncadd.s32 $0xFFFF8000  }
0x1e9: {  	[hbm4b:s29+s3] =	stream.linear.scatter [tilespmem:s19], [sflag:$0x6], $0x8000, $0x38;
	[tilespmem:$0x18200] =	vst v63  }
0x1ea: {  	s1 =	sadd.s32 s1, s8  }
0x1eb: {  	[tilespmem:s17], [sflag:$0x2] =	stream.linear.gather [hbm4b:s1+s3], $0x8000, $0x38;
	[tilespmem:$0x18200] =	vst v63  }
0x1ec: {  	_ =	swait.ge [sflag:s18], $0x8000  }
0x1ed: {  	[sflag:s18] =	ssyncset.done $0x0  }
0x1ee: {  	s29 =	simm.s32 $0x400;
	[sflag:s18] =	ssyncadd.s32 $0xFFFF8000  }
0x1ef: {  	v4 =	vld [tilespmem:s29+$0x1F0]  }
0x1f0: {  	v5 =	vld [tilespmem:s29+$0xFFFFFE80]  }
0x1f1: {  	v7 =	vld [tilespmem:s29+$0xFFFFFF00]  }
0x1f2: {  	v6 =	vld [tilespmem:s29+$0xFFFFFE10]  }
0x1f3: {  	v2 =	vbroadcast v0, $0xF;
	v8 =	vld [tilespmem:s29+$0xFFFFFF80]  }
0x1f4: {  	v3 =	vbroadcast v0, $0x9;
	v9 =	vld [tilespmem:s29+$0x0]  }
0x1f5: {  	v1 =	vbroadcast v0, $0x8;
	v16 =	vld [tilespmem:s29+$0xFFFFFF90];
	v15 =	vadd.f32 v4, v2  }
0x1f6: {  	v10 =	vld [tilespmem:s29+$0x80];
	v4 =	vbroadcast v0, $0xA;
	v17 =	vadd.f32 v5, v3  }
0x1f7: {  	v11 =	vld [tilespmem:s29+$0x100];
	v5 =	vbroadcast v0, $0xB;
	[tilespmem:s29+$0x1F0] =	vst v15;
	v15 =	vadd.f32 v6, v1  }
0x1f8: {  	v19 =	vld [tilespmem:s29+$0x90];
	v20 =	vadd.f32 v7, v4;
	[tilespmem:s29+$0xFFFFFE80] =	vst v17  }
0x1f9: {  	v59 =	vld [tilespmem:s29+$0xB0];
	v6 =	vbroadcast v0, $0xC;
	v8 =	vadd.f32 v8, v5;
	[tilespmem:s29+$0xFFFFFE10] =	vst v15  }
0x1fa: {  	v12 =	vld [tilespmem:s29+$0x180];
	v7 =	vbroadcast v0, $0xD;
	v16 =	vadd.f32 v16, v5;
	[tilespmem:s29+$0xFFFFFF00] =	vst v20  }
0x1fb: {  	v13 =	vld [tilespmem:s29+$0xFFFFFE90];
	v9 =	vadd.f32 v9, v6;
	[tilespmem:s29+$0xFFFFFF80] =	vst v8  }
0x1fc: {  	v14 =	vld [tilespmem:s29+$0xFFFFFF10];
	v8 =	vadd.f32 v10, v7;
	[tilespmem:s29+$0xFFFFFF90] =	vst v16  }
0x1fd: {  	v18 =	vld [tilespmem:s29+$0x10];
	v0 =	vbroadcast v0, $0xE;
	v55 =	vadd.f32 v19, v7;
	[tilespmem:s29+$0x0] =	vst v9  }
0x1fe: {  	v15 =	vld [tilespmem:s29+$0x190];
	v17 =	vadd.f32 v59, v7;
	[tilespmem:s29+$0x80] =	vst v8  }
0x1ff: {  	v10 =	vld [tilespmem:s29+$0xFFFFFE20];
	v9 =	vadd.f32 v11, v0;
	[tilespmem:s29+$0x90] =	vst v55  }
0x200: {  	v8 =	vadd.f32 v12, v2;
	v12 =	vld [tilespmem:s29+$0xFFFFFF20];
	[tilespmem:s29+$0xB0] =	vst v17  }
0x201: {  	v54 =	vld [tilespmem:s29+$0x110];
	[tilespmem:s29+$0x100] =	vst v9;
	v9 =	vadd.f32 v13, v3  }
0x202: {  	v57 =	vld [tilespmem:s29+$0xFFFFFE30];
	[tilespmem:s29+$0x180] =	vst v8;
	v8 =	vadd.f32 v14, v4  }
0x203: {  	v14 =	vld [tilespmem:s29+$0x20];
	v15 =	vadd.f32 v15, v2;
	[tilespmem:s29+$0xFFFFFE90] =	vst v9  }
0x204: {  	v56 =	vld [tilespmem:s29+$0x1A0];
	v9 =	vadd.f32 v10, v1;
	[tilespmem:s29+$0xFFFFFF10] =	vst v8  }
0x205: {  	v10 =	vld [tilespmem:s29+$0xA0];
	[tilespmem:s29+$0x190] =	vst v15;
	v12 =	vadd.f32 v12, v4  }
0x206: {  	v11 =	vld [tilespmem:s29+$0xFFFFFEA0];
	[tilespmem:s29+$0xFFFFFE20] =	vst v9;
	v9 =	vadd.f32 v18, v6  }
0x207: {  	v8 =	vld [tilespmem:s29+$0x120];
	[tilespmem:s29+$0xFFFFFF20] =	vst v12;
	v12 =	vadd.f32 v57, v1  }
0x208: {  	v13 =	vld [tilespmem:s29+$0xFFFFFFA0];
	v14 =	vadd.f32 v14, v6;
	[tilespmem:s29+$0x10] =	vst v9  }
0x209: {  	v58 =	vld [tilespmem:s29+$0xFFFFFEB0];
	v9 =	vadd.f32 v54, v0;
	[tilespmem:s29+$0xFFFFFE30] =	vst v12  }
0x20a: {  	v60 =	vld [tilespmem:s29+$0xFFFFFEC0];
	v10 =	vadd.f32 v10, v7;
	[tilespmem:s29+$0x20] =	vst v14  }
0x20b: {  	v15 =	vld [tilespmem:s29+$0xFFFFFFB0];
	[tilespmem:s29+$0x110] =	vst v9;
	v9 =	vadd.f32 v11, v3  }
0x20c: {  	v8 =	vadd.f32 v8, v0;
	v11 =	vld [tilespmem:s29+$0xFFFFFF30];
	[tilespmem:s29+$0xA0] =	vst v10  }
0x20d: {  	v14 =	vld [tilespmem:s29+$0xFFFFFE40];
	[tilespmem:s29+$0xFFFFFEA0] =	vst v9;
	v9 =	vadd.f32 v13, v5  }
0x20e: {  	[tilespmem:s29+$0x120] =	vst v8;
	v8 =	vadd.f32 v58, v3;
	v13 =	vld [tilespmem:s29+$0x30]  }
0x20f: {  	v10 =	vadd.f32 v56, v2;
	[tilespmem:s29+$0xFFFFFFA0] =	vst v9;
	v9 =	vld [tilespmem:s29+$0x130]  }
0x210: {  	v12 =	vld [tilespmem:s29+$0x1B0];
	[tilespmem:s29+$0xFFFFFEB0] =	vst v8;
	v8 =	vadd.f32 v15, v5  }
0x211: {  	v61 =	vld [tilespmem:s29+$0xFFFFFE50];
	[tilespmem:s29+$0x1A0] =	vst v10;
	v10 =	vadd.f32 v11, v4  }
0x212: {  	v11 =	vld [tilespmem:s29+$0xFFFFFF40];
	[tilespmem:s29+$0xFFFFFFB0] =	vst v8;
	v8 =	vadd.f32 v14, v1  }
0x213: {  	v15 =	vld [tilespmem:s29+$0xFFFFFFC0];
	[tilespmem:s29+$0xFFFFFF30] =	vst v10;
	v10 =	vadd.f32 v13, v6  }
0x214: {  	v13 =	vld [tilespmem:s29+$0x40];
	[tilespmem:s29+$0xFFFFFE40] =	vst v8;
	v8 =	vadd.f32 v9, v0  }
0x215: {  	[tilespmem:s29+$0x30] =	vst v10;
	v10 =	vld [tilespmem:s29+$0x140];
	v9 =	vadd.f32 v12, v2  }
0x216: {  	v14 =	vld [tilespmem:s29+$0xC0];
	[tilespmem:s29+$0x130] =	vst v8;
	v8 =	vadd.f32 v60, v3  }
0x217: {  	v62 =	vld [tilespmem:s29+$0xD0];
	[tilespmem:s29+$0x1B0] =	vst v9;
	v9 =	vadd.f32 v11, v4  }
0x218: {  	v11 =	vld [tilespmem:s29+$0xFFFFFED0];
	[tilespmem:s29+$0xFFFFFEC0] =	vst v8;
	v8 =	vadd.f32 v15, v5  }
0x219: {  	v12 =	vld [tilespmem:s29+$0x1C0];
	[tilespmem:s29+$0xFFFFFF40] =	vst v9;
	v9 =	vadd.f32 v13, v6  }
0x21a: {  	v13 =	vld [tilespmem:s29+$0xFFFFFFD0];
	v10 =	vadd.f32 v10, v0;
	[tilespmem:s29+$0xFFFFFFC0] =	vst v8  }
0x21b: {  	v15 =	vld [tilespmem:s29+$0xFFFFFF50];
	v8 =	vadd.f32 v14, v7;
	[tilespmem:s29+$0x40] =	vst v9  }
0x21c: {  	v14 =	vld [tilespmem:s29+$0x50];
	v9 =	vadd.f32 v61, v1;
	[tilespmem:s29+$0x140] =	vst v10  }
0x21d: {  	v10 =	vadd.f32 v11, v3;
	v11 =	vld [tilespmem:s29+$0x1D0];
	[tilespmem:s29+$0xC0] =	vst v8  }
0x21e: {  	[tilespmem:s29+$0xFFFFFE50] =	vst v9;
	v9 =	vadd.f32 v12, v2;
	v12 =	vld [tilespmem:s29+$0xFFFFFE60]  }
0x21f: {  	v8 =	vld [tilespmem:s29+$0x150];
	[tilespmem:s29+$0xFFFFFED0] =	vst v10;
	v10 =	vadd.f32 v13, v5  }
0x220: {  	v13 =	vld [tilespmem:s29+$0xFFFFFEE0];
	[tilespmem:s29+$0x1C0] =	vst v9;
	v9 =	vadd.f32 v15, v4  }
0x221: {  	v15 =	vld [tilespmem:s29+$0xFFFFFFE0];
	[tilespmem:s29+$0xFFFFFFD0] =	vst v10;
	v10 =	vadd.f32 v62, v7  }
0x222: {  	[tilespmem:s29+$0xFFFFFF50] =	vst v9;
	v9 =	vadd.f32 v14, v6;
	v14 =	vld [tilespmem:s29+$0xFFFFFF60]  }
0x223: {  	v11 =	vadd.f32 v11, v2;
	[tilespmem:s29+$0xD0] =	vst v10;
	v10 =	vadd.f32 v12, v1;
	v12 =	vld [tilespmem:s29+$0xE0]  }
0x224: {  	v8 =	vadd.f32 v8, v0;
	[tilespmem:s29+$0x50] =	vst v9;
	v9 =	vld [tilespmem:s29+$0x60]  }
0x225: {  	v13 =	vadd.f32 v13, v3;
	[tilespmem:s29+$0x1D0] =	vst v11;
	v11 =	vld [tilespmem:s29+$0x1E0]  }
0x226: {  	[tilespmem:s29+$0x150] =	vst v8;
	v8 =	vld [tilespmem:s29+$0x160]  }
0x227: {  	[tilespmem:s29+$0xFFFFFEE0] =	vst v13;
	v13 =	vadd.f32 v15, v5  }
0x228: {  	[tilespmem:s29+$0xFFFFFE60] =	vst v10;
	v10 =	vadd.f32 v14, v4;
	v14 =	vld [tilespmem:s29+$0xFFFFFE70]  }
0x229: {  	v15 =	vld [tilespmem:s29+$0xFFFFFEF0];
	[tilespmem:s29+$0xFFFFFFE0] =	vst v13;
	v9 =	vadd.f32 v9, v6  }
0x22a: {  	v63 =	vld [tilespmem:s29+$0xFFFFFF70];
	[tilespmem:s29+$0xFFFFFF60] =	vst v10;
	v10 =	vadd.f32 v12, v7  }
0x22b: {  	v11 =	vadd.f32 v11, v2;
	v12 =	vadd.f32 v8, v0;
	v8 =	vld [tilespmem:s29+$0xFFFFFFF0];
	[tilespmem:s29+$0x60] =	vst v9  }
0x22c: {  	[tilespmem:s29+$0xE0] =	vst v10;
	v9 =	vld [tilespmem:s29+$0x70]  }
0x22d: {  	v10 =	vld [tilespmem:s29+$0xF0];
	[tilespmem:s29+$0x1E0] =	vst v11;
	v14 =	vadd.f32 v14, v1  }
0x22e: {  	v11 =	vld [tilespmem:s29+$0x170];
	v13 =	vadd.f32 v15, v3;
	[tilespmem:s29+$0x160] =	vst v12  }
0x22f: {  	s30 =	simm.s32 $0x0;
	s1 =	simm.s32 $0x800;
	v12 =	vld [tilespmem:s29+$0xFFFFFE00];
	[tilespmem:s29+$0xFFFFFE70] =	vst v14;
	v14 =	vadd.f32 v63, v4  }
.LBB2_9:
0x230: {  	v15 =	vld [tilespmem:s1+$0x1F0];
	s30 =	sadd.s32 $0x8, s30;
	[tilespmem:s29+$0xFFFFFEF0] =	vst v13;
	v8 =	vadd.f32 v8, v5  }
0x231: {  	v13 =	vld [tilespmem:s1+$0xFFFFFE80];
	p0 =	slt.u32 s30, $0xF8;
	[tilespmem:s29+$0xFFFFFF70] =	vst v14;
	v9 =	vadd.f32 v9, v6  }
0x232: {  	v14 =	vld [tilespmem:s1+$0xFFFFFF00];
	[tilespmem:s29+$0xFFFFFFF0] =	vst v8;
	v8 =	vadd.f32 v10, v7  }
0x233: {  	v10 =	vld [tilespmem:s1+$0xFFFFFF80];
	[tilespmem:s29+$0x70] =	vst v9;
	v9 =	vadd.f32 v11, v0  }
0x234: {  	v11 =	vld [tilespmem:s1+$0x0];
	v12 =	vadd.f32 v12, v1;
	[tilespmem:s29+$0xF0] =	vst v8  }
0x235: {  	v8 =	vld [tilespmem:s1+$0x80];
	v15 =	vadd.f32 v15, v2;
	[tilespmem:s29+$0x170] =	vst v9  }
0x236: {  	v9 =	vadd.f32 v13, v3;
	v13 =	vld [tilespmem:s1+$0x100];
	[tilespmem:s29+$0xFFFFFE00] =	vst v12;
	s29 =	smov.u32 s1  }
0x237: {  	v12 =	vadd.f32 v14, v4;
	v14 =	vld [tilespmem:s1+$0x180];
	[tilespmem:s1+$0x1F0] =	vst v15  }
0x238: {  	[tilespmem:s1+$0xFFFFFE80] =	vst v9;
	v9 =	vadd.f32 v10, v5;
	v10 =	vld [tilespmem:s1+$0xFFFFFE10]  }
0x239: {  	[tilespmem:s1+$0xFFFFFF00] =	vst v12;
	v11 =	vadd.f32 v11, v6;
	v12 =	vld [tilespmem:s1+$0xFFFFFE90]  }
0x23a: {  	[tilespmem:s1+$0xFFFFFF80] =	vst v9;
	v8 =	vadd.f32 v8, v7;
	v9 =	vld [tilespmem:s1+$0xFFFFFF10]  }
0x23b: {  	[tilespmem:s1+$0x0] =	vst v11;
	v11 =	vadd.f32 v13, v0;
	v13 =	vld [tilespmem:s1+$0xFFFFFF90]  }
0x23c: {  	[tilespmem:s1+$0x80] =	vst v8;
	v8 =	vadd.f32 v14, v2;
	v14 =	vld [tilespmem:s1+$0x10]  }
0x23d: {  	[tilespmem:s1+$0x100] =	vst v11;
	v10 =	vadd.f32 v10, v1;
	v11 =	vld [tilespmem:s1+$0x90]  }
0x23e: {  	[tilespmem:s1+$0x180] =	vst v8;
	v8 =	vadd.f32 v12, v3;
	v12 =	vld [tilespmem:s1+$0x110]  }
0x23f: {  	[tilespmem:s1+$0xFFFFFE10] =	vst v10;
	v9 =	vadd.f32 v9, v4;
	v10 =	vld [tilespmem:s1+$0x190]  }
0x240: {  	[tilespmem:s1+$0xFFFFFE90] =	vst v8;
	v8 =	vadd.f32 v13, v5;
	v13 =	vld [tilespmem:s1+$0xFFFFFE20]  }
0x241: {  	[tilespmem:s1+$0xFFFFFF10] =	vst v9;
	v9 =	vadd.f32 v14, v6;
	v14 =	vld [tilespmem:s1+$0xFFFFFEA0]  }
0x242: {  	[tilespmem:s1+$0xFFFFFF90] =	vst v8;
	v8 =	vadd.f32 v11, v7;
	v11 =	vld [tilespmem:s1+$0xFFFFFF20]  }
0x243: {  	[tilespmem:s1+$0x10] =	vst v9;
	v9 =	vadd.f32 v12, v0;
	v12 =	vld [tilespmem:s1+$0xFFFFFFA0]  }
0x244: {  	[tilespmem:s1+$0x90] =	vst v8;
	v8 =	vadd.f32 v10, v2;
	v10 =	vld [tilespmem:s1+$0x20]  }
0x245: {  	[tilespmem:s1+$0x110] =	vst v9;
	v9 =	vadd.f32 v13, v1;
	v13 =	vld [tilespmem:s1+$0xA0]  }
0x246: {  	[tilespmem:s1+$0x190] =	vst v8;
	v8 =	vadd.f32 v14, v3;
	v14 =	vld [tilespmem:s1+$0x120]  }
0x247: {  	[tilespmem:s1+$0xFFFFFE20] =	vst v9;
	v9 =	vadd.f32 v11, v4;
	v11 =	vld [tilespmem:s1+$0x1A0]  }
0x248: {  	[tilespmem:s1+$0xFFFFFEA0] =	vst v8;
	v8 =	vadd.f32 v12, v5;
	v12 =	vld [tilespmem:s1+$0xFFFFFE30]  }
0x249: {  	[tilespmem:s1+$0xFFFFFF20] =	vst v9;
	v9 =	vadd.f32 v10, v6;
	v10 =	vld [tilespmem:s1+$0xFFFFFEB0]  }
0x24a: {  	[tilespmem:s1+$0xFFFFFFA0] =	vst v8;
	v8 =	vadd.f32 v13, v7;
	v13 =	vld [tilespmem:s1+$0xFFFFFF30]  }
0x24b: {  	[tilespmem:s1+$0x20] =	vst v9;
	v9 =	vadd.f32 v14, v0;
	v14 =	vld [tilespmem:s1+$0xFFFFFFB0]  }
0x24c: {  	[tilespmem:s1+$0xA0] =	vst v8;
	v8 =	vadd.f32 v11, v2;
	v11 =	vld [tilespmem:s1+$0x30]  }
0x24d: {  	[tilespmem:s1+$0x120] =	vst v9;
	v9 =	vadd.f32 v12, v1;
	v12 =	vld [tilespmem:s1+$0xB0]  }
0x24e: {  	[tilespmem:s1+$0x1A0] =	vst v8;
	v8 =	vadd.f32 v10, v3;
	v10 =	vld [tilespmem:s1+$0x130]  }
0x24f: {  	[tilespmem:s1+$0xFFFFFE30] =	vst v9;
	v9 =	vadd.f32 v13, v4;
	v13 =	vld [tilespmem:s1+$0x1B0]  }
0x250: {  	[tilespmem:s1+$0xFFFFFEB0] =	vst v8;
	v8 =	vadd.f32 v14, v5;
	v14 =	vld [tilespmem:s1+$0xFFFFFE40]  }
0x251: {  	[tilespmem:s1+$0xFFFFFF30] =	vst v9;
	v9 =	vadd.f32 v11, v6;
	v11 =	vld [tilespmem:s1+$0xFFFFFEC0]  }
0x252: {  	[tilespmem:s1+$0xFFFFFFB0] =	vst v8;
	v8 =	vadd.f32 v12, v7;
	v12 =	vld [tilespmem:s1+$0xFFFFFF40]  }
0x253: {  	[tilespmem:s1+$0x30] =	vst v9;
	v9 =	vadd.f32 v10, v0;
	v10 =	vld [tilespmem:s1+$0xFFFFFFC0]  }
0x254: {  	[tilespmem:s1+$0xB0] =	vst v8;
	v8 =	vadd.f32 v13, v2;
	v13 =	vld [tilespmem:s1+$0x40]  }
0x255: {  	[tilespmem:s1+$0x130] =	vst v9;
	v9 =	vadd.f32 v14, v1;
	v14 =	vld [tilespmem:s1+$0xC0]  }
0x256: {  	[tilespmem:s1+$0x1B0] =	vst v8;
	v8 =	vadd.f32 v11, v3;
	v11 =	vld [tilespmem:s1+$0x140]  }
0x257: {  	[tilespmem:s1+$0xFFFFFE40] =	vst v9;
	v9 =	vadd.f32 v12, v4;
	v12 =	vld [tilespmem:s1+$0x1C0]  }
0x258: {  	[tilespmem:s1+$0xFFFFFEC0] =	vst v8;
	v8 =	vadd.f32 v10, v5;
	v10 =	vld [tilespmem:s1+$0xFFFFFE50]  }
0x259: {  	[tilespmem:s1+$0xFFFFFF40] =	vst v9;
	v9 =	vadd.f32 v13, v6;
	v13 =	vld [tilespmem:s1+$0xFFFFFED0]  }
0x25a: {  	[tilespmem:s1+$0xFFFFFFC0] =	vst v8;
	v8 =	vadd.f32 v14, v7;
	v14 =	vld [tilespmem:s1+$0xFFFFFF50]  }
0x25b: {  	[tilespmem:s1+$0x40] =	vst v9;
	v9 =	vadd.f32 v11, v0;
	v11 =	vld [tilespmem:s1+$0xFFFFFFD0]  }
0x25c: {  	[tilespmem:s1+$0xC0] =	vst v8;
	v8 =	vadd.f32 v12, v2;
	v12 =	vld [tilespmem:s1+$0x50]  }
0x25d: {  	[tilespmem:s1+$0x140] =	vst v9;
	v9 =	vadd.f32 v10, v1;
	v10 =	vld [tilespmem:s1+$0xD0]  }
0x25e: {  	[tilespmem:s1+$0x1C0] =	vst v8;
	v8 =	vadd.f32 v13, v3;
	v13 =	vld [tilespmem:s1+$0x150]  }
0x25f: {  	[tilespmem:s1+$0xFFFFFE50] =	vst v9;
	v9 =	vadd.f32 v14, v4;
	v14 =	vld [tilespmem:s1+$0x1D0]  }
0x260: {  	[tilespmem:s1+$0xFFFFFED0] =	vst v8;
	v8 =	vadd.f32 v11, v5;
	v11 =	vld [tilespmem:s1+$0xFFFFFE60]  }
0x261: {  	[tilespmem:s1+$0xFFFFFF50] =	vst v9;
	v9 =	vadd.f32 v12, v6;
	v12 =	vld [tilespmem:s1+$0xFFFFFEE0]  }
0x262: {  	[tilespmem:s1+$0xFFFFFFD0] =	vst v8;
	v8 =	vadd.f32 v10, v7;
	v10 =	vld [tilespmem:s1+$0xFFFFFF60]  }
0x263: {  	[tilespmem:s1+$0x50] =	vst v9;
	v9 =	vadd.f32 v13, v0;
	v13 =	vld [tilespmem:s1+$0xFFFFFFE0]  }
0x264: {  	[tilespmem:s1+$0xD0] =	vst v8;
	v8 =	vadd.f32 v14, v2;
	v14 =	vld [tilespmem:s1+$0x60]  }
0x265: {  	[tilespmem:s1+$0x150] =	vst v9;
	v9 =	vadd.f32 v11, v1;
	v11 =	vld [tilespmem:s1+$0xE0]  }
0x266: {  	[tilespmem:s1+$0x1D0] =	vst v8;
	v8 =	vadd.f32 v12, v3;
	v12 =	vld [tilespmem:s1+$0x160]  }
0x267: {  	[tilespmem:s1+$0xFFFFFE60] =	vst v9;
	v9 =	vadd.f32 v10, v4;
	v10 =	vld [tilespmem:s1+$0x1E0]  }
0x268: {  	[tilespmem:s1+$0xFFFFFEE0] =	vst v8;
	v8 =	vadd.f32 v13, v5;
	v13 =	vld [tilespmem:s1+$0xFFFFFE70]  }
0x269: {  	[tilespmem:s1+$0xFFFFFF60] =	vst v9;
	v9 =	vadd.f32 v14, v6;
	v14 =	vld [tilespmem:s1+$0xFFFFFEF0]  }
0x26a: {  	[tilespmem:s1+$0xFFFFFFE0] =	vst v8;
	v11 =	vadd.f32 v11, v7;
	v15 =	vld [tilespmem:s1+$0xFFFFFF70]  }
.Ltmp3:
0x26b: {  	[tilespmem:s1+$0x60] =	vst v9;
	v12 =	vadd.f32 v12, v0;
	v8 =	vld [tilespmem:s1+$0xFFFFFFF0];
	(pc) =	sbr.rel @p0 .LBB2_9-.Ltmp3, $4  }
0x26c: {  	[tilespmem:s1+$0xE0] =	vst v11;
	v11 =	vadd.f32 v10, v2;
	v9 =	vld [tilespmem:s1+$0x70]  }
0x26d: {  	[tilespmem:s1+$0x160] =	vst v12;
	v16 =	vadd.f32 v13, v1;
	v10 =	vld [tilespmem:s1+$0xF0]  }
0x26e: {  	[tilespmem:s1+$0x1E0] =	vst v11;
	v13 =	vadd.f32 v14, v3;
	v11 =	vld [tilespmem:s1+$0x170]  }
0x26f: {  	s1 =	sadd.s32 $0x400, s1;
	v12 =	vld [tilespmem:s29+$0xFFFFFE00];
	[tilespmem:s29+$0xFFFFFE70] =	vst v16;
	v14 =	vadd.f32 v15, v4  }
0x270: {  	[tilespmem:s29+$0xFFFFFEF0] =	vst v13;
	v2 =	vadd.f32 v8, v5  }
0x271: {  	[tilespmem:s29+$0xFFFFFF70] =	vst v14;
	v3 =	vadd.f32 v9, v6  }
0x272: {  	[tilespmem:s29+$0xFFFFFFF0] =	vst v2;
	v2 =	vadd.f32 v10, v7  }
0x273: {  	[tilespmem:s29+$0x70] =	vst v3;
	v0 =	vadd.f32 v11, v0  }
0x274: {  	v1 =	vadd.f32 v12, v1;
	[tilespmem:s29+$0xF0] =	vst v2  }
0x275: {  	[tilespmem:s29+$0x170] =	vst v0  }
0x276: {  	[tilespmem:s29+$0xFFFFFE00] =	vst v1  }
0x277: {  	s1 =	sadd.s32 s28, s10;
	_ =	swait.ge [sflag:s24], $0x8000  }
0x278: {  	s1 =	sshll.u32 s1, $0x9;
	[sflag:s24] =	ssyncset.done $0x0  }
0x279: {  	s29 =	sadd.s32 s2, s1;
	[sflag:s24] =	ssyncadd.s32 $0xFFFF8000  }
0x27a: {  	[hbm4b:s29+s3] =	stream.linear.scatter [tilespmem:s16], [sflag:$0x4], $0x8000, $0x38;
	[tilespmem:$0x18200] =	vst v63  }
0x27b: {  	s1 =	sadd.s32 s1, s8  }
0x27c: {  	[tilespmem:s19], [sflag:$0x3] =	stream.linear.gather [hbm4b:s1+s3], $0x8000, $0x38;
	[tilespmem:$0x18200] =	vst v63  }
0x27d: {  	_ =	swait.ge [sflag:s20], $0x8000  }
0x27e: {  	[sflag:s20] =	ssyncset.done $0x0  }
0x27f: {  	[sflag:s20] =	ssyncadd.s32 $0xFFFF8000  }
0x280: {  	s29 =	simm.s32 $0x8400;
	v0 =	vld [tilespmem:s28+$0x20]  }
0x281: {  	v4 =	vld [tilespmem:s29+$0x1F0]  }
0x282: {  	v5 =	vld [tilespmem:s29+$0xFFFFFE80]  }
0x283: {  	v7 =	vld [tilespmem:s29+$0xFFFFFF00]  }
0x284: {  	v6 =	vld [tilespmem:s29+$0xFFFFFE10]  }
0x285: {  	v8 =	vld [tilespmem:s29+$0xFFFFFF80];
	v2 =	vbroadcast v0, $0x7  }
0x286: {  	v9 =	vld [tilespmem:s29+$0x0];
	v3 =	vbroadcast v0, $0x1  }
0x287: {  	v16 =	vld [tilespmem:s29+$0xFFFFFF90];
	v1 =	vbroadcast v0, $0x0;
	v15 =	vadd.f32 v4, v2  }
0x288: {  	v10 =	vld [tilespmem:s29+$0x80];
	v4 =	vbroadcast v0, $0x2;
	v17 =	vadd.f32 v5, v3  }
0x289: {  	v11 =	vld [tilespmem:s29+$0x100];
	v5 =	vbroadcast v0, $0x3;
	[tilespmem:s29+$0x1F0] =	vst v15;
	v15 =	vadd.f32 v6, v1  }
0x28a: {  	v19 =	vld [tilespmem:s29+$0x90];
	v20 =	vadd.f32 v7, v4;
	[tilespmem:s29+$0xFFFFFE80] =	vst v17  }
0x28b: {  	v12 =	vld [tilespmem:s29+$0x180];
	v6 =	vbroadcast v0, $0x4;
	v21 =	vadd.f32 v8, v5;
	[tilespmem:s29+$0xFFFFFE10] =	vst v15  }
0x28c: {  	v13 =	vld [tilespmem:s29+$0xFFFFFE90];
	v7 =	vbroadcast v0, $0x5;
	v16 =	vadd.f32 v16, v5;
	[tilespmem:s29+$0xFFFFFF00] =	vst v20  }
0x28d: {  	v14 =	vld [tilespmem:s29+$0xFFFFFF10];
	v9 =	vadd.f32 v9, v6;
	[tilespmem:s29+$0xFFFFFF80] =	vst v21  }
0x28e: {  	v18 =	vld [tilespmem:s29+$0x10];
	v8 =	vbroadcast v0, $0x6;
	v10 =	vadd.f32 v10, v7;
	[tilespmem:s29+$0xFFFFFF90] =	vst v16  }
0x28f: {  	v15 =	vld [tilespmem:s29+$0x190];
	v16 =	vadd.f32 v19, v7;
	[tilespmem:s29+$0x0] =	vst v9  }
0x290: {  	v59 =	vld [tilespmem:s29+$0xFFFFFE20];
	v9 =	vadd.f32 v11, v8;
	[tilespmem:s29+$0x80] =	vst v10  }
0x291: {  	v10 =	vadd.f32 v12, v2;
	v12 =	vld [tilespmem:s29+$0xFFFFFF20];
	[tilespmem:s29+$0x90] =	vst v16  }
0x292: {  	v60 =	vld [tilespmem:s29+$0xA0];
	[tilespmem:s29+$0x100] =	vst v9;
	v9 =	vadd.f32 v13, v3  }
0x293: {  	[tilespmem:s29+$0x180] =	vst v10;
	v10 =	vadd.f32 v14, v4;
	v14 =	vld [tilespmem:s29+$0x20]  }
0x294: {  	v17 =	vld [tilespmem:s29+$0x110];
	v15 =	vadd.f32 v15, v2;
	[tilespmem:s29+$0xFFFFFE90] =	vst v9  }
0x295: {  	v9 =	vadd.f32 v59, v1;
	[tilespmem:s29+$0xFFFFFF10] =	vst v10;
	v10 =	vld [tilespmem:s29+$0x120]  }
0x296: {  	v11 =	vld [tilespmem:s29+$0xFFFFFEA0];
	[tilespmem:s29+$0x190] =	vst v15;
	v12 =	vadd.f32 v12, v4  }
0x297: {  	v16 =	vld [tilespmem:s29+$0xFFFFFEB0];
	[tilespmem:s29+$0xFFFFFE20] =	vst v9;
	v9 =	vadd.f32 v18, v6  }
0x298: {  	v13 =	vld [tilespmem:s29+$0xFFFFFFA0];
	[tilespmem:s29+$0xFFFFFF20] =	vst v12;
	v14 =	vadd.f32 v14, v6  }
0x299: {  	[tilespmem:s29+$0x10] =	vst v9;
	v9 =	vadd.f32 v17, v8;
	v17 =	vld [tilespmem:s29+$0xFFFFFE30]  }
0x29a: {  	v15 =	vld [tilespmem:s29+$0xFFFFFFB0];
	[tilespmem:s29+$0x20] =	vst v14;
	v10 =	vadd.f32 v10, v8  }
0x29b: {  	v61 =	vld [tilespmem:s29+$0x1A0];
	[tilespmem:s29+$0x110] =	vst v9;
	v9 =	vadd.f32 v11, v3  }
0x29c: {  	v11 =	vld [tilespmem:s29+$0xFFFFFF30];
	[tilespmem:s29+$0x120] =	vst v10;
	v10 =	vadd.f32 v16, v3  }
0x29d: {  	v62 =	vld [tilespmem:s29+$0xFFFFFE40];
	[tilespmem:s29+$0xFFFFFEA0] =	vst v9;
	v9 =	vadd.f32 v13, v5  }
0x29e: {  	v63 =	vld [tilespmem:s29+$0xC0];
	v12 =	vadd.f32 v17, v1;
	[tilespmem:s29+$0xFFFFFEB0] =	vst v10  }
0x29f: {  	v13 =	vld [tilespmem:s29+$0x30];
	v10 =	vadd.f32 v15, v5;
	[tilespmem:s29+$0xFFFFFFA0] =	vst v9  }
0x2a0: {  	v9 =	vld [tilespmem:s29+$0x130];
	[tilespmem:s29+$0xFFFFFE30] =	vst v12;
	v12 =	vadd.f32 v60, v7  }
0x2a1: {  	v14 =	vld [tilespmem:s29+$0x1B0];
	v11 =	vadd.f32 v11, v4;
	[tilespmem:s29+$0xFFFFFFB0] =	vst v10  }
0x2a2: {  	v16 =	vld [tilespmem:s29+$0xFFFFFEC0];
	v10 =	vadd.f32 v62, v1;
	[tilespmem:s29+$0xA0] =	vst v12  }
0x2a3: {  	v17 =	vld [tilespmem:s29+$0xB0];
	v12 =	vadd.f32 v61, v2;
	[tilespmem:s29+$0xFFFFFF30] =	vst v11  }
0x2a4: {  	v15 =	vld [tilespmem:s29+$0xFFFFFFC0];
	v11 =	vadd.f32 v13, v6;
	[tilespmem:s29+$0xFFFFFE40] =	vst v10  }
0x2a5: {  	[tilespmem:s29+$0x1A0] =	vst v12;
	v12 =	vld [tilespmem:s29+$0xFFFFFF40];
	v9 =	vadd.f32 v9, v8  }
0x2a6: {  	v13 =	vld [tilespmem:s29+$0x40];
	v10 =	vadd.f32 v14, v2;
	[tilespmem:s29+$0x30] =	vst v11  }
0x2a7: {  	v14 =	vld [tilespmem:s29+$0x1C0];
	[tilespmem:s29+$0x130] =	vst v9;
	v9 =	vadd.f32 v16, v3  }
0x2a8: {  	v17 =	vadd.f32 v17, v7;
	v11 =	vld [tilespmem:s29+$0x140];
	[tilespmem:s29+$0x1B0] =	vst v10  }
0x2a9: {  	v16 =	vld [tilespmem:s29+$0xFFFFFE50];
	[tilespmem:s29+$0xFFFFFEC0] =	vst v9;
	v9 =	vadd.f32 v15, v5  }
0x2aa: {  	[tilespmem:s29+$0xB0] =	vst v17;
	v10 =	vadd.f32 v12, v4;
	v12 =	vld [tilespmem:s29+$0xFFFFFED0]  }
0x2ab: {  	v17 =	vld [tilespmem:s29+$0x50];
	[tilespmem:s29+$0xFFFFFFC0] =	vst v9;
	v9 =	vadd.f32 v63, v7  }
0x2ac: {  	[tilespmem:s29+$0xFFFFFF40] =	vst v10;
	v10 =	vadd.f32 v13, v6;
	v13 =	vld [tilespmem:s29+$0xFFFFFFD0]  }
0x2ad: {  	v15 =	vld [tilespmem:s29+$0xFFFFFF50];
	v11 =	vadd.f32 v11, v8;
	[tilespmem:s29+$0xC0] =	vst v9  }
0x2ae: {  	v9 =	vld [tilespmem:s29+$0x150];
	[tilespmem:s29+$0x40] =	vst v10;
	v10 =	vadd.f32 v16, v1  }
0x2af: {  	[tilespmem:s29+$0x140] =	vst v11;
	v16 =	vld [tilespmem:s29+$0xD0];
	v11 =	vadd.f32 v12, v3  }
0x2b0: {  	v12 =	vld [tilespmem:s29+$0x1D0];
	[tilespmem:s29+$0xFFFFFE50] =	vst v10;
	v10 =	vadd.f32 v14, v2  }
0x2b1: {  	v14 =	vld [tilespmem:s29+$0xFFFFFE60];
	[tilespmem:s29+$0xFFFFFED0] =	vst v11;
	v11 =	vadd.f32 v13, v5  }
0x2b2: {  	[tilespmem:s29+$0x1C0] =	vst v10;
	v10 =	vadd.f32 v15, v4  }
0x2b3: {  	v13 =	vld [tilespmem:s29+$0xFFFFFEE0];
	v9 =	vadd.f32 v9, v8;
	[tilespmem:s29+$0xFFFFFFD0] =	vst v11  }
0x2b4: {  	v15 =	vld [tilespmem:s29+$0xFFFFFF60];
	v11 =	vadd.f32 v16, v7;
	[tilespmem:s29+$0xFFFFFF50] =	vst v10  }
0x2b5: {  	v16 =	vld [tilespmem:s29+$0xFFFFFFE0];
	v10 =	vadd.f32 v17, v6;
	[tilespmem:s29+$0x150] =	vst v9  }
0x2b6: {  	v12 =	vadd.f32 v12, v2;
	[tilespmem:s29+$0xD0] =	vst v11;
	v11 =	vadd.f32 v14, v1;
	v14 =	vld [tilespmem:s29+$0xE0]  }
0x2b7: {  	[tilespmem:s29+$0x50] =	vst v10;
	v10 =	vld [tilespmem:s29+$0x60]  }
0x2b8: {  	v9 =	vld [tilespmem:s29+$0x160];
	v13 =	vadd.f32 v13, v3;
	[tilespmem:s29+$0x1D0] =	vst v12  }
0x2b9: {  	v12 =	vld [tilespmem:s29+$0x1E0];
	[tilespmem:s29+$0xFFFFFE60] =	vst v11;
	v11 =	vadd.f32 v15, v4  }
0x2ba: {  	v15 =	vld [tilespmem:s29+$0xFFFFFE70];
	[tilespmem:s29+$0xFFFFFEE0] =	vst v13;
	v13 =	vadd.f32 v16, v5  }
0x2bb: {  	v16 =	vld [tilespmem:s29+$0xFFFFFEF0];
	[tilespmem:s29+$0xFFFFFF60] =	vst v11;
	v11 =	vadd.f32 v14, v7  }
0x2bc: {  	v17 =	vld [tilespmem:s29+$0xFFFFFF70];
	[tilespmem:s29+$0xFFFFFFE0] =	vst v13;
	v10 =	vadd.f32 v10, v6  }
0x2bd: {  	v13 =	vadd.f32 v9, v8;
	v9 =	vld [tilespmem:s29+$0xFFFFFFF0];
	[tilespmem:s29+$0xE0] =	vst v11  }
0x2be: {  	v12 =	vadd.f32 v12, v2;
	[tilespmem:s29+$0x60] =	vst v10;
	v10 =	vld [tilespmem:s29+$0x70]  }
0x2bf: {  	[tilespmem:s29+$0x160] =	vst v13;
	v15 =	vadd.f32 v15, v1;
	v11 =	vld [tilespmem:s29+$0xF0]  }
0x2c0: {  	[tilespmem:s29+$0x1E0] =	vst v12;
	v12 =	vld [tilespmem:s29+$0x170];
	v14 =	vadd.f32 v16, v3  }
0x2c1: {  	s30 =	sadd.s32 $0x20, s28;
	s31 =	simm.s32 $0x0;
	s1 =	simm.s32 $0x8800;
	v13 =	vld [tilespmem:s29+$0xFFFFFE00];
	[tilespmem:s29+$0xFFFFFE70] =	vst v15;
	v15 =	vadd.f32 v17, v4  }
.LBB2_11:
0x2c2: {  	v16 =	vld [tilespmem:s1+$0x1F0];
	s31 =	sadd.s32 $0x8, s31;
	[tilespmem:s29+$0xFFFFFEF0] =	vst v14;
	v9 =	vadd.f32 v9, v5  }
0x2c3: {  	v14 =	vld [tilespmem:s1+$0xFFFFFE80];
	p0 =	slt.u32 s31, $0xF8;
	[tilespmem:s29+$0xFFFFFF70] =	vst v15;
	v10 =	vadd.f32 v10, v6  }
0x2c4: {  	v15 =	vld [tilespmem:s1+$0xFFFFFF00];
	[tilespmem:s29+$0xFFFFFFF0] =	vst v9;
	v9 =	vadd.f32 v11, v7  }
0x2c5: {  	v11 =	vld [tilespmem:s1+$0xFFFFFF80];
	[tilespmem:s29+$0x70] =	vst v10;
	v10 =	vadd.f32 v12, v8  }
0x2c6: {  	v12 =	vld [tilespmem:s1+$0x0];
	v13 =	vadd.f32 v13, v1;
	[tilespmem:s29+$0xF0] =	vst v9  }
0x2c7: {  	v9 =	vld [tilespmem:s1+$0x80];
	v16 =	vadd.f32 v16, v2;
	[tilespmem:s29+$0x170] =	vst v10  }
0x2c8: {  	v10 =	vadd.f32 v14, v3;
	v14 =	vld [tilespmem:s1+$0x100];
	[tilespmem:s29+$0xFFFFFE00] =	vst v13;
	s29 =	smov.u32 s1  }
0x2c9: {  	v13 =	vadd.f32 v15, v4;
	v15 =	vld [tilespmem:s1+$0x180];
	[tilespmem:s1+$0x1F0] =	vst v16  }
0x2ca: {  	[tilespmem:s1+$0xFFFFFE80] =	vst v10;
	v10 =	vadd.f32 v11, v5;
	v11 =	vld [tilespmem:s1+$0xFFFFFE10]  }
0x2cb: {  	[tilespmem:s1+$0xFFFFFF00] =	vst v13;
	v12 =	vadd.f32 v12, v6;
	v13 =	vld [tilespmem:s1+$0xFFFFFE90]  }
0x2cc: {  	[tilespmem:s1+$0xFFFFFF80] =	vst v10;
	v9 =	vadd.f32 v9, v7;
	v10 =	vld [tilespmem:s1+$0xFFFFFF10]  }
0x2cd: {  	[tilespmem:s1+$0x0] =	vst v12;
	v12 =	vadd.f32 v14, v8;
	v14 =	vld [tilespmem:s1+$0xFFFFFF90]  }
0x2ce: {  	[tilespmem:s1+$0x80] =	vst v9;
	v9 =	vadd.f32 v15, v2;
	v15 =	vld [tilespmem:s1+$0x10]  }
0x2cf: {  	[tilespmem:s1+$0x100] =	vst v12;
	v11 =	vadd.f32 v11, v1;
	v12 =	vld [tilespmem:s1+$0x90]  }
0x2d0: {  	[tilespmem:s1+$0x180] =	vst v9;
	v9 =	vadd.f32 v13, v3;
	v13 =	vld [tilespmem:s1+$0x110]  }
0x2d1: {  	[tilespmem:s1+$0xFFFFFE10] =	vst v11;
	v10 =	vadd.f32 v10, v4;
	v11 =	vld [tilespmem:s1+$0x190]  }
0x2d2: {  	[tilespmem:s1+$0xFFFFFE90] =	vst v9;
	v9 =	vadd.f32 v14, v5;
	v14 =	vld [tilespmem:s1+$0xFFFFFE20]  }
0x2d3: {  	[tilespmem:s1+$0xFFFFFF10] =	vst v10;
	v10 =	vadd.f32 v15, v6;
	v15 =	vld [tilespmem:s1+$0xFFFFFEA0]  }
0x2d4: {  	[tilespmem:s1+$0xFFFFFF90] =	vst v9;
	v9 =	vadd.f32 v12, v7;
	v12 =	vld [tilespmem:s1+$0xFFFFFF20]  }
0x2d5: {  	[tilespmem:s1+$0x10] =	vst v10;
	v10 =	vadd.f32 v13, v8;
	v13 =	vld [tilespmem:s1+$0xFFFFFFA0]  }
0x2d6: {  	[tilespmem:s1+$0x90] =	vst v9;
	v9 =	vadd.f32 v11, v2;
	v11 =	vld [tilespmem:s1+$0x20]  }
0x2d7: {  	[tilespmem:s1+$0x110] =	vst v10;
	v10 =	vadd.f32 v14, v1;
	v14 =	vld [tilespmem:s1+$0xA0]  }
0x2d8: {  	[tilespmem:s1+$0x190] =	vst v9;
	v9 =	vadd.f32 v15, v3;
	v15 =	vld [tilespmem:s1+$0x120]  }
0x2d9: {  	[tilespmem:s1+$0xFFFFFE20] =	vst v10;
	v10 =	vadd.f32 v12, v4;
	v12 =	vld [tilespmem:s1+$0x1A0]  }
0x2da: {  	[tilespmem:s1+$0xFFFFFEA0] =	vst v9;
	v9 =	vadd.f32 v13, v5;
	v13 =	vld [tilespmem:s1+$0xFFFFFE30]  }
0x2db: {  	[tilespmem:s1+$0xFFFFFF20] =	vst v10;
	v10 =	vadd.f32 v11, v6;
	v11 =	vld [tilespmem:s1+$0xFFFFFEB0]  }
0x2dc: {  	[tilespmem:s1+$0xFFFFFFA0] =	vst v9;
	v9 =	vadd.f32 v14, v7;
	v14 =	vld [tilespmem:s1+$0xFFFFFF30]  }
0x2dd: {  	[tilespmem:s1+$0x20] =	vst v10;
	v10 =	vadd.f32 v15, v8;
	v15 =	vld [tilespmem:s1+$0xFFFFFFB0]  }
0x2de: {  	[tilespmem:s1+$0xA0] =	vst v9;
	v9 =	vadd.f32 v12, v2;
	v12 =	vld [tilespmem:s1+$0x30]  }
0x2df: {  	[tilespmem:s1+$0x120] =	vst v10;
	v10 =	vadd.f32 v13, v1;
	v13 =	vld [tilespmem:s1+$0xB0]  }
0x2e0: {  	[tilespmem:s1+$0x1A0] =	vst v9;
	v9 =	vadd.f32 v11, v3;
	v11 =	vld [tilespmem:s1+$0x130]  }
0x2e1: {  	[tilespmem:s1+$0xFFFFFE30] =	vst v10;
	v10 =	vadd.f32 v14, v4;
	v14 =	vld [tilespmem:s1+$0x1B0]  }
0x2e2: {  	[tilespmem:s1+$0xFFFFFEB0] =	vst v9;
	v9 =	vadd.f32 v15, v5;
	v15 =	vld [tilespmem:s1+$0xFFFFFE40]  }
0x2e3: {  	[tilespmem:s1+$0xFFFFFF30] =	vst v10;
	v10 =	vadd.f32 v12, v6;
	v12 =	vld [tilespmem:s1+$0xFFFFFEC0]  }
0x2e4: {  	[tilespmem:s1+$0xFFFFFFB0] =	vst v9;
	v9 =	vadd.f32 v13, v7;
	v13 =	vld [tilespmem:s1+$0xFFFFFF40]  }
0x2e5: {  	[tilespmem:s1+$0x30] =	vst v10;
	v10 =	vadd.f32 v11, v8;
	v11 =	vld [tilespmem:s1+$0xFFFFFFC0]  }
0x2e6: {  	[tilespmem:s1+$0xB0] =	vst v9;
	v9 =	vadd.f32 v14, v2;
	v14 =	vld [tilespmem:s1+$0x40]  }
0x2e7: {  	[tilespmem:s1+$0x130] =	vst v10;
	v10 =	vadd.f32 v15, v1;
	v15 =	vld [tilespmem:s1+$0xC0]  }
0x2e8: {  	[tilespmem:s1+$0x1B0] =	vst v9;
	v9 =	vadd.f32 v12, v3;
	v12 =	vld [tilespmem:s1+$0x140]  }
0x2e9: {  	[tilespmem:s1+$0xFFFFFE40] =	vst v10;
	v10 =	vadd.f32 v13, v4;
	v13 =	vld [tilespmem:s1+$0x1C0]  }
0x2ea: {  	[tilespmem:s1+$0xFFFFFEC0] =	vst v9;
	v9 =	vadd.f32 v11, v5;
	v11 =	vld [tilespmem:s1+$0xFFFFFE50]  }
0x2eb: {  	[tilespmem:s1+$0xFFFFFF40] =	vst v10;
	v10 =	vadd.f32 v14, v6;
	v14 =	vld [tilespmem:s1+$0xFFFFFED0]  }
0x2ec: {  	[tilespmem:s1+$0xFFFFFFC0] =	vst v9;
	v9 =	vadd.f32 v15, v7;
	v15 =	vld [tilespmem:s1+$0xFFFFFF50]  }
0x2ed: {  	[tilespmem:s1+$0x40] =	vst v10;
	v10 =	vadd.f32 v12, v8;
	v12 =	vld [tilespmem:s1+$0xFFFFFFD0]  }
0x2ee: {  	[tilespmem:s1+$0xC0] =	vst v9;
	v9 =	vadd.f32 v13, v2;
	v13 =	vld [tilespmem:s1+$0x50]  }
0x2ef: {  	[tilespmem:s1+$0x140] =	vst v10;
	v10 =	vadd.f32 v11, v1;
	v11 =	vld [tilespmem:s1+$0xD0]  }
0x2f0: {  	[tilespmem:s1+$0x1C0] =	vst v9;
	v9 =	vadd.f32 v14, v3;
	v14 =	vld [tilespmem:s1+$0x150]  }
0x2f1: {  	[tilespmem:s1+$0xFFFFFE50] =	vst v10;
	v10 =	vadd.f32 v15, v4;
	v15 =	vld [tilespmem:s1+$0x1D0]  }
0x2f2: {  	[tilespmem:s1+$0xFFFFFED0] =	vst v9;
	v9 =	vadd.f32 v12, v5;
	v12 =	vld [tilespmem:s1+$0xFFFFFE60]  }
0x2f3: {  	[tilespmem:s1+$0xFFFFFF50] =	vst v10;
	v10 =	vadd.f32 v13, v6;
	v13 =	vld [tilespmem:s1+$0xFFFFFEE0]  }
0x2f4: {  	[tilespmem:s1+$0xFFFFFFD0] =	vst v9;
	v9 =	vadd.f32 v11, v7;
	v11 =	vld [tilespmem:s1+$0xFFFFFF60]  }
0x2f5: {  	[tilespmem:s1+$0x50] =	vst v10;
	v10 =	vadd.f32 v14, v8;
	v14 =	vld [tilespmem:s1+$0xFFFFFFE0]  }
0x2f6: {  	[tilespmem:s1+$0xD0] =	vst v9;
	v9 =	vadd.f32 v15, v2;
	v15 =	vld [tilespmem:s1+$0x60]  }
0x2f7: {  	[tilespmem:s1+$0x150] =	vst v10;
	v10 =	vadd.f32 v12, v1;
	v12 =	vld [tilespmem:s1+$0xE0]  }
0x2f8: {  	[tilespmem:s1+$0x1D0] =	vst v9;
	v9 =	vadd.f32 v13, v3;
	v13 =	vld [tilespmem:s1+$0x160]  }
0x2f9: {  	[tilespmem:s1+$0xFFFFFE60] =	vst v10;
	v10 =	vadd.f32 v11, v4;
	v11 =	vld [tilespmem:s1+$0x1E0]  }
0x2fa: {  	[tilespmem:s1+$0xFFFFFEE0] =	vst v9;
	v9 =	vadd.f32 v14, v5;
	v14 =	vld [tilespmem:s1+$0xFFFFFE70]  }
0x2fb: {  	[tilespmem:s1+$0xFFFFFF60] =	vst v10;
	v10 =	vadd.f32 v15, v6;
	v15 =	vld [tilespmem:s1+$0xFFFFFEF0]  }
0x2fc: {  	[tilespmem:s1+$0xFFFFFFE0] =	vst v9;
	v12 =	vadd.f32 v12, v7;
	v16 =	vld [tilespmem:s1+$0xFFFFFF70]  }
.Ltmp4:
0x2fd: {  	[tilespmem:s1+$0x60] =	vst v10;
	v13 =	vadd.f32 v13, v8;
	v9 =	vld [tilespmem:s1+$0xFFFFFFF0];
	(pc) =	sbr.rel @p0 .LBB2_11-.Ltmp4, $4  }
0x2fe: {  	[tilespmem:s1+$0xE0] =	vst v12;
	v12 =	vadd.f32 v11, v2;
	v10 =	vld [tilespmem:s1+$0x70]  }
0x2ff: {  	[tilespmem:s1+$0x160] =	vst v13;
	v17 =	vadd.f32 v14, v1;
	v11 =	vld [tilespmem:s1+$0xF0]  }
0x300: {  	[tilespmem:s1+$0x1E0] =	vst v12;
	v14 =	vadd.f32 v15, v3;
	v12 =	vld [tilespmem:s1+$0x170]  }
0x301: {  	s1 =	sadd.s32 $0x400, s1;
	v13 =	vld [tilespmem:s29+$0xFFFFFE00];
	[tilespmem:s29+$0xFFFFFE70] =	vst v17;
	v15 =	vadd.f32 v16, v4  }
0x302: {  	[tilespmem:s29+$0xFFFFFEF0] =	vst v14;
	v2 =	vadd.f32 v9, v5  }
0x303: {  	[tilespmem:s29+$0xFFFFFF70] =	vst v15;
	v3 =	vadd.f32 v10, v6  }
0x304: {  	[tilespmem:s29+$0xFFFFFFF0] =	vst v2;
	v2 =	vadd.f32 v11, v7  }
0x305: {  	[tilespmem:s29+$0x70] =	vst v3;
	v3 =	vadd.f32 v12, v8  }
0x306: {  	v1 =	vadd.f32 v13, v1;
	[tilespmem:s29+$0xF0] =	vst v2  }
0x307: {  	[tilespmem:s29+$0x170] =	vst v3  }
0x308: {  	[tilespmem:s29+$0xFFFFFE00] =	vst v1  }
0x309: {  	s1 =	sadd.s32 s4, s30;
	_ =	swait.ge [sflag:s21], $0x8000  }
0x30a: {  	s1 =	sshll.u32 s1, $0x9;
	[sflag:s21] =	ssyncset.done $0x0  }
0x30b: {  	s29 =	sadd.s32 s2, s1;
	[sflag:s21] =	ssyncadd.s32 $0xFFFF8000  }
0x30c: {  	[hbm4b:s29+s3] =	stream.linear.scatter [tilespmem:s17], [sflag:$0x5], $0x8000, $0x38;
	[tilespmem:$0x18200] =	vst v63  }
0x30d: {  	s1 =	sadd.s32 s1, s8  }
0x30e: {  	[tilespmem:s16], [sflag:$0x1] =	stream.linear.gather [hbm4b:s1+s3], $0x8000, $0x38;
	[tilespmem:$0x18200] =	vst v63  }
0x30f: {  	_ =	swait.ge [sflag:s22], $0x8000  }
0x310: {  	[sflag:s22] =	ssyncset.done $0x0  }
0x311: {  	s29 =	simm.s32 $0x10400;
	[sflag:s22] =	ssyncadd.s32 $0xFFFF8000  }
0x312: {  	v4 =	vld [tilespmem:s29+$0x1F0]  }
0x313: {  	v5 =	vld [tilespmem:s29+$0xFFFFFE80]  }
0x314: {  	v7 =	vld [tilespmem:s29+$0xFFFFFF00]  }
0x315: {  	v6 =	vld [tilespmem:s29+$0xFFFFFE10]  }
0x316: {  	v2 =	vbroadcast v0, $0xF;
	v8 =	vld [tilespmem:s29+$0xFFFFFF80]  }
0x317: {  	v3 =	vbroadcast v0, $0x9;
	v9 =	vld [tilespmem:s29+$0x0]  }
0x318: {  	v1 =	vbroadcast v0, $0x8;
	v16 =	vld [tilespmem:s29+$0xFFFFFF90];
	v15 =	vadd.f32 v4, v2  }
0x319: {  	v10 =	vld [tilespmem:s29+$0x80];
	v4 =	vbroadcast v0, $0xA;
	v17 =	vadd.f32 v5, v3  }
0x31a: {  	v11 =	vld [tilespmem:s29+$0x100];
	v5 =	vbroadcast v0, $0xB;
	[tilespmem:s29+$0x1F0] =	vst v15;
	v15 =	vadd.f32 v6, v1  }
0x31b: {  	v19 =	vld [tilespmem:s29+$0x90];
	v20 =	vadd.f32 v7, v4;
	[tilespmem:s29+$0xFFFFFE80] =	vst v17  }
0x31c: {  	v59 =	vld [tilespmem:s29+$0xB0];
	v6 =	vbroadcast v0, $0xC;
	v8 =	vadd.f32 v8, v5;
	[tilespmem:s29+$0xFFFFFE10] =	vst v15  }
0x31d: {  	v12 =	vld [tilespmem:s29+$0x180];
	v7 =	vbroadcast v0, $0xD;
	v16 =	vadd.f32 v16, v5;
	[tilespmem:s29+$0xFFFFFF00] =	vst v20  }
0x31e: {  	v13 =	vld [tilespmem:s29+$0xFFFFFE90];
	v9 =	vadd.f32 v9, v6;
	[tilespmem:s29+$0xFFFFFF80] =	vst v8  }
0x31f: {  	v14 =	vld [tilespmem:s29+$0xFFFFFF10];
	v8 =	vadd.f32 v10, v7;
	[tilespmem:s29+$0xFFFFFF90] =	vst v16  }
0x320: {  	v18 =	vld [tilespmem:s29+$0x10];
	v0 =	vbroadcast v0, $0xE;
	v55 =	vadd.f32 v19, v7;
	[tilespmem:s29+$0x0] =	vst v9  }
0x321: {  	v15 =	vld [tilespmem:s29+$0x190];
	v17 =	vadd.f32 v59, v7;
	[tilespmem:s29+$0x80] =	vst v8  }
0x322: {  	v10 =	vld [tilespmem:s29+$0xFFFFFE20];
	v9 =	vadd.f32 v11, v0;
	[tilespmem:s29+$0x90] =	vst v55  }
0x323: {  	v8 =	vadd.f32 v12, v2;
	v12 =	vld [tilespmem:s29+$0xFFFFFF20];
	[tilespmem:s29+$0xB0] =	vst v17  }
0x324: {  	v54 =	vld [tilespmem:s29+$0x110];
	[tilespmem:s29+$0x100] =	vst v9;
	v9 =	vadd.f32 v13, v3  }
0x325: {  	v57 =	vld [tilespmem:s29+$0xFFFFFE30];
	[tilespmem:s29+$0x180] =	vst v8;
	v8 =	vadd.f32 v14, v4  }
0x326: {  	v14 =	vld [tilespmem:s29+$0x20];
	v15 =	vadd.f32 v15, v2;
	[tilespmem:s29+$0xFFFFFE90] =	vst v9  }
0x327: {  	v56 =	vld [tilespmem:s29+$0x1A0];
	v9 =	vadd.f32 v10, v1;
	[tilespmem:s29+$0xFFFFFF10] =	vst v8  }
0x328: {  	v10 =	vld [tilespmem:s29+$0xA0];
	[tilespmem:s29+$0x190] =	vst v15;
	v12 =	vadd.f32 v12, v4  }
0x329: {  	v11 =	vld [tilespmem:s29+$0xFFFFFEA0];
	[tilespmem:s29+$0xFFFFFE20] =	vst v9;
	v9 =	vadd.f32 v18, v6  }
0x32a: {  	v8 =	vld [tilespmem:s29+$0x120];
	[tilespmem:s29+$0xFFFFFF20] =	vst v12;
	v12 =	vadd.f32 v57, v1  }
0x32b: {  	v13 =	vld [tilespmem:s29+$0xFFFFFFA0];
	v14 =	vadd.f32 v14, v6;
	[tilespmem:s29+$0x10] =	vst v9  }
0x32c: {  	v58 =	vld [tilespmem:s29+$0xFFFFFEB0];
	v9 =	vadd.f32 v54, v0;
	[tilespmem:s29+$0xFFFFFE30] =	vst v12  }
0x32d: {  	v60 =	vld [tilespmem:s29+$0xFFFFFEC0];
	v10 =	vadd.f32 v10, v7;
	[tilespmem:s29+$0x20] =	vst v14  }
0x32e: {  	v15 =	vld [tilespmem:s29+$0xFFFFFFB0];
	[tilespmem:s29+$0x110] =	vst v9;
	v9 =	vadd.f32 v11, v3  }
0x32f: {  	v8 =	vadd.f32 v8, v0;
	v11 =	vld [tilespmem:s29+$0xFFFFFF30];
	[tilespmem:s29+$0xA0] =	vst v10  }
0x330: {  	v14 =	vld [tilespmem:s29+$0xFFFFFE40];
	[tilespmem:s29+$0xFFFFFEA0] =	vst v9;
	v9 =	vadd.f32 v13, v5  }
0x331: {  	[tilespmem:s29+$0x120] =	vst v8;
	v8 =	vadd.f32 v58, v3;
	v13 =	vld [tilespmem:s29+$0x30]  }
0x332: {  	v10 =	vadd.f32 v56, v2;
	[tilespmem:s29+$0xFFFFFFA0] =	vst v9;
	v9 =	vld [tilespmem:s29+$0x130]  }
0x333: {  	v12 =	vld [tilespmem:s29+$0x1B0];
	[tilespmem:s29+$0xFFFFFEB0] =	vst v8;
	v8 =	vadd.f32 v15, v5  }
0x334: {  	v61 =	vld [tilespmem:s29+$0xFFFFFE50];
	[tilespmem:s29+$0x1A0] =	vst v10;
	v10 =	vadd.f32 v11, v4  }
0x335: {  	v11 =	vld [tilespmem:s29+$0xFFFFFF40];
	[tilespmem:s29+$0xFFFFFFB0] =	vst v8;
	v8 =	vadd.f32 v14, v1  }
0x336: {  	v15 =	vld [tilespmem:s29+$0xFFFFFFC0];
	[tilespmem:s29+$0xFFFFFF30] =	vst v10;
	v10 =	vadd.f32 v13, v6  }
0x337: {  	v13 =	vld [tilespmem:s29+$0x40];
	[tilespmem:s29+$0xFFFFFE40] =	vst v8;
	v8 =	vadd.f32 v9, v0  }
0x338: {  	[tilespmem:s29+$0x30] =	vst v10;
	v10 =	vld [tilespmem:s29+$0x140];
	v9 =	vadd.f32 v12, v2  }
0x339: {  	v14 =	vld [tilespmem:s29+$0xC0];
	[tilespmem:s29+$0x130] =	vst v8;
	v8 =	vadd.f32 v60, v3  }
0x33a: {  	v62 =	vld [tilespmem:s29+$0xD0];
	[tilespmem:s29+$0x1B0] =	vst v9;
	v9 =	vadd.f32 v11, v4  }
0x33b: {  	v11 =	vld [tilespmem:s29+$0xFFFFFED0];
	[tilespmem:s29+$0xFFFFFEC0] =	vst v8;
	v8 =	vadd.f32 v15, v5  }
0x33c: {  	v12 =	vld [tilespmem:s29+$0x1C0];
	[tilespmem:s29+$0xFFFFFF40] =	vst v9;
	v9 =	vadd.f32 v13, v6  }
0x33d: {  	v13 =	vld [tilespmem:s29+$0xFFFFFFD0];
	v10 =	vadd.f32 v10, v0;
	[tilespmem:s29+$0xFFFFFFC0] =	vst v8  }
0x33e: {  	v15 =	vld [tilespmem:s29+$0xFFFFFF50];
	v8 =	vadd.f32 v14, v7;
	[tilespmem:s29+$0x40] =	vst v9  }
0x33f: {  	v14 =	vld [tilespmem:s29+$0x50];
	v9 =	vadd.f32 v61, v1;
	[tilespmem:s29+$0x140] =	vst v10  }
0x340: {  	v10 =	vadd.f32 v11, v3;
	v11 =	vld [tilespmem:s29+$0x1D0];
	[tilespmem:s29+$0xC0] =	vst v8  }
0x341: {  	[tilespmem:s29+$0xFFFFFE50] =	vst v9;
	v9 =	vadd.f32 v12, v2;
	v12 =	vld [tilespmem:s29+$0xFFFFFE60]  }
0x342: {  	v8 =	vld [tilespmem:s29+$0x150];
	[tilespmem:s29+$0xFFFFFED0] =	vst v10;
	v10 =	vadd.f32 v13, v5  }
0x343: {  	v13 =	vld [tilespmem:s29+$0xFFFFFEE0];
	[tilespmem:s29+$0x1C0] =	vst v9;
	v9 =	vadd.f32 v15, v4  }
0x344: {  	v15 =	vld [tilespmem:s29+$0xFFFFFFE0];
	[tilespmem:s29+$0xFFFFFFD0] =	vst v10;
	v10 =	vadd.f32 v62, v7  }
0x345: {  	[tilespmem:s29+$0xFFFFFF50] =	vst v9;
	v9 =	vadd.f32 v14, v6;
	v14 =	vld [tilespmem:s29+$0xFFFFFF60]  }
0x346: {  	v11 =	vadd.f32 v11, v2;
	[tilespmem:s29+$0xD0] =	vst v10;
	v10 =	vadd.f32 v12, v1;
	v12 =	vld [tilespmem:s29+$0xE0]  }
0x347: {  	v8 =	vadd.f32 v8, v0;
	[tilespmem:s29+$0x50] =	vst v9;
	v9 =	vld [tilespmem:s29+$0x60]  }
0x348: {  	v13 =	vadd.f32 v13, v3;
	[tilespmem:s29+$0x1D0] =	vst v11;
	v11 =	vld [tilespmem:s29+$0x1E0]  }
0x349: {  	[tilespmem:s29+$0x150] =	vst v8;
	v8 =	vld [tilespmem:s29+$0x160]  }
0x34a: {  	[tilespmem:s29+$0xFFFFFEE0] =	vst v13;
	v13 =	vadd.f32 v15, v5  }
0x34b: {  	[tilespmem:s29+$0xFFFFFE60] =	vst v10;
	v10 =	vadd.f32 v14, v4;
	v14 =	vld [tilespmem:s29+$0xFFFFFE70]  }
0x34c: {  	v15 =	vld [tilespmem:s29+$0xFFFFFEF0];
	[tilespmem:s29+$0xFFFFFFE0] =	vst v13;
	v9 =	vadd.f32 v9, v6  }
0x34d: {  	v63 =	vld [tilespmem:s29+$0xFFFFFF70];
	[tilespmem:s29+$0xFFFFFF60] =	vst v10;
	v10 =	vadd.f32 v12, v7  }
0x34e: {  	v11 =	vadd.f32 v11, v2;
	v12 =	vadd.f32 v8, v0;
	v8 =	vld [tilespmem:s29+$0xFFFFFFF0];
	[tilespmem:s29+$0x60] =	vst v9  }
0x34f: {  	[tilespmem:s29+$0xE0] =	vst v10;
	v9 =	vld [tilespmem:s29+$0x70]  }
0x350: {  	v10 =	vld [tilespmem:s29+$0xF0];
	[tilespmem:s29+$0x1E0] =	vst v11;
	v14 =	vadd.f32 v14, v1  }
0x351: {  	v11 =	vld [tilespmem:s29+$0x170];
	v13 =	vadd.f32 v15, v3;
	[tilespmem:s29+$0x160] =	vst v12  }
0x352: {  	s30 =	simm.s32 $0x0;
	s1 =	simm.s32 $0x10800;
	v12 =	vld [tilespmem:s29+$0xFFFFFE00];
	[tilespmem:s29+$0xFFFFFE70] =	vst v14;
	v14 =	vadd.f32 v63, v4  }
.LBB2_13:
0x353: {  	v15 =	vld [tilespmem:s1+$0x1F0];
	s30 =	sadd.s32 $0x8, s30;
	[tilespmem:s29+$0xFFFFFEF0] =	vst v13;
	v8 =	vadd.f32 v8, v5  }
0x354: {  	v13 =	vld [tilespmem:s1+$0xFFFFFE80];
	p0 =	slt.u32 s30, $0xF8;
	[tilespmem:s29+$0xFFFFFF70] =	vst v14;
	v9 =	vadd.f32 v9, v6  }
0x355: {  	v14 =	vld [tilespmem:s1+$0xFFFFFF00];
	[tilespmem:s29+$0xFFFFFFF0] =	vst v8;
	v8 =	vadd.f32 v10, v7  }
0x356: {  	v10 =	vld [tilespmem:s1+$0xFFFFFF80];
	[tilespmem:s29+$0x70] =	vst v9;
	v9 =	vadd.f32 v11, v0  }
0x357: {  	v11 =	vld [tilespmem:s1+$0x0];
	v12 =	vadd.f32 v12, v1;
	[tilespmem:s29+$0xF0] =	vst v8  }
0x358: {  	v8 =	vld [tilespmem:s1+$0x80];
	v15 =	vadd.f32 v15, v2;
	[tilespmem:s29+$0x170] =	vst v9  }
0x359: {  	v9 =	vadd.f32 v13, v3;
	v13 =	vld [tilespmem:s1+$0x100];
	[tilespmem:s29+$0xFFFFFE00] =	vst v12;
	s29 =	smov.u32 s1  }
0x35a: {  	v12 =	vadd.f32 v14, v4;
	v14 =	vld [tilespmem:s1+$0x180];
	[tilespmem:s1+$0x1F0] =	vst v15  }
0x35b: {  	[tilespmem:s1+$0xFFFFFE80] =	vst v9;
	v9 =	vadd.f32 v10, v5;
	v10 =	vld [tilespmem:s1+$0xFFFFFE10]  }
0x35c: {  	[tilespmem:s1+$0xFFFFFF00] =	vst v12;
	v11 =	vadd.f32 v11, v6;
	v12 =	vld [tilespmem:s1+$0xFFFFFE90]  }
0x35d: {  	[tilespmem:s1+$0xFFFFFF80] =	vst v9;
	v8 =	vadd.f32 v8, v7;
	v9 =	vld [tilespmem:s1+$0xFFFFFF10]  }
0x35e: {  	[tilespmem:s1+$0x0] =	vst v11;
	v11 =	vadd.f32 v13, v0;
	v13 =	vld [tilespmem:s1+$0xFFFFFF90]  }
0x35f: {  	[tilespmem:s1+$0x80] =	vst v8;
	v8 =	vadd.f32 v14, v2;
	v14 =	vld [tilespmem:s1+$0x10]  }
0x360: {  	[tilespmem:s1+$0x100] =	vst v11;
	v10 =	vadd.f32 v10, v1;
	v11 =	vld [tilespmem:s1+$0x90]  }
0x361: {  	[tilespmem:s1+$0x180] =	vst v8;
	v8 =	vadd.f32 v12, v3;
	v12 =	vld [tilespmem:s1+$0x110]  }
0x362: {  	[tilespmem:s1+$0xFFFFFE10] =	vst v10;
	v9 =	vadd.f32 v9, v4;
	v10 =	vld [tilespmem:s1+$0x190]  }
0x363: {  	[tilespmem:s1+$0xFFFFFE90] =	vst v8;
	v8 =	vadd.f32 v13, v5;
	v13 =	vld [tilespmem:s1+$0xFFFFFE20]  }
0x364: {  	[tilespmem:s1+$0xFFFFFF10] =	vst v9;
	v9 =	vadd.f32 v14, v6;
	v14 =	vld [tilespmem:s1+$0xFFFFFEA0]  }
0x365: {  	[tilespmem:s1+$0xFFFFFF90] =	vst v8;
	v8 =	vadd.f32 v11, v7;
	v11 =	vld [tilespmem:s1+$0xFFFFFF20]  }
0x366: {  	[tilespmem:s1+$0x10] =	vst v9;
	v9 =	vadd.f32 v12, v0;
	v12 =	vld [tilespmem:s1+$0xFFFFFFA0]  }
0x367: {  	[tilespmem:s1+$0x90] =	vst v8;
	v8 =	vadd.f32 v10, v2;
	v10 =	vld [tilespmem:s1+$0x20]  }
0x368: {  	[tilespmem:s1+$0x110] =	vst v9;
	v9 =	vadd.f32 v13, v1;
	v13 =	vld [tilespmem:s1+$0xA0]  }
0x369: {  	[tilespmem:s1+$0x190] =	vst v8;
	v8 =	vadd.f32 v14, v3;
	v14 =	vld [tilespmem:s1+$0x120]  }
0x36a: {  	[tilespmem:s1+$0xFFFFFE20] =	vst v9;
	v9 =	vadd.f32 v11, v4;
	v11 =	vld [tilespmem:s1+$0x1A0]  }
0x36b: {  	[tilespmem:s1+$0xFFFFFEA0] =	vst v8;
	v8 =	vadd.f32 v12, v5;
	v12 =	vld [tilespmem:s1+$0xFFFFFE30]  }
0x36c: {  	[tilespmem:s1+$0xFFFFFF20] =	vst v9;
	v9 =	vadd.f32 v10, v6;
	v10 =	vld [tilespmem:s1+$0xFFFFFEB0]  }
0x36d: {  	[tilespmem:s1+$0xFFFFFFA0] =	vst v8;
	v8 =	vadd.f32 v13, v7;
	v13 =	vld [tilespmem:s1+$0xFFFFFF30]  }
0x36e: {  	[tilespmem:s1+$0x20] =	vst v9;
	v9 =	vadd.f32 v14, v0;
	v14 =	vld [tilespmem:s1+$0xFFFFFFB0]  }
0x36f: {  	[tilespmem:s1+$0xA0] =	vst v8;
	v8 =	vadd.f32 v11, v2;
	v11 =	vld [tilespmem:s1+$0x30]  }
0x370: {  	[tilespmem:s1+$0x120] =	vst v9;
	v9 =	vadd.f32 v12, v1;
	v12 =	vld [tilespmem:s1+$0xB0]  }
0x371: {  	[tilespmem:s1+$0x1A0] =	vst v8;
	v8 =	vadd.f32 v10, v3;
	v10 =	vld [tilespmem:s1+$0x130]  }
0x372: {  	[tilespmem:s1+$0xFFFFFE30] =	vst v9;
	v9 =	vadd.f32 v13, v4;
	v13 =	vld [tilespmem:s1+$0x1B0]  }
0x373: {  	[tilespmem:s1+$0xFFFFFEB0] =	vst v8;
	v8 =	vadd.f32 v14, v5;
	v14 =	vld [tilespmem:s1+$0xFFFFFE40]  }
0x374: {  	[tilespmem:s1+$0xFFFFFF30] =	vst v9;
	v9 =	vadd.f32 v11, v6;
	v11 =	vld [tilespmem:s1+$0xFFFFFEC0]  }
0x375: {  	[tilespmem:s1+$0xFFFFFFB0] =	vst v8;
	v8 =	vadd.f32 v12, v7;
	v12 =	vld [tilespmem:s1+$0xFFFFFF40]  }
0x376: {  	[tilespmem:s1+$0x30] =	vst v9;
	v9 =	vadd.f32 v10, v0;
	v10 =	vld [tilespmem:s1+$0xFFFFFFC0]  }
0x377: {  	[tilespmem:s1+$0xB0] =	vst v8;
	v8 =	vadd.f32 v13, v2;
	v13 =	vld [tilespmem:s1+$0x40]  }
0x378: {  	[tilespmem:s1+$0x130] =	vst v9;
	v9 =	vadd.f32 v14, v1;
	v14 =	vld [tilespmem:s1+$0xC0]  }
0x379: {  	[tilespmem:s1+$0x1B0] =	vst v8;
	v8 =	vadd.f32 v11, v3;
	v11 =	vld [tilespmem:s1+$0x140]  }
0x37a: {  	[tilespmem:s1+$0xFFFFFE40] =	vst v9;
	v9 =	vadd.f32 v12, v4;
	v12 =	vld [tilespmem:s1+$0x1C0]  }
0x37b: {  	[tilespmem:s1+$0xFFFFFEC0] =	vst v8;
	v8 =	vadd.f32 v10, v5;
	v10 =	vld [tilespmem:s1+$0xFFFFFE50]  }
0x37c: {  	[tilespmem:s1+$0xFFFFFF40] =	vst v9;
	v9 =	vadd.f32 v13, v6;
	v13 =	vld [tilespmem:s1+$0xFFFFFED0]  }
0x37d: {  	[tilespmem:s1+$0xFFFFFFC0] =	vst v8;
	v8 =	vadd.f32 v14, v7;
	v14 =	vld [tilespmem:s1+$0xFFFFFF50]  }
0x37e: {  	[tilespmem:s1+$0x40] =	vst v9;
	v9 =	vadd.f32 v11, v0;
	v11 =	vld [tilespmem:s1+$0xFFFFFFD0]  }
0x37f: {  	[tilespmem:s1+$0xC0] =	vst v8;
	v8 =	vadd.f32 v12, v2;
	v12 =	vld [tilespmem:s1+$0x50]  }
0x380: {  	[tilespmem:s1+$0x140] =	vst v9;
	v9 =	vadd.f32 v10, v1;
	v10 =	vld [tilespmem:s1+$0xD0]  }
0x381: {  	[tilespmem:s1+$0x1C0] =	vst v8;
	v8 =	vadd.f32 v13, v3;
	v13 =	vld [tilespmem:s1+$0x150]  }
0x382: {  	[tilespmem:s1+$0xFFFFFE50] =	vst v9;
	v9 =	vadd.f32 v14, v4;
	v14 =	vld [tilespmem:s1+$0x1D0]  }
0x383: {  	[tilespmem:s1+$0xFFFFFED0] =	vst v8;
	v8 =	vadd.f32 v11, v5;
	v11 =	vld [tilespmem:s1+$0xFFFFFE60]  }
0x384: {  	[tilespmem:s1+$0xFFFFFF50] =	vst v9;
	v9 =	vadd.f32 v12, v6;
	v12 =	vld [tilespmem:s1+$0xFFFFFEE0]  }
0x385: {  	[tilespmem:s1+$0xFFFFFFD0] =	vst v8;
	v8 =	vadd.f32 v10, v7;
	v10 =	vld [tilespmem:s1+$0xFFFFFF60]  }
0x386: {  	[tilespmem:s1+$0x50] =	vst v9;
	v9 =	vadd.f32 v13, v0;
	v13 =	vld [tilespmem:s1+$0xFFFFFFE0]  }
0x387: {  	[tilespmem:s1+$0xD0] =	vst v8;
	v8 =	vadd.f32 v14, v2;
	v14 =	vld [tilespmem:s1+$0x60]  }
0x388: {  	[tilespmem:s1+$0x150] =	vst v9;
	v9 =	vadd.f32 v11, v1;
	v11 =	vld [tilespmem:s1+$0xE0]  }
0x389: {  	[tilespmem:s1+$0x1D0] =	vst v8;
	v8 =	vadd.f32 v12, v3;
	v12 =	vld [tilespmem:s1+$0x160]  }
0x38a: {  	[tilespmem:s1+$0xFFFFFE60] =	vst v9;
	v9 =	vadd.f32 v10, v4;
	v10 =	vld [tilespmem:s1+$0x1E0]  }
0x38b: {  	[tilespmem:s1+$0xFFFFFEE0] =	vst v8;
	v8 =	vadd.f32 v13, v5;
	v13 =	vld [tilespmem:s1+$0xFFFFFE70]  }
0x38c: {  	[tilespmem:s1+$0xFFFFFF60] =	vst v9;
	v9 =	vadd.f32 v14, v6;
	v14 =	vld [tilespmem:s1+$0xFFFFFEF0]  }
0x38d: {  	[tilespmem:s1+$0xFFFFFFE0] =	vst v8;
	v11 =	vadd.f32 v11, v7;
	v15 =	vld [tilespmem:s1+$0xFFFFFF70]  }
.Ltmp5:
0x38e: {  	[tilespmem:s1+$0x60] =	vst v9;
	v12 =	vadd.f32 v12, v0;
	v8 =	vld [tilespmem:s1+$0xFFFFFFF0];
	(pc) =	sbr.rel @p0 .LBB2_13-.Ltmp5, $4  }
0x38f: {  	[tilespmem:s1+$0xE0] =	vst v11;
	v11 =	vadd.f32 v10, v2;
	v9 =	vld [tilespmem:s1+$0x70]  }
0x390: {  	[tilespmem:s1+$0x160] =	vst v12;
	v16 =	vadd.f32 v13, v1;
	v10 =	vld [tilespmem:s1+$0xF0]  }
0x391: {  	[tilespmem:s1+$0x1E0] =	vst v11;
	v13 =	vadd.f32 v14, v3;
	v11 =	vld [tilespmem:s1+$0x170]  }
0x392: {  	s1 =	sadd.s32 $0x400, s1;
	v12 =	vld [tilespmem:s29+$0xFFFFFE00];
	[tilespmem:s29+$0xFFFFFE70] =	vst v16;
	v14 =	vadd.f32 v15, v4  }
0x393: {  	[tilespmem:s29+$0xFFFFFEF0] =	vst v13;
	v2 =	vadd.f32 v8, v5  }
0x394: {  	[tilespmem:s29+$0xFFFFFF70] =	vst v14;
	v3 =	vadd.f32 v9, v6  }
0x395: {  	[tilespmem:s29+$0xFFFFFFF0] =	vst v2;
	v63 =	vadd.f32 v10, v7  }
0x396: {  	[tilespmem:s29+$0x70] =	vst v3;
	v0 =	vadd.f32 v11, v0  }
0x397: {  	v1 =	vadd.f32 v12, v1;
	[tilespmem:s29+$0xF0] =	vst v63  }
0x398: {  	[tilespmem:s29+$0x170] =	vst v0  }
0x399: {  	s26 =	sadd.s32 $0x1, s26;
	[tilespmem:s29+$0xFFFFFE00] =	vst v1  }
0x39a: {  	s1 =	sadd.s32 s28, s11;
	p0 =	sne.s32 s26, $0x8;
	_ =	swait.ge [sflag:s23], $0x8000  }
.Ltmp6:
0x39b: {  	s1 =	sshll.u32 s1, $0x9;
	[sflag:s23] =	ssyncset.done $0x0;
	(pc) =	sbr.rel @p0 .LBB2_2-.Ltmp6, $4  }
0x39c: {  	s31 =	sadd.s32 s2, s1;
	[sflag:s23] =	ssyncadd.s32 $0xFFFF8000  }
0x39d: {  	[hbm4b:s31+s3] =	stream.linear.scatter [tilespmem:s19], [sflag:$0x6], $0x8000, $0x38;
	[tilespmem:$0x18200] =	vst v63  }
0x39e: {  	s1 =	sadd.s32 s1, s8  }
0x39f: {  	[tilespmem:s17], [sflag:$0x2] =	stream.linear.gather [hbm4b:s1+s3], $0x8000, $0x38;
	[tilespmem:$0x18200] =	vst v63  }
0x3a0: {  	_ =	swait.ge [sflag:s18], $0x8000  }
0x3a1: {  	[sflag:s18] =	ssyncset.done $0x0  }
0x3a2: {  	[sflag:s18] =	ssyncadd.s32 $0xFFFF8000  }
0x3a3: {  	s26 =	simm.s32 $0x400;
	v0 =	vld [tilespmem:$0x180]  }
0x3a4: {  	v4 =	vld [tilespmem:s26+$0x1F0]  }
0x3a5: {  	v5 =	vld [tilespmem:s26+$0xFFFFFE80]  }
0x3a6: {  	v7 =	vld [tilespmem:s26+$0xFFFFFF00]  }
0x3a7: {  	v6 =	vld [tilespmem:s26+$0xFFFFFE10]  }
0x3a8: {  	v8 =	vld [tilespmem:s26+$0xFFFFFF80];
	v2 =	vbroadcast v0, $0x7  }
0x3a9: {  	v9 =	vld [tilespmem:s26+$0x0];
	v3 =	vbroadcast v0, $0x1  }
0x3aa: {  	v16 =	vld [tilespmem:s26+$0xFFFFFF90];
	v1 =	vbroadcast v0, $0x0;
	v15 =	vadd.f32 v4, v2  }
0x3ab: {  	v10 =	vld [tilespmem:s26+$0x80];
	v4 =	vbroadcast v0, $0x2;
	v17 =	vadd.f32 v5, v3  }
0x3ac: {  	v11 =	vld [tilespmem:s26+$0x100];
	v5 =	vbroadcast v0, $0x3;
	[tilespmem:s26+$0x1F0] =	vst v15;
	v15 =	vadd.f32 v6, v1  }
0x3ad: {  	v19 =	vld [tilespmem:s26+$0x90];
	v20 =	vadd.f32 v7, v4;
	[tilespmem:s26+$0xFFFFFE80] =	vst v17  }
0x3ae: {  	v12 =	vld [tilespmem:s26+$0x180];
	v6 =	vbroadcast v0, $0x4;
	v21 =	vadd.f32 v8, v5;
	[tilespmem:s26+$0xFFFFFE10] =	vst v15  }
0x3af: {  	v13 =	vld [tilespmem:s26+$0xFFFFFE90];
	v7 =	vbroadcast v0, $0x5;
	v16 =	vadd.f32 v16, v5;
	[tilespmem:s26+$0xFFFFFF00] =	vst v20  }
0x3b0: {  	v14 =	vld [tilespmem:s26+$0xFFFFFF10];
	v9 =	vadd.f32 v9, v6;
	[tilespmem:s26+$0xFFFFFF80] =	vst v21  }
0x3b1: {  	v18 =	vld [tilespmem:s26+$0x10];
	v8 =	vbroadcast v0, $0x6;
	v10 =	vadd.f32 v10, v7;
	[tilespmem:s26+$0xFFFFFF90] =	vst v16  }
0x3b2: {  	v15 =	vld [tilespmem:s26+$0x190];
	v16 =	vadd.f32 v19, v7;
	[tilespmem:s26+$0x0] =	vst v9  }
0x3b3: {  	v59 =	vld [tilespmem:s26+$0xFFFFFE20];
	v9 =	vadd.f32 v11, v8;
	[tilespmem:s26+$0x80] =	vst v10  }
0x3b4: {  	v10 =	vadd.f32 v12, v2;
	v12 =	vld [tilespmem:s26+$0xFFFFFF20];
	[tilespmem:s26+$0x90] =	vst v16  }
0x3b5: {  	v60 =	vld [tilespmem:s26+$0xA0];
	[tilespmem:s26+$0x100] =	vst v9;
	v9 =	vadd.f32 v13, v3  }
0x3b6: {  	[tilespmem:s26+$0x180] =	vst v10;
	v10 =	vadd.f32 v14, v4;
	v14 =	vld [tilespmem:s26+$0x20]  }
0x3b7: {  	v17 =	vld [tilespmem:s26+$0x110];
	v15 =	vadd.f32 v15, v2;
	[tilespmem:s26+$0xFFFFFE90] =	vst v9  }
0x3b8: {  	v9 =	vadd.f32 v59, v1;
	[tilespmem:s26+$0xFFFFFF10] =	vst v10;
	v10 =	vld [tilespmem:s26+$0x120]  }
0x3b9: {  	v11 =	vld [tilespmem:s26+$0xFFFFFEA0];
	[tilespmem:s26+$0x190] =	vst v15;
	v12 =	vadd.f32 v12, v4  }
0x3ba: {  	v16 =	vld [tilespmem:s26+$0xFFFFFEB0];
	[tilespmem:s26+$0xFFFFFE20] =	vst v9;
	v9 =	vadd.f32 v18, v6  }
0x3bb: {  	v13 =	vld [tilespmem:s26+$0xFFFFFFA0];
	[tilespmem:s26+$0xFFFFFF20] =	vst v12;
	v14 =	vadd.f32 v14, v6  }
0x3bc: {  	[tilespmem:s26+$0x10] =	vst v9;
	v9 =	vadd.f32 v17, v8;
	v17 =	vld [tilespmem:s26+$0xFFFFFE30]  }
0x3bd: {  	v15 =	vld [tilespmem:s26+$0xFFFFFFB0];
	[tilespmem:s26+$0x20] =	vst v14;
	v10 =	vadd.f32 v10, v8  }
0x3be: {  	v61 =	vld [tilespmem:s26+$0x1A0];
	[tilespmem:s26+$0x110] =	vst v9;
	v9 =	vadd.f32 v11, v3  }
0x3bf: {  	v11 =	vld [tilespmem:s26+$0xFFFFFF30];
	[tilespmem:s26+$0x120] =	vst v10;
	v10 =	vadd.f32 v16, v3  }
0x3c0: {  	v62 =	vld [tilespmem:s26+$0xFFFFFE40];
	[tilespmem:s26+$0xFFFFFEA0] =	vst v9;
	v9 =	vadd.f32 v13, v5  }
0x3c1: {  	v63 =	vld [tilespmem:s26+$0xC0];
	v12 =	vadd.f32 v17, v1;
	[tilespmem:s26+$0xFFFFFEB0] =	vst v10  }
0x3c2: {  	v13 =	vld [tilespmem:s26+$0x30];
	v10 =	vadd.f32 v15, v5;
	[tilespmem:s26+$0xFFFFFFA0] =	vst v9  }
0x3c3: {  	v9 =	vld [tilespmem:s26+$0x130];
	[tilespmem:s26+$0xFFFFFE30] =	vst v12;
	v12 =	vadd.f32 v60, v7  }
0x3c4: {  	v14 =	vld [tilespmem:s26+$0x1B0];
	v11 =	vadd.f32 v11, v4;
	[tilespmem:s26+$0xFFFFFFB0] =	vst v10  }
0x3c5: {  	v16 =	vld [tilespmem:s26+$0xFFFFFEC0];
	v10 =	vadd.f32 v62, v1;
	[tilespmem:s26+$0xA0] =	vst v12  }
0x3c6: {  	v17 =	vld [tilespmem:s26+$0xB0];
	v12 =	vadd.f32 v61, v2;
	[tilespmem:s26+$0xFFFFFF30] =	vst v11  }
0x3c7: {  	v15 =	vld [tilespmem:s26+$0xFFFFFFC0];
	v11 =	vadd.f32 v13, v6;
	[tilespmem:s26+$0xFFFFFE40] =	vst v10  }
0x3c8: {  	[tilespmem:s26+$0x1A0] =	vst v12;
	v12 =	vld [tilespmem:s26+$0xFFFFFF40];
	v9 =	vadd.f32 v9, v8  }
0x3c9: {  	v13 =	vld [tilespmem:s26+$0x40];
	v10 =	vadd.f32 v14, v2;
	[tilespmem:s26+$0x30] =	vst v11  }
0x3ca: {  	v14 =	vld [tilespmem:s26+$0x1C0];
	[tilespmem:s26+$0x130] =	vst v9;
	v9 =	vadd.f32 v16, v3  }
0x3cb: {  	v17 =	vadd.f32 v17, v7;
	v11 =	vld [tilespmem:s26+$0x140];
	[tilespmem:s26+$0x1B0] =	vst v10  }
0x3cc: {  	v16 =	vld [tilespmem:s26+$0xFFFFFE50];
	[tilespmem:s26+$0xFFFFFEC0] =	vst v9;
	v9 =	vadd.f32 v15, v5  }
0x3cd: {  	[tilespmem:s26+$0xB0] =	vst v17;
	v10 =	vadd.f32 v12, v4;
	v12 =	vld [tilespmem:s26+$0xFFFFFED0]  }
0x3ce: {  	v17 =	vld [tilespmem:s26+$0x50];
	[tilespmem:s26+$0xFFFFFFC0] =	vst v9;
	v9 =	vadd.f32 v63, v7  }
0x3cf: {  	[tilespmem:s26+$0xFFFFFF40] =	vst v10;
	v10 =	vadd.f32 v13, v6;
	v13 =	vld [tilespmem:s26+$0xFFFFFFD0]  }
0x3d0: {  	v15 =	vld [tilespmem:s26+$0xFFFFFF50];
	v11 =	vadd.f32 v11, v8;
	[tilespmem:s26+$0xC0] =	vst v9  }
0x3d1: {  	v9 =	vld [tilespmem:s26+$0x150];
	[tilespmem:s26+$0x40] =	vst v10;
	v10 =	vadd.f32 v16, v1  }
0x3d2: {  	[tilespmem:s26+$0x140] =	vst v11;
	v16 =	vld [tilespmem:s26+$0xD0];
	v11 =	vadd.f32 v12, v3  }
0x3d3: {  	v12 =	vld [tilespmem:s26+$0x1D0];
	[tilespmem:s26+$0xFFFFFE50] =	vst v10;
	v10 =	vadd.f32 v14, v2  }
0x3d4: {  	v14 =	vld [tilespmem:s26+$0xFFFFFE60];
	[tilespmem:s26+$0xFFFFFED0] =	vst v11;
	v11 =	vadd.f32 v13, v5  }
0x3d5: {  	[tilespmem:s26+$0x1C0] =	vst v10;
	v10 =	vadd.f32 v15, v4  }
0x3d6: {  	v13 =	vld [tilespmem:s26+$0xFFFFFEE0];
	v9 =	vadd.f32 v9, v8;
	[tilespmem:s26+$0xFFFFFFD0] =	vst v11  }
0x3d7: {  	v15 =	vld [tilespmem:s26+$0xFFFFFF60];
	v11 =	vadd.f32 v16, v7;
	[tilespmem:s26+$0xFFFFFF50] =	vst v10  }
0x3d8: {  	v16 =	vld [tilespmem:s26+$0xFFFFFFE0];
	v10 =	vadd.f32 v17, v6;
	[tilespmem:s26+$0x150] =	vst v9  }
0x3d9: {  	v12 =	vadd.f32 v12, v2;
	[tilespmem:s26+$0xD0] =	vst v11;
	v11 =	vadd.f32 v14, v1;
	v14 =	vld [tilespmem:s26+$0xE0]  }
0x3da: {  	[tilespmem:s26+$0x50] =	vst v10;
	v10 =	vld [tilespmem:s26+$0x60]  }
0x3db: {  	v9 =	vld [tilespmem:s26+$0x160];
	v13 =	vadd.f32 v13, v3;
	[tilespmem:s26+$0x1D0] =	vst v12  }
0x3dc: {  	v12 =	vld [tilespmem:s26+$0x1E0];
	[tilespmem:s26+$0xFFFFFE60] =	vst v11;
	v11 =	vadd.f32 v15, v4  }
0x3dd: {  	v15 =	vld [tilespmem:s26+$0xFFFFFE70];
	[tilespmem:s26+$0xFFFFFEE0] =	vst v13;
	v13 =	vadd.f32 v16, v5  }
0x3de: {  	v16 =	vld [tilespmem:s26+$0xFFFFFEF0];
	[tilespmem:s26+$0xFFFFFF60] =	vst v11;
	v11 =	vadd.f32 v14, v7  }
0x3df: {  	v17 =	vld [tilespmem:s26+$0xFFFFFF70];
	[tilespmem:s26+$0xFFFFFFE0] =	vst v13;
	v10 =	vadd.f32 v10, v6  }
0x3e0: {  	v13 =	vadd.f32 v9, v8;
	v9 =	vld [tilespmem:s26+$0xFFFFFFF0];
	[tilespmem:s26+$0xE0] =	vst v11  }
0x3e1: {  	v12 =	vadd.f32 v12, v2;
	[tilespmem:s26+$0x60] =	vst v10;
	v10 =	vld [tilespmem:s26+$0x70]  }
0x3e2: {  	[tilespmem:s26+$0x160] =	vst v13;
	v15 =	vadd.f32 v15, v1;
	v11 =	vld [tilespmem:s26+$0xF0]  }
0x3e3: {  	[tilespmem:s26+$0x1E0] =	vst v12;
	v12 =	vld [tilespmem:s26+$0x170];
	v14 =	vadd.f32 v16, v3  }
0x3e4: {  	s28 =	simm.s32 $0x0;
	s1 =	simm.s32 $0x800;
	v13 =	vld [tilespmem:s26+$0xFFFFFE00];
	[tilespmem:s26+$0xFFFFFE70] =	vst v15;
	v15 =	vadd.f32 v17, v4  }
.LBB2_16:
0x3e5: {  	v16 =	vld [tilespmem:s1+$0x1F0];
	s28 =	sadd.s32 $0x8, s28;
	[tilespmem:s26+$0xFFFFFEF0] =	vst v14;
	v9 =	vadd.f32 v9, v5  }
0x3e6: {  	v14 =	vld [tilespmem:s1+$0xFFFFFE80];
	p0 =	slt.u32 s28, $0xF8;
	[tilespmem:s26+$0xFFFFFF70] =	vst v15;
	v10 =	vadd.f32 v10, v6  }
0x3e7: {  	v15 =	vld [tilespmem:s1+$0xFFFFFF00];
	[tilespmem:s26+$0xFFFFFFF0] =	vst v9;
	v9 =	vadd.f32 v11, v7  }
0x3e8: {  	v11 =	vld [tilespmem:s1+$0xFFFFFF80];
	[tilespmem:s26+$0x70] =	vst v10;
	v10 =	vadd.f32 v12, v8  }
0x3e9: {  	v12 =	vld [tilespmem:s1+$0x0];
	v13 =	vadd.f32 v13, v1;
	[tilespmem:s26+$0xF0] =	vst v9  }
0x3ea: {  	v9 =	vld [tilespmem:s1+$0x80];
	v16 =	vadd.f32 v16, v2;
	[tilespmem:s26+$0x170] =	vst v10  }
0x3eb: {  	v10 =	vadd.f32 v14, v3;
	v14 =	vld [tilespmem:s1+$0x100];
	[tilespmem:s26+$0xFFFFFE00] =	vst v13;
	s26 =	smov.u32 s1  }
0x3ec: {  	v13 =	vadd.f32 v15, v4;
	v15 =	vld [tilespmem:s1+$0x180];
	[tilespmem:s1+$0x1F0] =	vst v16  }
0x3ed: {  	[tilespmem:s1+$0xFFFFFE80] =	vst v10;
	v10 =	vadd.f32 v11, v5;
	v11 =	vld [tilespmem:s1+$0xFFFFFE10]  }
0x3ee: {  	[tilespmem:s1+$0xFFFFFF00] =	vst v13;
	v12 =	vadd.f32 v12, v6;
	v13 =	vld [tilespmem:s1+$0xFFFFFE90]  }
0x3ef: {  	[tilespmem:s1+$0xFFFFFF80] =	vst v10;
	v9 =	vadd.f32 v9, v7;
	v10 =	vld [tilespmem:s1+$0xFFFFFF10]  }
0x3f0: {  	[tilespmem:s1+$0x0] =	vst v12;
	v12 =	vadd.f32 v14, v8;
	v14 =	vld [tilespmem:s1+$0xFFFFFF90]  }
0x3f1: {  	[tilespmem:s1+$0x80] =	vst v9;
	v9 =	vadd.f32 v15, v2;
	v15 =	vld [tilespmem:s1+$0x10]  }
0x3f2: {  	[tilespmem:s1+$0x100] =	vst v12;
	v11 =	vadd.f32 v11, v1;
	v12 =	vld [tilespmem:s1+$0x90]  }
0x3f3: {  	[tilespmem:s1+$0x180] =	vst v9;
	v9 =	vadd.f32 v13, v3;
	v13 =	vld [tilespmem:s1+$0x110]  }
0x3f4: {  	[tilespmem:s1+$0xFFFFFE10] =	vst v11;
	v10 =	vadd.f32 v10, v4;
	v11 =	vld [tilespmem:s1+$0x190]  }
0x3f5: {  	[tilespmem:s1+$0xFFFFFE90] =	vst v9;
	v9 =	vadd.f32 v14, v5;
	v14 =	vld [tilespmem:s1+$0xFFFFFE20]  }
0x3f6: {  	[tilespmem:s1+$0xFFFFFF10] =	vst v10;
	v10 =	vadd.f32 v15, v6;
	v15 =	vld [tilespmem:s1+$0xFFFFFEA0]  }
0x3f7: {  	[tilespmem:s1+$0xFFFFFF90] =	vst v9;
	v9 =	vadd.f32 v12, v7;
	v12 =	vld [tilespmem:s1+$0xFFFFFF20]  }
0x3f8: {  	[tilespmem:s1+$0x10] =	vst v10;
	v10 =	vadd.f32 v13, v8;
	v13 =	vld [tilespmem:s1+$0xFFFFFFA0]  }
0x3f9: {  	[tilespmem:s1+$0x90] =	vst v9;
	v9 =	vadd.f32 v11, v2;
	v11 =	vld [tilespmem:s1+$0x20]  }
0x3fa: {  	[tilespmem:s1+$0x110] =	vst v10;
	v10 =	vadd.f32 v14, v1;
	v14 =	vld [tilespmem:s1+$0xA0]  }
0x3fb: {  	[tilespmem:s1+$0x190] =	vst v9;
	v9 =	vadd.f32 v15, v3;
	v15 =	vld [tilespmem:s1+$0x120]  }
0x3fc: {  	[tilespmem:s1+$0xFFFFFE20] =	vst v10;
	v10 =	vadd.f32 v12, v4;
	v12 =	vld [tilespmem:s1+$0x1A0]  }
0x3fd: {  	[tilespmem:s1+$0xFFFFFEA0] =	vst v9;
	v9 =	vadd.f32 v13, v5;
	v13 =	vld [tilespmem:s1+$0xFFFFFE30]  }
0x3fe: {  	[tilespmem:s1+$0xFFFFFF20] =	vst v10;
	v10 =	vadd.f32 v11, v6;
	v11 =	vld [tilespmem:s1+$0xFFFFFEB0]  }
0x3ff: {  	[tilespmem:s1+$0xFFFFFFA0] =	vst v9;
	v9 =	vadd.f32 v14, v7;
	v14 =	vld [tilespmem:s1+$0xFFFFFF30]  }
0x400: {  	[tilespmem:s1+$0x20] =	vst v10;
	v10 =	vadd.f32 v15, v8;
	v15 =	vld [tilespmem:s1+$0xFFFFFFB0]  }
0x401: {  	[tilespmem:s1+$0xA0] =	vst v9;
	v9 =	vadd.f32 v12, v2;
	v12 =	vld [tilespmem:s1+$0x30]  }
0x402: {  	[tilespmem:s1+$0x120] =	vst v10;
	v10 =	vadd.f32 v13, v1;
	v13 =	vld [tilespmem:s1+$0xB0]  }
0x403: {  	[tilespmem:s1+$0x1A0] =	vst v9;
	v9 =	vadd.f32 v11, v3;
	v11 =	vld [tilespmem:s1+$0x130]  }
0x404: {  	[tilespmem:s1+$0xFFFFFE30] =	vst v10;
	v10 =	vadd.f32 v14, v4;
	v14 =	vld [tilespmem:s1+$0x1B0]  }
0x405: {  	[tilespmem:s1+$0xFFFFFEB0] =	vst v9;
	v9 =	vadd.f32 v15, v5;
	v15 =	vld [tilespmem:s1+$0xFFFFFE40]  }
0x406: {  	[tilespmem:s1+$0xFFFFFF30] =	vst v10;
	v10 =	vadd.f32 v12, v6;
	v12 =	vld [tilespmem:s1+$0xFFFFFEC0]  }
0x407: {  	[tilespmem:s1+$0xFFFFFFB0] =	vst v9;
	v9 =	vadd.f32 v13, v7;
	v13 =	vld [tilespmem:s1+$0xFFFFFF40]  }
0x408: {  	[tilespmem:s1+$0x30] =	vst v10;
	v10 =	vadd.f32 v11, v8;
	v11 =	vld [tilespmem:s1+$0xFFFFFFC0]  }
0x409: {  	[tilespmem:s1+$0xB0] =	vst v9;
	v9 =	vadd.f32 v14, v2;
	v14 =	vld [tilespmem:s1+$0x40]  }
0x40a: {  	[tilespmem:s1+$0x130] =	vst v10;
	v10 =	vadd.f32 v15, v1;
	v15 =	vld [tilespmem:s1+$0xC0]  }
0x40b: {  	[tilespmem:s1+$0x1B0] =	vst v9;
	v9 =	vadd.f32 v12, v3;
	v12 =	vld [tilespmem:s1+$0x140]  }
0x40c: {  	[tilespmem:s1+$0xFFFFFE40] =	vst v10;
	v10 =	vadd.f32 v13, v4;
	v13 =	vld [tilespmem:s1+$0x1C0]  }
0x40d: {  	[tilespmem:s1+$0xFFFFFEC0] =	vst v9;
	v9 =	vadd.f32 v11, v5;
	v11 =	vld [tilespmem:s1+$0xFFFFFE50]  }
0x40e: {  	[tilespmem:s1+$0xFFFFFF40] =	vst v10;
	v10 =	vadd.f32 v14, v6;
	v14 =	vld [tilespmem:s1+$0xFFFFFED0]  }
0x40f: {  	[tilespmem:s1+$0xFFFFFFC0] =	vst v9;
	v9 =	vadd.f32 v15, v7;
	v15 =	vld [tilespmem:s1+$0xFFFFFF50]  }
0x410: {  	[tilespmem:s1+$0x40] =	vst v10;
	v10 =	vadd.f32 v12, v8;
	v12 =	vld [tilespmem:s1+$0xFFFFFFD0]  }
0x411: {  	[tilespmem:s1+$0xC0] =	vst v9;
	v9 =	vadd.f32 v13, v2;
	v13 =	vld [tilespmem:s1+$0x50]  }
0x412: {  	[tilespmem:s1+$0x140] =	vst v10;
	v10 =	vadd.f32 v11, v1;
	v11 =	vld [tilespmem:s1+$0xD0]  }
0x413: {  	[tilespmem:s1+$0x1C0] =	vst v9;
	v9 =	vadd.f32 v14, v3;
	v14 =	vld [tilespmem:s1+$0x150]  }
0x414: {  	[tilespmem:s1+$0xFFFFFE50] =	vst v10;
	v10 =	vadd.f32 v15, v4;
	v15 =	vld [tilespmem:s1+$0x1D0]  }
0x415: {  	[tilespmem:s1+$0xFFFFFED0] =	vst v9;
	v9 =	vadd.f32 v12, v5;
	v12 =	vld [tilespmem:s1+$0xFFFFFE60]  }
0x416: {  	[tilespmem:s1+$0xFFFFFF50] =	vst v10;
	v10 =	vadd.f32 v13, v6;
	v13 =	vld [tilespmem:s1+$0xFFFFFEE0]  }
0x417: {  	[tilespmem:s1+$0xFFFFFFD0] =	vst v9;
	v9 =	vadd.f32 v11, v7;
	v11 =	vld [tilespmem:s1+$0xFFFFFF60]  }
0x418: {  	[tilespmem:s1+$0x50] =	vst v10;
	v10 =	vadd.f32 v14, v8;
	v14 =	vld [tilespmem:s1+$0xFFFFFFE0]  }
0x419: {  	[tilespmem:s1+$0xD0] =	vst v9;
	v9 =	vadd.f32 v15, v2;
	v15 =	vld [tilespmem:s1+$0x60]  }
0x41a: {  	[tilespmem:s1+$0x150] =	vst v10;
	v10 =	vadd.f32 v12, v1;
	v12 =	vld [tilespmem:s1+$0xE0]  }
0x41b: {  	[tilespmem:s1+$0x1D0] =	vst v9;
	v9 =	vadd.f32 v13, v3;
	v13 =	vld [tilespmem:s1+$0x160]  }
0x41c: {  	[tilespmem:s1+$0xFFFFFE60] =	vst v10;
	v10 =	vadd.f32 v11, v4;
	v11 =	vld [tilespmem:s1+$0x1E0]  }
0x41d: {  	[tilespmem:s1+$0xFFFFFEE0] =	vst v9;
	v9 =	vadd.f32 v14, v5;
	v14 =	vld [tilespmem:s1+$0xFFFFFE70]  }
0x41e: {  	[tilespmem:s1+$0xFFFFFF60] =	vst v10;
	v10 =	vadd.f32 v15, v6;
	v15 =	vld [tilespmem:s1+$0xFFFFFEF0]  }
0x41f: {  	[tilespmem:s1+$0xFFFFFFE0] =	vst v9;
	v12 =	vadd.f32 v12, v7;
	v16 =	vld [tilespmem:s1+$0xFFFFFF70]  }
.Ltmp7:
0x420: {  	[tilespmem:s1+$0x60] =	vst v10;
	v13 =	vadd.f32 v13, v8;
	v9 =	vld [tilespmem:s1+$0xFFFFFFF0];
	(pc) =	sbr.rel @p0 .LBB2_16-.Ltmp7, $4  }
0x421: {  	[tilespmem:s1+$0xE0] =	vst v12;
	v12 =	vadd.f32 v11, v2;
	v10 =	vld [tilespmem:s1+$0x70]  }
0x422: {  	[tilespmem:s1+$0x160] =	vst v13;
	v17 =	vadd.f32 v14, v1;
	v11 =	vld [tilespmem:s1+$0xF0]  }
0x423: {  	[tilespmem:s1+$0x1E0] =	vst v12;
	v14 =	vadd.f32 v15, v3;
	v12 =	vld [tilespmem:s1+$0x170]  }
0x424: {  	s1 =	sadd.s32 $0x400, s1;
	v13 =	vld [tilespmem:s26+$0xFFFFFE00];
	[tilespmem:s26+$0xFFFFFE70] =	vst v17;
	v15 =	vadd.f32 v16, v4  }
0x425: {  	[tilespmem:s26+$0xFFFFFEF0] =	vst v14;
	v2 =	vadd.f32 v9, v5  }
0x426: {  	[tilespmem:s26+$0xFFFFFF70] =	vst v15;
	v3 =	vadd.f32 v10, v6  }
0x427: {  	[tilespmem:s26+$0xFFFFFFF0] =	vst v2;
	v2 =	vadd.f32 v11, v7  }
0x428: {  	[tilespmem:s26+$0x70] =	vst v3;
	v3 =	vadd.f32 v12, v8  }
0x429: {  	v1 =	vadd.f32 v13, v1;
	[tilespmem:s26+$0xF0] =	vst v2  }
0x42a: {  	[tilespmem:s26+$0x170] =	vst v3  }
0x42b: {  	[tilespmem:s26+$0xFFFFFE00] =	vst v1  }
0x42c: {  	_ =	swait.ge [sflag:s24], $0x8000  }
0x42d: {  	[sflag:s24] =	ssyncset.done $0x0  }
0x42e: {  	[sflag:s24] =	ssyncadd.s32 $0xFFFF8000  }
0x42f: {  	[hbm4b:s12+s3] =	stream.linear.scatter [tilespmem:s16], [sflag:$0x4], $0x8000, $0x38;
	[tilespmem:$0x18200] =	vst v63  }
0x430: {  	_ =	swait.ge [sflag:s20], $0x8000  }
0x431: {  	[sflag:s20] =	ssyncset.done $0x0  }
0x432: {  	s26 =	simm.s32 $0x8400;
	[sflag:s20] =	ssyncadd.s32 $0xFFFF8000  }
0x433: {  	v4 =	vld [tilespmem:s26+$0x1F0]  }
0x434: {  	v5 =	vld [tilespmem:s26+$0xFFFFFE80]  }
0x435: {  	v7 =	vld [tilespmem:s26+$0xFFFFFF00]  }
0x436: {  	v6 =	vld [tilespmem:s26+$0xFFFFFE10]  }
0x437: {  	v2 =	vbroadcast v0, $0xF;
	v8 =	vld [tilespmem:s26+$0xFFFFFF80]  }
0x438: {  	v3 =	vbroadcast v0, $0x9;
	v9 =	vld [tilespmem:s26+$0x0]  }
0x439: {  	v1 =	vbroadcast v0, $0x8;
	v16 =	vld [tilespmem:s26+$0xFFFFFF90];
	v15 =	vadd.f32 v4, v2  }
0x43a: {  	v10 =	vld [tilespmem:s26+$0x80];
	v4 =	vbroadcast v0, $0xA;
	v17 =	vadd.f32 v5, v3  }
0x43b: {  	v11 =	vld [tilespmem:s26+$0x100];
	v5 =	vbroadcast v0, $0xB;
	[tilespmem:s26+$0x1F0] =	vst v15;
	v15 =	vadd.f32 v6, v1  }
0x43c: {  	v19 =	vld [tilespmem:s26+$0x90];
	v20 =	vadd.f32 v7, v4;
	[tilespmem:s26+$0xFFFFFE80] =	vst v17  }
0x43d: {  	v59 =	vld [tilespmem:s26+$0xB0];
	v6 =	vbroadcast v0, $0xC;
	v8 =	vadd.f32 v8, v5;
	[tilespmem:s26+$0xFFFFFE10] =	vst v15  }
0x43e: {  	v12 =	vld [tilespmem:s26+$0x180];
	v7 =	vbroadcast v0, $0xD;
	v16 =	vadd.f32 v16, v5;
	[tilespmem:s26+$0xFFFFFF00] =	vst v20  }
0x43f: {  	v13 =	vld [tilespmem:s26+$0xFFFFFE90];
	v9 =	vadd.f32 v9, v6;
	[tilespmem:s26+$0xFFFFFF80] =	vst v8  }
0x440: {  	v14 =	vld [tilespmem:s26+$0xFFFFFF10];
	v8 =	vadd.f32 v10, v7;
	[tilespmem:s26+$0xFFFFFF90] =	vst v16  }
0x441: {  	v18 =	vld [tilespmem:s26+$0x10];
	v0 =	vbroadcast v0, $0xE;
	v55 =	vadd.f32 v19, v7;
	[tilespmem:s26+$0x0] =	vst v9  }
0x442: {  	v15 =	vld [tilespmem:s26+$0x190];
	v17 =	vadd.f32 v59, v7;
	[tilespmem:s26+$0x80] =	vst v8  }
0x443: {  	v10 =	vld [tilespmem:s26+$0xFFFFFE20];
	v9 =	vadd.f32 v11, v0;
	[tilespmem:s26+$0x90] =	vst v55  }
0x444: {  	v8 =	vadd.f32 v12, v2;
	v12 =	vld [tilespmem:s26+$0xFFFFFF20];
	[tilespmem:s26+$0xB0] =	vst v17  }
0x445: {  	v54 =	vld [tilespmem:s26+$0x110];
	[tilespmem:s26+$0x100] =	vst v9;
	v9 =	vadd.f32 v13, v3  }
0x446: {  	v57 =	vld [tilespmem:s26+$0xFFFFFE30];
	[tilespmem:s26+$0x180] =	vst v8;
	v8 =	vadd.f32 v14, v4  }
0x447: {  	v14 =	vld [tilespmem:s26+$0x20];
	v15 =	vadd.f32 v15, v2;
	[tilespmem:s26+$0xFFFFFE90] =	vst v9  }
0x448: {  	v56 =	vld [tilespmem:s26+$0x1A0];
	v9 =	vadd.f32 v10, v1;
	[tilespmem:s26+$0xFFFFFF10] =	vst v8  }
0x449: {  	v10 =	vld [tilespmem:s26+$0xA0];
	[tilespmem:s26+$0x190] =	vst v15;
	v12 =	vadd.f32 v12, v4  }
0x44a: {  	v11 =	vld [tilespmem:s26+$0xFFFFFEA0];
	[tilespmem:s26+$0xFFFFFE20] =	vst v9;
	v9 =	vadd.f32 v18, v6  }
0x44b: {  	v8 =	vld [tilespmem:s26+$0x120];
	[tilespmem:s26+$0xFFFFFF20] =	vst v12;
	v12 =	vadd.f32 v57, v1  }
0x44c: {  	v13 =	vld [tilespmem:s26+$0xFFFFFFA0];
	v14 =	vadd.f32 v14, v6;
	[tilespmem:s26+$0x10] =	vst v9  }
0x44d: {  	v58 =	vld [tilespmem:s26+$0xFFFFFEB0];
	v9 =	vadd.f32 v54, v0;
	[tilespmem:s26+$0xFFFFFE30] =	vst v12  }
0x44e: {  	v60 =	vld [tilespmem:s26+$0xFFFFFEC0];
	v10 =	vadd.f32 v10, v7;
	[tilespmem:s26+$0x20] =	vst v14  }
0x44f: {  	v15 =	vld [tilespmem:s26+$0xFFFFFFB0];
	[tilespmem:s26+$0x110] =	vst v9;
	v9 =	vadd.f32 v11, v3  }
0x450: {  	v8 =	vadd.f32 v8, v0;
	v11 =	vld [tilespmem:s26+$0xFFFFFF30];
	[tilespmem:s26+$0xA0] =	vst v10  }
0x451: {  	v14 =	vld [tilespmem:s26+$0xFFFFFE40];
	[tilespmem:s26+$0xFFFFFEA0] =	vst v9;
	v9 =	vadd.f32 v13, v5  }
0x452: {  	[tilespmem:s26+$0x120] =	vst v8;
	v8 =	vadd.f32 v58, v3;
	v13 =	vld [tilespmem:s26+$0x30]  }
0x453: {  	v10 =	vadd.f32 v56, v2;
	[tilespmem:s26+$0xFFFFFFA0] =	vst v9;
	v9 =	vld [tilespmem:s26+$0x130]  }
0x454: {  	v12 =	vld [tilespmem:s26+$0x1B0];
	[tilespmem:s26+$0xFFFFFEB0] =	vst v8;
	v8 =	vadd.f32 v15, v5  }
0x455: {  	v61 =	vld [tilespmem:s26+$0xFFFFFE50];
	[tilespmem:s26+$0x1A0] =	vst v10;
	v10 =	vadd.f32 v11, v4  }
0x456: {  	v11 =	vld [tilespmem:s26+$0xFFFFFF40];
	[tilespmem:s26+$0xFFFFFFB0] =	vst v8;
	v8 =	vadd.f32 v14, v1  }
0x457: {  	v15 =	vld [tilespmem:s26+$0xFFFFFFC0];
	[tilespmem:s26+$0xFFFFFF30] =	vst v10;
	v10 =	vadd.f32 v13, v6  }
0x458: {  	v13 =	vld [tilespmem:s26+$0x40];
	[tilespmem:s26+$0xFFFFFE40] =	vst v8;
	v8 =	vadd.f32 v9, v0  }
0x459: {  	[tilespmem:s26+$0x30] =	vst v10;
	v10 =	vld [tilespmem:s26+$0x140];
	v9 =	vadd.f32 v12, v2  }
0x45a: {  	v14 =	vld [tilespmem:s26+$0xC0];
	[tilespmem:s26+$0x130] =	vst v8;
	v8 =	vadd.f32 v60, v3  }
0x45b: {  	v62 =	vld [tilespmem:s26+$0xD0];
	[tilespmem:s26+$0x1B0] =	vst v9;
	v9 =	vadd.f32 v11, v4  }
0x45c: {  	v11 =	vld [tilespmem:s26+$0xFFFFFED0];
	[tilespmem:s26+$0xFFFFFEC0] =	vst v8;
	v8 =	vadd.f32 v15, v5  }
0x45d: {  	v12 =	vld [tilespmem:s26+$0x1C0];
	[tilespmem:s26+$0xFFFFFF40] =	vst v9;
	v9 =	vadd.f32 v13, v6  }
0x45e: {  	v13 =	vld [tilespmem:s26+$0xFFFFFFD0];
	v10 =	vadd.f32 v10, v0;
	[tilespmem:s26+$0xFFFFFFC0] =	vst v8  }
0x45f: {  	v15 =	vld [tilespmem:s26+$0xFFFFFF50];
	v8 =	vadd.f32 v14, v7;
	[tilespmem:s26+$0x40] =	vst v9  }
0x460: {  	v14 =	vld [tilespmem:s26+$0x50];
	v9 =	vadd.f32 v61, v1;
	[tilespmem:s26+$0x140] =	vst v10  }
0x461: {  	v10 =	vadd.f32 v11, v3;
	v11 =	vld [tilespmem:s26+$0x1D0];
	[tilespmem:s26+$0xC0] =	vst v8  }
0x462: {  	[tilespmem:s26+$0xFFFFFE50] =	vst v9;
	v9 =	vadd.f32 v12, v2;
	v12 =	vld [tilespmem:s26+$0xFFFFFE60]  }
0x463: {  	v8 =	vld [tilespmem:s26+$0x150];
	[tilespmem:s26+$0xFFFFFED0] =	vst v10;
	v10 =	vadd.f32 v13, v5  }
0x464: {  	v13 =	vld [tilespmem:s26+$0xFFFFFEE0];
	[tilespmem:s26+$0x1C0] =	vst v9;
	v9 =	vadd.f32 v15, v4  }
0x465: {  	v15 =	vld [tilespmem:s26+$0xFFFFFFE0];
	[tilespmem:s26+$0xFFFFFFD0] =	vst v10;
	v10 =	vadd.f32 v62, v7  }
0x466: {  	[tilespmem:s26+$0xFFFFFF50] =	vst v9;
	v9 =	vadd.f32 v14, v6;
	v14 =	vld [tilespmem:s26+$0xFFFFFF60]  }
0x467: {  	v11 =	vadd.f32 v11, v2;
	[tilespmem:s26+$0xD0] =	vst v10;
	v10 =	vadd.f32 v12, v1;
	v12 =	vld [tilespmem:s26+$0xE0]  }
0x468: {  	v8 =	vadd.f32 v8, v0;
	[tilespmem:s26+$0x50] =	vst v9;
	v9 =	vld [tilespmem:s26+$0x60]  }
0x469: {  	v13 =	vadd.f32 v13, v3;
	[tilespmem:s26+$0x1D0] =	vst v11;
	v11 =	vld [tilespmem:s26+$0x1E0]  }
0x46a: {  	[tilespmem:s26+$0x150] =	vst v8;
	v8 =	vld [tilespmem:s26+$0x160]  }
0x46b: {  	[tilespmem:s26+$0xFFFFFEE0] =	vst v13;
	v13 =	vadd.f32 v15, v5  }
0x46c: {  	[tilespmem:s26+$0xFFFFFE60] =	vst v10;
	v10 =	vadd.f32 v14, v4;
	v14 =	vld [tilespmem:s26+$0xFFFFFE70]  }
0x46d: {  	v15 =	vld [tilespmem:s26+$0xFFFFFEF0];
	[tilespmem:s26+$0xFFFFFFE0] =	vst v13;
	v9 =	vadd.f32 v9, v6  }
0x46e: {  	v63 =	vld [tilespmem:s26+$0xFFFFFF70];
	[tilespmem:s26+$0xFFFFFF60] =	vst v10;
	v10 =	vadd.f32 v12, v7  }
0x46f: {  	v11 =	vadd.f32 v11, v2;
	v12 =	vadd.f32 v8, v0;
	v8 =	vld [tilespmem:s26+$0xFFFFFFF0];
	[tilespmem:s26+$0x60] =	vst v9  }
0x470: {  	[tilespmem:s26+$0xE0] =	vst v10;
	v9 =	vld [tilespmem:s26+$0x70]  }
0x471: {  	v10 =	vld [tilespmem:s26+$0xF0];
	[tilespmem:s26+$0x1E0] =	vst v11;
	v14 =	vadd.f32 v14, v1  }
0x472: {  	v11 =	vld [tilespmem:s26+$0x170];
	v13 =	vadd.f32 v15, v3;
	[tilespmem:s26+$0x160] =	vst v12  }
0x473: {  	s28 =	simm.s32 $0x0;
	s1 =	simm.s32 $0x8800;
	v12 =	vld [tilespmem:s26+$0xFFFFFE00];
	[tilespmem:s26+$0xFFFFFE70] =	vst v14;
	v14 =	vadd.f32 v63, v4  }
.LBB2_18:
0x474: {  	v15 =	vld [tilespmem:s1+$0x1F0];
	s28 =	sadd.s32 $0x8, s28;
	[tilespmem:s26+$0xFFFFFEF0] =	vst v13;
	v8 =	vadd.f32 v8, v5  }
0x475: {  	v13 =	vld [tilespmem:s1+$0xFFFFFE80];
	p0 =	slt.u32 s28, $0xF8;
	[tilespmem:s26+$0xFFFFFF70] =	vst v14;
	v9 =	vadd.f32 v9, v6  }
0x476: {  	v14 =	vld [tilespmem:s1+$0xFFFFFF00];
	[tilespmem:s26+$0xFFFFFFF0] =	vst v8;
	v8 =	vadd.f32 v10, v7  }
0x477: {  	v10 =	vld [tilespmem:s1+$0xFFFFFF80];
	[tilespmem:s26+$0x70] =	vst v9;
	v9 =	vadd.f32 v11, v0  }
0x478: {  	v11 =	vld [tilespmem:s1+$0x0];
	v12 =	vadd.f32 v12, v1;
	[tilespmem:s26+$0xF0] =	vst v8  }
0x479: {  	v8 =	vld [tilespmem:s1+$0x80];
	v15 =	vadd.f32 v15, v2;
	[tilespmem:s26+$0x170] =	vst v9  }
0x47a: {  	v9 =	vadd.f32 v13, v3;
	v13 =	vld [tilespmem:s1+$0x100];
	[tilespmem:s26+$0xFFFFFE00] =	vst v12;
	s26 =	smov.u32 s1  }
0x47b: {  	v12 =	vadd.f32 v14, v4;
	v14 =	vld [tilespmem:s1+$0x180];
	[tilespmem:s1+$0x1F0] =	vst v15  }
0x47c: {  	[tilespmem:s1+$0xFFFFFE80] =	vst v9;
	v9 =	vadd.f32 v10, v5;
	v10 =	vld [tilespmem:s1+$0xFFFFFE10]  }
0x47d: {  	[tilespmem:s1+$0xFFFFFF00] =	vst v12;
	v11 =	vadd.f32 v11, v6;
	v12 =	vld [tilespmem:s1+$0xFFFFFE90]  }
0x47e: {  	[tilespmem:s1+$0xFFFFFF80] =	vst v9;
	v8 =	vadd.f32 v8, v7;
	v9 =	vld [tilespmem:s1+$0xFFFFFF10]  }
0x47f: {  	[tilespmem:s1+$0x0] =	vst v11;
	v11 =	vadd.f32 v13, v0;
	v13 =	vld [tilespmem:s1+$0xFFFFFF90]  }
0x480: {  	[tilespmem:s1+$0x80] =	vst v8;
	v8 =	vadd.f32 v14, v2;
	v14 =	vld [tilespmem:s1+$0x10]  }
0x481: {  	[tilespmem:s1+$0x100] =	vst v11;
	v10 =	vadd.f32 v10, v1;
	v11 =	vld [tilespmem:s1+$0x90]  }
0x482: {  	[tilespmem:s1+$0x180] =	vst v8;
	v8 =	vadd.f32 v12, v3;
	v12 =	vld [tilespmem:s1+$0x110]  }
0x483: {  	[tilespmem:s1+$0xFFFFFE10] =	vst v10;
	v9 =	vadd.f32 v9, v4;
	v10 =	vld [tilespmem:s1+$0x190]  }
0x484: {  	[tilespmem:s1+$0xFFFFFE90] =	vst v8;
	v8 =	vadd.f32 v13, v5;
	v13 =	vld [tilespmem:s1+$0xFFFFFE20]  }
0x485: {  	[tilespmem:s1+$0xFFFFFF10] =	vst v9;
	v9 =	vadd.f32 v14, v6;
	v14 =	vld [tilespmem:s1+$0xFFFFFEA0]  }
0x486: {  	[tilespmem:s1+$0xFFFFFF90] =	vst v8;
	v8 =	vadd.f32 v11, v7;
	v11 =	vld [tilespmem:s1+$0xFFFFFF20]  }
0x487: {  	[tilespmem:s1+$0x10] =	vst v9;
	v9 =	vadd.f32 v12, v0;
	v12 =	vld [tilespmem:s1+$0xFFFFFFA0]  }
0x488: {  	[tilespmem:s1+$0x90] =	vst v8;
	v8 =	vadd.f32 v10, v2;
	v10 =	vld [tilespmem:s1+$0x20]  }
0x489: {  	[tilespmem:s1+$0x110] =	vst v9;
	v9 =	vadd.f32 v13, v1;
	v13 =	vld [tilespmem:s1+$0xA0]  }
0x48a: {  	[tilespmem:s1+$0x190] =	vst v8;
	v8 =	vadd.f32 v14, v3;
	v14 =	vld [tilespmem:s1+$0x120]  }
0x48b: {  	[tilespmem:s1+$0xFFFFFE20] =	vst v9;
	v9 =	vadd.f32 v11, v4;
	v11 =	vld [tilespmem:s1+$0x1A0]  }
0x48c: {  	[tilespmem:s1+$0xFFFFFEA0] =	vst v8;
	v8 =	vadd.f32 v12, v5;
	v12 =	vld [tilespmem:s1+$0xFFFFFE30]  }
0x48d: {  	[tilespmem:s1+$0xFFFFFF20] =	vst v9;
	v9 =	vadd.f32 v10, v6;
	v10 =	vld [tilespmem:s1+$0xFFFFFEB0]  }
0x48e: {  	[tilespmem:s1+$0xFFFFFFA0] =	vst v8;
	v8 =	vadd.f32 v13, v7;
	v13 =	vld [tilespmem:s1+$0xFFFFFF30]  }
0x48f: {  	[tilespmem:s1+$0x20] =	vst v9;
	v9 =	vadd.f32 v14, v0;
	v14 =	vld [tilespmem:s1+$0xFFFFFFB0]  }
0x490: {  	[tilespmem:s1+$0xA0] =	vst v8;
	v8 =	vadd.f32 v11, v2;
	v11 =	vld [tilespmem:s1+$0x30]  }
0x491: {  	[tilespmem:s1+$0x120] =	vst v9;
	v9 =	vadd.f32 v12, v1;
	v12 =	vld [tilespmem:s1+$0xB0]  }
0x492: {  	[tilespmem:s1+$0x1A0] =	vst v8;
	v8 =	vadd.f32 v10, v3;
	v10 =	vld [tilespmem:s1+$0x130]  }
0x493: {  	[tilespmem:s1+$0xFFFFFE30] =	vst v9;
	v9 =	vadd.f32 v13, v4;
	v13 =	vld [tilespmem:s1+$0x1B0]  }
0x494: {  	[tilespmem:s1+$0xFFFFFEB0] =	vst v8;
	v8 =	vadd.f32 v14, v5;
	v14 =	vld [tilespmem:s1+$0xFFFFFE40]  }
0x495: {  	[tilespmem:s1+$0xFFFFFF30] =	vst v9;
	v9 =	vadd.f32 v11, v6;
	v11 =	vld [tilespmem:s1+$0xFFFFFEC0]  }
0x496: {  	[tilespmem:s1+$0xFFFFFFB0] =	vst v8;
	v8 =	vadd.f32 v12, v7;
	v12 =	vld [tilespmem:s1+$0xFFFFFF40]  }
0x497: {  	[tilespmem:s1+$0x30] =	vst v9;
	v9 =	vadd.f32 v10, v0;
	v10 =	vld [tilespmem:s1+$0xFFFFFFC0]  }
0x498: {  	[tilespmem:s1+$0xB0] =	vst v8;
	v8 =	vadd.f32 v13, v2;
	v13 =	vld [tilespmem:s1+$0x40]  }
0x499: {  	[tilespmem:s1+$0x130] =	vst v9;
	v9 =	vadd.f32 v14, v1;
	v14 =	vld [tilespmem:s1+$0xC0]  }
0x49a: {  	[tilespmem:s1+$0x1B0] =	vst v8;
	v8 =	vadd.f32 v11, v3;
	v11 =	vld [tilespmem:s1+$0x140]  }
0x49b: {  	[tilespmem:s1+$0xFFFFFE40] =	vst v9;
	v9 =	vadd.f32 v12, v4;
	v12 =	vld [tilespmem:s1+$0x1C0]  }
0x49c: {  	[tilespmem:s1+$0xFFFFFEC0] =	vst v8;
	v8 =	vadd.f32 v10, v5;
	v10 =	vld [tilespmem:s1+$0xFFFFFE50]  }
0x49d: {  	[tilespmem:s1+$0xFFFFFF40] =	vst v9;
	v9 =	vadd.f32 v13, v6;
	v13 =	vld [tilespmem:s1+$0xFFFFFED0]  }
0x49e: {  	[tilespmem:s1+$0xFFFFFFC0] =	vst v8;
	v8 =	vadd.f32 v14, v7;
	v14 =	vld [tilespmem:s1+$0xFFFFFF50]  }
0x49f: {  	[tilespmem:s1+$0x40] =	vst v9;
	v9 =	vadd.f32 v11, v0;
	v11 =	vld [tilespmem:s1+$0xFFFFFFD0]  }
0x4a0: {  	[tilespmem:s1+$0xC0] =	vst v8;
	v8 =	vadd.f32 v12, v2;
	v12 =	vld [tilespmem:s1+$0x50]  }
0x4a1: {  	[tilespmem:s1+$0x140] =	vst v9;
	v9 =	vadd.f32 v10, v1;
	v10 =	vld [tilespmem:s1+$0xD0]  }
0x4a2: {  	[tilespmem:s1+$0x1C0] =	vst v8;
	v8 =	vadd.f32 v13, v3;
	v13 =	vld [tilespmem:s1+$0x150]  }
0x4a3: {  	[tilespmem:s1+$0xFFFFFE50] =	vst v9;
	v9 =	vadd.f32 v14, v4;
	v14 =	vld [tilespmem:s1+$0x1D0]  }
0x4a4: {  	[tilespmem:s1+$0xFFFFFED0] =	vst v8;
	v8 =	vadd.f32 v11, v5;
	v11 =	vld [tilespmem:s1+$0xFFFFFE60]  }
0x4a5: {  	[tilespmem:s1+$0xFFFFFF50] =	vst v9;
	v9 =	vadd.f32 v12, v6;
	v12 =	vld [tilespmem:s1+$0xFFFFFEE0]  }
0x4a6: {  	[tilespmem:s1+$0xFFFFFFD0] =	vst v8;
	v8 =	vadd.f32 v10, v7;
	v10 =	vld [tilespmem:s1+$0xFFFFFF60]  }
0x4a7: {  	[tilespmem:s1+$0x50] =	vst v9;
	v9 =	vadd.f32 v13, v0;
	v13 =	vld [tilespmem:s1+$0xFFFFFFE0]  }
0x4a8: {  	[tilespmem:s1+$0xD0] =	vst v8;
	v8 =	vadd.f32 v14, v2;
	v14 =	vld [tilespmem:s1+$0x60]  }
0x4a9: {  	[tilespmem:s1+$0x150] =	vst v9;
	v9 =	vadd.f32 v11, v1;
	v11 =	vld [tilespmem:s1+$0xE0]  }
0x4aa: {  	[tilespmem:s1+$0x1D0] =	vst v8;
	v8 =	vadd.f32 v12, v3;
	v12 =	vld [tilespmem:s1+$0x160]  }
0x4ab: {  	[tilespmem:s1+$0xFFFFFE60] =	vst v9;
	v9 =	vadd.f32 v10, v4;
	v10 =	vld [tilespmem:s1+$0x1E0]  }
0x4ac: {  	[tilespmem:s1+$0xFFFFFEE0] =	vst v8;
	v8 =	vadd.f32 v13, v5;
	v13 =	vld [tilespmem:s1+$0xFFFFFE70]  }
0x4ad: {  	[tilespmem:s1+$0xFFFFFF60] =	vst v9;
	v9 =	vadd.f32 v14, v6;
	v14 =	vld [tilespmem:s1+$0xFFFFFEF0]  }
0x4ae: {  	[tilespmem:s1+$0xFFFFFFE0] =	vst v8;
	v11 =	vadd.f32 v11, v7;
	v15 =	vld [tilespmem:s1+$0xFFFFFF70]  }
.Ltmp8:
0x4af: {  	[tilespmem:s1+$0x60] =	vst v9;
	v12 =	vadd.f32 v12, v0;
	v8 =	vld [tilespmem:s1+$0xFFFFFFF0];
	(pc) =	sbr.rel @p0 .LBB2_18-.Ltmp8, $4  }
0x4b0: {  	[tilespmem:s1+$0xE0] =	vst v11;
	v11 =	vadd.f32 v10, v2;
	v9 =	vld [tilespmem:s1+$0x70]  }
0x4b1: {  	[tilespmem:s1+$0x160] =	vst v12;
	v16 =	vadd.f32 v13, v1;
	v10 =	vld [tilespmem:s1+$0xF0]  }
0x4b2: {  	[tilespmem:s1+$0x1E0] =	vst v11;
	v13 =	vadd.f32 v14, v3;
	v11 =	vld [tilespmem:s1+$0x170]  }
0x4b3: {  	s1 =	sadd.s32 $0x400, s1;
	v12 =	vld [tilespmem:s26+$0xFFFFFE00];
	[tilespmem:s26+$0xFFFFFE70] =	vst v16;
	v14 =	vadd.f32 v15, v4  }
0x4b4: {  	[tilespmem:s26+$0xFFFFFEF0] =	vst v13;
	v2 =	vadd.f32 v8, v5  }
0x4b5: {  	[tilespmem:s26+$0xFFFFFF70] =	vst v14;
	v3 =	vadd.f32 v9, v6  }
0x4b6: {  	[tilespmem:s26+$0xFFFFFFF0] =	vst v2;
	v63 =	vadd.f32 v10, v7  }
0x4b7: {  	[tilespmem:s26+$0x70] =	vst v3;
	v0 =	vadd.f32 v11, v0  }
0x4b8: {  	v1 =	vadd.f32 v12, v1;
	[tilespmem:s26+$0xF0] =	vst v63  }
0x4b9: {  	[tilespmem:s26+$0x170] =	vst v0  }
0x4ba: {  	[tilespmem:s26+$0xFFFFFE00] =	vst v1  }
0x4bb: {  	s25 =	sadd.s32 $0x1, s25;
	_ =	swait.ge [sflag:s21], $0x8000  }
0x4bc: {  	p0 =	sne.s32 s25, s14;
	[sflag:s21] =	ssyncset.done $0x0  }
.Ltmp9:
0x4bd: {  	[sflag:s21] =	ssyncadd.s32 $0xFFFF8000;
	(pc) =	sbr.rel @p0 .LBB2_1-.Ltmp9, $4  }
0x4be: {  	[hbm4b:s13+s3] =	stream.linear.scatter [tilespmem:s17], [sflag:$0x5], $0x8000, $0x38;
	[tilespmem:$0x18200] =	vst v63  }
0x4bf: {  	_ =	swait.ge [sflag:s23], $0x8000  }
0x4c0: {  	[sflag:s23] =	ssyncset.done $0x0  }
0x4c1: {  	[sflag:s23] =	ssyncadd.s32 $0xFFFF8000  }
0x4c2: {  	_ =	sfence.sel $0x180000  }
0x4c3: {  	[bflag:$0x0] =	sbarrier.arrive $0xFFFF  }
0x4c4: {  	_ =	strace $0x90000047  }
0x4c5: {  	[bflag:$0x2] =	sbarrier.arrive $0xFFFF  }
0x4c6: {  	p0 =	sne.s32 s0, $0x0;
	s0 =	rddreg [dreg:$0x3]  }
0x4c7: {  	s0 =	sadd.s32 @!p0 $0x100000, s0  }
0x4c8: {  	[sflag:s0] =	ssyncadd.tile.s32 @!p0 $0x1;
	_ =	shalt  }
.Lfunc_end2:
_tile_overlayer_lowered:
.L_overlay_start_2:
0x4c9: {  	(tag) =	ssettag $0x2  }
0x4ca: {  	s0 =	rddreg [dreg:$0x0];
	s2 =	stileid.u32  }
0x4cb: {  	s1 =	rddreg [dreg:$0x1];
	p0 =	sne.s32 s2, $0x0  }
0x4cc: {  	s3 =	rddreg [dreg:$0x2];
	[bflag:$0x3] =	sbarrier.arrive $0xFFFF;
	s2 =	simm.s32 @!p0 $0x1C08  }
0x4cd: {  	[timem:s3], [sflag:s2] =	dma.local @!p0 [hbm:s0], s1  }
0x4ce: {  	s0 =	simm.s32 @!p0 $0x8  }
0x4cf: {  	_ =	swait.ge @!p0 [sflag:s0], s1  }
0x4d0: {  	s1 =	ssub.s32 @!p0 $0x0, s1;
	[sflag:s0] =	ssyncset.done @!p0 $0x0  }
0x4d1: {  	[sflag:s0] =	ssyncadd.s32 @!p0 s1  }
0x4d2: {  	[bflag:$0x3] =	sbarrier.arrive $0xFFFF  }
0x4d3: {  	_ =	shalt  }

</sc_bundles>
